<compile_context>
chip_gen: v7x
topology: tpu7x:2x2x1
jax: 0.10.2.dev20260603
libtpu: 0.0.44.dev20260713+nightly
codegen_flags: <defaults>
</compile_context>

<pallas_src>
import functools

import jax
import jax.numpy as jnp
from jax import lax
from jax.experimental import pallas as pl
from jax.experimental.pallas import tpu as pltpu
from jax.experimental.pallas import tpu_sc as plsc

NE = 8
D = 1024
DFF = 2048
T = 4096
TILE = 256
NT = T // TILE + NE

NC, NS = 2, 16
NW = NC * NS
ROWS_W = T // NW
CHUNK = 32
NCH = ROWS_W // CHUNK
PW = 128


def _router_body(x_ref, rw_ref, rb_ref, dest_ref, p16_ref, te_ref):
    x = x_ref[...]
    logits = lax.dot_general(
        x, rw_ref[...], (((1,), (1,)), ((), ())),
        preferred_element_type=jnp.float32) + rb_ref[...]
    m = jnp.max(logits, axis=1, keepdims=True)
    ex = jnp.exp(logits - m)
    scores = ex / jnp.sum(ex, axis=1, keepdims=True)
    pmax = jnp.max(scores, axis=1, keepdims=True)
    lane = lax.broadcasted_iota(jnp.int32, (T, NE), 1)
    idx = jnp.min(jnp.where(scores == pmax, lane, NE), axis=1, keepdims=True)
    onehot = lane == idx

    c = onehot.astype(jnp.int32)
    k = 1
    while k < T:
        c = c + jnp.concatenate(
            [jnp.zeros((k, NE), jnp.int32), c[: T - k]], axis=0)
        k *= 2
    counts = c[T - 1: T, :]
    pc = ((counts + TILE - 1) // TILE) * TILE

    r8 = lax.broadcasted_iota(jnp.int32, (NE, NE), 0)
    c8 = lax.broadcasted_iota(jnp.int32, (NE, NE), 1)
    pcb = jnp.broadcast_to(pc, (NE, NE))
    off = jnp.sum(jnp.where(c8 < r8, pcb, 0), axis=1, keepdims=True)
    offr = jnp.transpose(off)

    sel_off = jnp.sum(jnp.where(onehot, jnp.broadcast_to(offr, (T, NE)), 0),
                      axis=1, keepdims=True)
    sel_rank = jnp.sum(jnp.where(onehot, c, 0), axis=1, keepdims=True)
    dest_ref[...] = sel_off + sel_rank - 1

    p16_ref[...] = jnp.broadcast_to(pmax, (T, PW))

    offn = offr + pc
    lane8 = lax.broadcasted_iota(jnp.int32, (1, NE), 1)
    last_e = jnp.max(jnp.where(pc > 0, lane8, 0))
    used = jnp.sum(pc) // TILE
    bt = lax.broadcasted_iota(jnp.int32, (NT + 1, NE), 0) * TILE
    ge = (bt >= jnp.broadcast_to(offn, (NT + 1, NE))).astype(jnp.int32)
    te = jnp.minimum(jnp.sum(ge, axis=1, keepdims=True), last_e)
    rown = lax.broadcasted_iota(jnp.int32, (NT + 1, 1), 0)

    prev = jnp.concatenate([te[:1], te[:NT]], axis=0)
    chg = ((te != prev) & (rown > 0) & (rown < NT)).astype(jnp.int32)
    run = chg
    k = 1
    while k < NT + 1:
        run = run + jnp.concatenate(
            [jnp.zeros((k, 1), jnp.int32), run[: NT + 1 - k]], axis=0)
        k *= 2
    parity = run % 2
    first = jnp.where(rown == 0, 1, chg)
    teT = jnp.transpose(te)
    cand = jnp.broadcast_to(teT, (NT + 1, NT + 1))
    bigger = cand > te
    nxt = jnp.min(jnp.where(bigger, cand, NE), axis=1, keepdims=True)
    nxt = jnp.where(nxt >= NE, -1, nxt)

    te_row = jnp.where(rown == NT, used, te)
    meta = jnp.concatenate(
        [jnp.transpose(te_row), jnp.transpose(parity),
         jnp.transpose(first), jnp.transpose(nxt)], axis=0)
    te_ref[...] = meta


def _router(x_flat, router_W, router_b):
    return pl.pallas_call(
        _router_body,
        out_shape=(
            jax.ShapeDtypeStruct((T, 1), jnp.int32),
            jax.ShapeDtypeStruct((T, PW), jnp.float32),
            jax.ShapeDtypeStruct((4, NT + 1), jnp.int32),
        ),
    )(x_flat, router_W, router_b.reshape(1, NE))


def _dispatch(x_flat, p16, dest3):
    mesh = plsc.VectorSubcoreMesh(core_axis_name="c", subcore_axis_name="s")

    @functools.partial(
        pl.kernel,
        out_type=(
            jax.ShapeDtypeStruct((NT * TILE, D), jnp.float32),
            jax.ShapeDtypeStruct((NT * TILE, PW), jnp.float32),
        ),
        mesh=mesh,
        compiler_params=pltpu.CompilerParams(skip_device_barrier=True),
        scratch_types=[
            pltpu.VMEM((NCH, CHUNK), jnp.int32),
            pltpu.VMEM((2, CHUNK, D), jnp.float32),
            pltpu.VMEM((2, CHUNK, PW), jnp.float32),
            [pltpu.SemaphoreType.DMA] * 2,
            [pltpu.SemaphoreType.DMA] * 2,
            [pltpu.SemaphoreType.DMA] * 2,
            [pltpu.SemaphoreType.DMA] * 2,
        ],
    )
    def k2(x_hbm, p_hbm, dest_hbm, xs_hbm, ps_hbm, idx_v, xb, pb,
           slx, slp, ssx, ssp):
        wid = lax.axis_index("s") * NC + lax.axis_index("c")
        base = wid * ROWS_W
        pltpu.sync_copy(dest_hbm.at[wid], idx_v)

        def load(c, b):
            lx = pltpu.async_copy(
                x_hbm.at[pl.ds(base + c * CHUNK, CHUNK)], xb.at[b], slx[b])
            lp = pltpu.async_copy(
                p_hbm.at[pl.ds(base + c * CHUNK, CHUNK)], pb.at[b], slp[b])
            return lx, lp

        loads = [load(0, 0), load(1, 1)]
        scats = [None, None]
        for c in range(NCH):
            b = c % 2
            lx, lp = loads[b]
            lx.wait()
            sx = pltpu.async_copy(xb.at[b], xs_hbm.at[idx_v.at[c]], ssx[b])
            lp.wait()
            sp = pltpu.async_copy(pb.at[b], ps_hbm.at[idx_v.at[c]], ssp[b])
            if c + 2 < NCH:
                sx.wait()
                sp.wait()
                loads[b] = load(c + 2, b)
                scats[b] = None
            else:
                scats[b] = (sx, sp)
        for pair in scats:
            if pair is not None:
                pair[0].wait()
                pair[1].wait()

    return k2(x_flat, p16, dest3)


def _gmm_body(m_ref, xs_ref, b1_ref, b2_ref, ps_ref, w1_hbm, w2_hbm, ys_ref,
              w1v, w2v, s1, s2):
    t = pl.program_id(0)

    def issue(e, slot):
        pltpu.make_async_copy(w1_hbm.at[e], w1v.at[slot], s1[slot]).start()
        pltpu.make_async_copy(w2_hbm.at[e], w2v.at[slot], s2[slot]).start()

    @pl.when(t == 0)
    def _():
        issue(m_ref[0, 0], 0)

    par = m_ref[1, t]

    @pl.when(m_ref[2, t] == 1)
    def _():
        @pl.when(par == 0)
        def _():
            pltpu.make_async_copy(w1_hbm.at[0], w1v.at[0], s1[0]).wait()
            pltpu.make_async_copy(w2_hbm.at[0], w2v.at[0], s2[0]).wait()

        @pl.when(par == 1)
        def _():
            pltpu.make_async_copy(w1_hbm.at[0], w1v.at[1], s1[1]).wait()
            pltpu.make_async_copy(w2_hbm.at[0], w2v.at[1], s2[1]).wait()

        nxt = m_ref[3, t]

        @pl.when((nxt >= 0) & (par == 0))
        def _():
            issue(nxt, 1)

        @pl.when((nxt >= 0) & (par == 1))
        def _():
            issue(nxt, 0)

    def compute(slot):
        x = xs_ref[...]
        h = lax.dot_general(x, w1v[slot], (((1,), (1,)), ((), ())),
                            preferred_element_type=jnp.float32)
        h = jnp.maximum(h + b1_ref[0], 0.0)
        o = lax.dot_general(h, w2v[slot], (((1,), (1,)), ((), ())),
                            preferred_element_type=jnp.float32)
        ys_ref[...] = (o + b2_ref[0]) * ps_ref[:, 0:1]

    live = t < m_ref[0, NT]

    @pl.when(live & (par == 0))
    def _():
        compute(0)

    @pl.when(live & (par == 1))
    def _():
        compute(1)


def _gmm(meta, xs, W1, b1, W2, b2, ps):
    grid_spec = pltpu.PrefetchScalarGridSpec(
        num_scalar_prefetch=1,
        grid=(NT,),
        in_specs=[
            pl.BlockSpec(
                (TILE, D),
                lambda t, m: (jnp.where(t < m[0, NT], t, NT - 1), 0)),
            pl.BlockSpec((1, 1, DFF), lambda t, m: (m[0, t], 0, 0)),
            pl.BlockSpec((1, 1, D), lambda t, m: (m[0, t], 0, 0)),
            pl.BlockSpec(
                (TILE, PW),
                lambda t, m: (jnp.where(t < m[0, NT], t, NT - 1), 0)),
            pl.BlockSpec(memory_space=pl.ANY),
            pl.BlockSpec(memory_space=pl.ANY),
        ],
        out_specs=pl.BlockSpec(
            (TILE, D), lambda t, m: (jnp.where(t < m[0, NT], t, NT - 1), 0)),
        scratch_shapes=[
            pltpu.VMEM((2, DFF, D), jnp.float32),
            pltpu.VMEM((2, D, DFF), jnp.float32),
            [pltpu.SemaphoreType.DMA] * 2,
            [pltpu.SemaphoreType.DMA] * 2,
        ],
    )
    return pl.pallas_call(
        _gmm_body,
        grid_spec=grid_spec,
        compiler_params=pltpu.CompilerParams(
            vmem_limit_bytes=110 * 1024 * 1024),
        out_shape=jax.ShapeDtypeStruct((NT * TILE, D), jnp.float32),
    )(meta, xs, b1.reshape(NE, 1, DFF), b2.reshape(NE, 1, D), ps, W1, W2)


def _combine(ys, dest3):
    mesh = plsc.VectorSubcoreMesh(core_axis_name="c", subcore_axis_name="s")

    @functools.partial(
        pl.kernel,
        out_type=jax.ShapeDtypeStruct((T, D), jnp.float32),
        mesh=mesh,
        compiler_params=pltpu.CompilerParams(skip_device_barrier=True),
        scratch_types=[
            pltpu.VMEM((NCH, CHUNK), jnp.int32),
            pltpu.VMEM((2, CHUNK, D), jnp.float32),
            [pltpu.SemaphoreType.DMA] * 2,
            [pltpu.SemaphoreType.DMA] * 2,
        ],
    )
    def k4(ys_hbm, dest_hbm, out_hbm, idx_v, xb, sg, ss):
        wid = lax.axis_index("s") * NC + lax.axis_index("c")
        base = wid * ROWS_W
        pltpu.sync_copy(dest_hbm.at[wid], idx_v)

        def gather(c, b):
            return pltpu.async_copy(ys_hbm.at[idx_v.at[c]], xb.at[b], sg[b])

        gats = [gather(0, 0), gather(1, 1)]
        stores = [None, None]
        for c in range(NCH):
            b = c % 2
            gats[b].wait()
            st = pltpu.async_copy(
                xb.at[b], out_hbm.at[pl.ds(base + c * CHUNK, CHUNK)], ss[b])
            if c + 2 < NCH:
                st.wait()
                gats[b] = gather(c + 2, b)
                stores[b] = None
            else:
                stores[b] = st
        for st in stores:
            if st is not None:
                st.wait()

    return k4(ys, dest3)


def kernel(x, router_W, router_b, W1, b1, W2, b2):
    orig_shape = x.shape
    x_flat = x.reshape(T, D)
    dest, p16, te = _router(x_flat, router_W, router_b)
    dest3 = dest.reshape(NW, NCH, CHUNK)
    xs, ps = _dispatch(x_flat, p16, dest3)
    ys = _gmm(te, xs, W1, b1, W2, b2, ps)
    out = _combine(ys, dest3)
    return out.reshape(orig_shape)

# --- scband reference (transcript-rebuilt; emitter-appended) ---
"""Pipeline reference for scband-switch-ffnsimplified-44135083934212 (READ-ONLY COPY).

The authoritative reference and input builder live on the scoring server;
editing this copy changes nothing except your own understanding.
"""

import jax, jax.numpy as jnp
import numpy as np

N_EXPERTS = 8
D_MODEL = 1024
D_FF = 2 * D_MODEL  # Expert(d_model, 2): Linear(d, 2d) -> ReLU -> Linear(2d, d)
B, S = 2, 2048


def _uniform(key, shape, fan_in):
    bound = 1.0 / np.sqrt(fan_in)
    return jax.random.uniform(key, shape, minval=-bound, maxval=bound, dtype=jnp.float32)


def setup_inputs(seed: int = 0) -> dict:
    key = jax.random.key(seed)
    ks = jax.random.split(key, 8)
    x = jax.random.normal(ks[0], (B, S, D_MODEL), dtype=jnp.float32)
    router_W = _uniform(ks[1], (N_EXPERTS, D_MODEL), D_MODEL)
    router_b = _uniform(ks[2], (N_EXPERTS,), D_MODEL)
    W1 = _uniform(ks[3], (N_EXPERTS, D_FF, D_MODEL), D_MODEL)
    b1 = _uniform(ks[4], (N_EXPERTS, D_FF), D_MODEL)
    W2 = _uniform(ks[5], (N_EXPERTS, D_MODEL, D_FF), D_FF)
    b2 = _uniform(ks[6], (N_EXPERTS, D_MODEL), D_FF)
    return {"x": x, "router_W": router_W, "router_b": router_b, "W1": W1, "b1": b1, "W2": W2, "b2": b2}


def reference(x, router_W, router_b, W1, b1, W2, b2):
    n_experts = W1.shape[0]
    d_model = x.shape[-1]
    logits = jnp.einsum('bsd,ed->bse', x, router_W) + router_b
    expert_scores = jax.nn.softmax(logits, axis=2)
    expert_probs = jnp.max(expert_scores, axis=2)
    expert_idx = jnp.argmax(expert_scores, axis=2)
    x_flat = x.reshape(-1, d_model)
    idx_flat = expert_idx.reshape(-1)
    out = jnp.zeros_like(x_flat)
    for e in range(n_experts):
        mask = idx_flat == e
        h = jnp.maximum(x_flat @ W1[e].T + b1[e], 0.0)
        expert_out = h @ W2[e].T + b2[e]
        out = jnp.where(mask[:, None], expert_out, out)
    out = out.reshape(x.shape)
    # is_scale_prob=True branch
    out = out * expert_probs[..., None]
    return out

if __name__ == "__main__":
    import jax
    _d = setup_inputs()
    print(jax.jit(kernel)(*tuple(_d.values())))

</pallas_src>

<mosaic_0001>
#map = affine_map<(d0, d1) -> (0, 0)>
#map1 = affine_map<(d0, d1) -> (0, 0, 0)>
module attributes {stable_mosaic.version = 14 : i64} {
  func.func @k4(%arg0: i32, %arg1: i32, %arg2: memref<6144x1024xf32, #tpu.memory_space<hbm>>, %arg3: memref<32x4x32xi32, #tpu.memory_space<hbm>>, %arg4: memref<4096x1024xf32, #tpu.memory_space<hbm>>, %arg5: memref<4x32xi32, #tpu.memory_space<vmem>>, %arg6: memref<2x32x1024xf32, #tpu.memory_space<vmem>>, %arg7: memref<!tpu.dma_semaphore, #tpu.memory_space<semaphore_mem>>, %arg8: memref<!tpu.dma_semaphore, #tpu.memory_space<semaphore_mem>>, %arg9: memref<!tpu.dma_semaphore, #tpu.memory_space<semaphore_mem>>, %arg10: memref<!tpu.dma_semaphore, #tpu.memory_space<semaphore_mem>>) attributes {dimension_semantics = [#tpu.dimension_semantics<core_parallel>, #tpu.dimension_semantics<subcore_parallel>], iteration_bounds = array<i64: 2, 16>, scalar_prefetch = 0 : i64, scratch_operands = 6 : i64, tpu.core_type = #tpu.core_type<sc_vector_subcore>, window_params = [{transform_indices = #map}, {transform_indices = #map1}, {transform_indices = #map}]} {
    %mul3A = arith.constant 2 : i32
    %mul3A_0 = arith.muli %arg1, %mul3A : i32
    %add3A = arith.addi %mul3A_0, %arg0 : i32
    %mul3A_1 = arith.constant 128 : i32
    %mul3A_2 = arith.muli %add3A, %mul3A_1 : i32
    "tpu.region"() ({
      %run_scoped3A = tpu.sem_alloc : memref<!tpu.dma_semaphore, #tpu.memory_space<semaphore_mem>>
      %dma_start3A_209 = arith.constant 0 : i32
      %dma_start3A_210 = arith.constant 0 : i32
      %dma_start3A_211 = tpu.memref_slice %arg3[%add3A, %dma_start3A_209, %dma_start3A_210] : memref<32x4x32xi32, #tpu.memory_space<hbm>> -> memref<1x4x32xi32, #tpu.memory_space<hbm>>
      %dma_start3A_212 = tpu.memref_squeeze %dma_start3A_211 : memref<1x4x32xi32, #tpu.memory_space<hbm>> -> memref<4x32xi32, #tpu.memory_space<hbm>>
      %dma_start3A_213 = arith.constant 0 : i32
      %dma_start3A_214 = arith.constant 0 : i32
      %dma_start3A_215 = tpu.memref_slice %arg3[%add3A, %dma_start3A_213, %dma_start3A_214] : memref<32x4x32xi32, #tpu.memory_space<hbm>> -> memref<1x4x32xi32, #tpu.memory_space<hbm>>
      %dma_start3A_216 = tpu.memref_squeeze %dma_start3A_215 : memref<1x4x32xi32, #tpu.memory_space<hbm>> -> memref<4x32xi32, #tpu.memory_space<hbm>>
      tpu.enqueue_dma source(%dma_start3A_216 : memref<4x32xi32, #tpu.memory_space<hbm>>) target(%arg5 : memref<4x32xi32, #tpu.memory_space<vmem>>) target_semaphore(%run_scoped3A : memref<!tpu.dma_semaphore, #tpu.memory_space<semaphore_mem>>)
      %dma_wait3A_217 = arith.constant 0 : i32
      %dma_wait3A_218 = arith.constant 0 : i32
      %dma_wait3A_219 = tpu.memref_slice %arg3[%add3A, %dma_wait3A_217, %dma_wait3A_218] : memref<32x4x32xi32, #tpu.memory_space<hbm>> -> memref<1x4x32xi32, #tpu.memory_space<hbm>>
      %dma_wait3A_220 = tpu.memref_squeeze %dma_wait3A_219 : memref<1x4x32xi32, #tpu.memory_space<hbm>> -> memref<4x32xi32, #tpu.memory_space<hbm>>
      %dma_wait3A_221 = arith.constant 0 : i32
      %dma_wait3A_222 = arith.constant 0 : i32
      %dma_wait3A_223 = tpu.memref_slice %arg3[%add3A, %dma_wait3A_221, %dma_wait3A_222] : memref<32x4x32xi32, #tpu.memory_space<hbm>> -> memref<1x4x32xi32, #tpu.memory_space<hbm>>
      %dma_wait3A_224 = tpu.memref_squeeze %dma_wait3A_223 : memref<1x4x32xi32, #tpu.memory_space<hbm>> -> memref<4x32xi32, #tpu.memory_space<hbm>>
      tpu.wait_dma2 semaphore(%run_scoped3A : memref<!tpu.dma_semaphore, #tpu.memory_space<semaphore_mem>>) src(%dma_wait3A_224 : memref<4x32xi32, #tpu.memory_space<hbm>>) dst(%arg5 : memref<4x32xi32, #tpu.memory_space<vmem>>)
      tpu.yield
    }) : () -> ()
    %dma_start3A = arith.constant 0 : i32
    %dma_start3A_3 = arith.constant 0 : i32
    %dma_start3A_4 = arith.constant 0 : i32
    %dma_start3A_5 = arith.constant 0 : i32
    %dma_start3A_6 = tpu.memref_slice %arg6[%dma_start3A_3, %dma_start3A_4, %dma_start3A_5] : memref<2x32x1024xf32, #tpu.memory_space<vmem>> -> memref<1x32x1024xf32, #tpu.memory_space<vmem>>
    %dma_start3A_7 = tpu.memref_squeeze %dma_start3A_6 : memref<1x32x1024xf32, #tpu.memory_space<vmem>> -> memref<32x1024xf32, #tpu.memory_space<vmem>>
    %dma_start3A_8 = arith.constant 0 : i32
    %dma_start3A_9 = tpu.memref_slice %arg5[%dma_start3A, %dma_start3A_8] : memref<4x32xi32, #tpu.memory_space<vmem>> -> memref<1x32xi32, #tpu.memory_space<vmem>>
    %dma_start3A_10 = tpu.memref_squeeze %dma_start3A_9 : memref<1x32xi32, #tpu.memory_space<vmem>> -> memref<32xi32, #tpu.memory_space<vmem>>
    %dma_start3A_11 = arith.constant 0 : i32
    %dma_start3A_12 = arith.constant 0 : i32
    %dma_start3A_13 = tpu.memref_slice %arg2[%dma_start3A_11, %dma_start3A_12] : memref<6144x1024xf32, #tpu.memory_space<hbm>> -> memref<6144x1024xf32, #tpu.memory_space<hbm>>
    tpu.enqueue_indirect_dma source(%dma_start3A_13 : memref<6144x1024xf32, #tpu.memory_space<hbm>>) target(%dma_start3A_7 : memref<32x1024xf32, #tpu.memory_space<vmem>>) offsets(%dma_start3A_10 : memref<32xi32, #tpu.memory_space<vmem>>) semaphore(%arg7 : memref<!tpu.dma_semaphore, #tpu.memory_space<semaphore_mem>>)
    %dma_start3A_14 = arith.constant 1 : i32
    %dma_start3A_15 = arith.constant 1 : i32
    %dma_start3A_16 = arith.constant 0 : i32
    %dma_start3A_17 = arith.constant 0 : i32
    %dma_start3A_18 = tpu.memref_slice %arg6[%dma_start3A_15, %dma_start3A_16, %dma_start3A_17] : memref<2x32x1024xf32, #tpu.memory_space<vmem>> -> memref<1x32x1024xf32, #tpu.memory_space<vmem>>
    %dma_start3A_19 = tpu.memref_squeeze %dma_start3A_18 : memref<1x32x1024xf32, #tpu.memory_space<vmem>> -> memref<32x1024xf32, #tpu.memory_space<vmem>>
    %dma_start3A_20 = arith.constant 0 : i32
    %dma_start3A_21 = tpu.memref_slice %arg5[%dma_start3A_14, %dma_start3A_20] : memref<4x32xi32, #tpu.memory_space<vmem>> -> memref<1x32xi32, #tpu.memory_space<vmem>>
    %dma_start3A_22 = tpu.memref_squeeze %dma_start3A_21 : memref<1x32xi32, #tpu.memory_space<vmem>> -> memref<32xi32, #tpu.memory_space<vmem>>
    %dma_start3A_23 = arith.constant 0 : i32
    %dma_start3A_24 = arith.constant 0 : i32
    %dma_start3A_25 = tpu.memref_slice %arg2[%dma_start3A_23, %dma_start3A_24] : memref<6144x1024xf32, #tpu.memory_space<hbm>> -> memref<6144x1024xf32, #tpu.memory_space<hbm>>
    tpu.enqueue_indirect_dma source(%dma_start3A_25 : memref<6144x1024xf32, #tpu.memory_space<hbm>>) target(%dma_start3A_19 : memref<32x1024xf32, #tpu.memory_space<vmem>>) offsets(%dma_start3A_22 : memref<32xi32, #tpu.memory_space<vmem>>) semaphore(%arg8 : memref<!tpu.dma_semaphore, #tpu.memory_space<semaphore_mem>>)
    %dma_wait3A = arith.constant 0 : i32
    %dma_wait3A_26 = arith.constant 0 : i32
    %dma_wait3A_27 = arith.constant 0 : i32
    %dma_wait3A_28 = arith.constant 0 : i32
    %dma_wait3A_29 = tpu.memref_slice %arg6[%dma_wait3A_26, %dma_wait3A_27, %dma_wait3A_28] : memref<2x32x1024xf32, #tpu.memory_space<vmem>> -> memref<1x32x1024xf32, #tpu.memory_space<vmem>>
    %dma_wait3A_30 = tpu.memref_squeeze %dma_wait3A_29 : memref<1x32x1024xf32, #tpu.memory_space<vmem>> -> memref<32x1024xf32, #tpu.memory_space<vmem>>
    %dma_wait3A_31 = arith.constant 0 : i32
    %dma_wait3A_32 = tpu.memref_slice %arg5[%dma_wait3A, %dma_wait3A_31] : memref<4x32xi32, #tpu.memory_space<vmem>> -> memref<1x32xi32, #tpu.memory_space<vmem>>
    %dma_wait3A_33 = tpu.memref_squeeze %dma_wait3A_32 : memref<1x32xi32, #tpu.memory_space<vmem>> -> memref<32xi32, #tpu.memory_space<vmem>>
    %dma_wait3A_34 = arith.constant 0 : i32
    %dma_wait3A_35 = arith.constant 0 : i32
    %dma_wait3A_36 = tpu.memref_slice %arg2[%dma_wait3A_34, %dma_wait3A_35] : memref<6144x1024xf32, #tpu.memory_space<hbm>> -> memref<6144x1024xf32, #tpu.memory_space<hbm>>
    tpu.wait_indirect_dma semaphore(%arg7 : memref<!tpu.dma_semaphore, #tpu.memory_space<semaphore_mem>>) src(%dma_wait3A_36 : memref<6144x1024xf32, #tpu.memory_space<hbm>>) dst(%dma_wait3A_30 : memref<32x1024xf32, #tpu.memory_space<vmem>>)
    %add3A_37 = arith.constant 0 : i32
    %add3A_38 = arith.addi %mul3A_2, %add3A_37 : i32
    %dma_start3A_39 = arith.constant 0 : i32
    %dma_start3A_40 = arith.constant 0 : i32
    %dma_start3A_41 = arith.constant 0 : i32
    %dma_start3A_42 = tpu.memref_slice %arg6[%dma_start3A_39, %dma_start3A_40, %dma_start3A_41] : memref<2x32x1024xf32, #tpu.memory_space<vmem>> -> memref<1x32x1024xf32, #tpu.memory_space<vmem>>
    %dma_start3A_43 = tpu.memref_squeeze %dma_start3A_42 : memref<1x32x1024xf32, #tpu.memory_space<vmem>> -> memref<32x1024xf32, #tpu.memory_space<vmem>>
    %dma_start3A_44 = arith.constant 0 : i32
    %dma_start3A_45 = tpu.memref_slice %arg4[%add3A_38, %dma_start3A_44] : memref<4096x1024xf32, #tpu.memory_space<hbm>> -> memref<32x1024xf32, #tpu.memory_space<hbm>>
    %dma_start3A_46 = arith.constant 0 : i32
    %dma_start3A_47 = tpu.memref_slice %arg4[%add3A_38, %dma_start3A_46] : memref<4096x1024xf32, #tpu.memory_space<hbm>> -> memref<32x1024xf32, #tpu.memory_space<hbm>>
    %dma_start3A_48 = arith.constant 0 : i32
    %dma_start3A_49 = arith.constant 0 : i32
    %dma_start3A_50 = tpu.memref_slice %arg6[%dma_start3A_39, %dma_start3A_48, %dma_start3A_49] : memref<2x32x1024xf32, #tpu.memory_space<vmem>> -> memref<1x32x1024xf32, #tpu.memory_space<vmem>>
    %dma_start3A_51 = tpu.memref_squeeze %dma_start3A_50 : memref<1x32x1024xf32, #tpu.memory_space<vmem>> -> memref<32x1024xf32, #tpu.memory_space<vmem>>
    tpu.enqueue_dma source(%dma_start3A_51 : memref<32x1024xf32, #tpu.memory_space<vmem>>) target(%dma_start3A_47 : memref<32x1024xf32, #tpu.memory_space<hbm>>) target_semaphore(%arg9 : memref<!tpu.dma_semaphore, #tpu.memory_space<semaphore_mem>>)
    %dma_wait3A_52 = arith.constant 0 : i32
    %dma_wait3A_53 = arith.constant 0 : i32
    %dma_wait3A_54 = arith.constant 0 : i32
    %dma_wait3A_55 = tpu.memref_slice %arg6[%dma_wait3A_52, %dma_wait3A_53, %dma_wait3A_54] : memref<2x32x1024xf32, #tpu.memory_space<vmem>> -> memref<1x32x1024xf32, #tpu.memory_space<vmem>>
    %dma_wait3A_56 = tpu.memref_squeeze %dma_wait3A_55 : memref<1x32x1024xf32, #tpu.memory_space<vmem>> -> memref<32x1024xf32, #tpu.memory_space<vmem>>
    %dma_wait3A_57 = arith.constant 0 : i32
    %dma_wait3A_58 = tpu.memref_slice %arg4[%add3A_38, %dma_wait3A_57] : memref<4096x1024xf32, #tpu.memory_space<hbm>> -> memref<32x1024xf32, #tpu.memory_space<hbm>>
    %dma_wait3A_59 = arith.constant 0 : i32
    %dma_wait3A_60 = tpu.memref_slice %arg4[%add3A_38, %dma_wait3A_59] : memref<4096x1024xf32, #tpu.memory_space<hbm>> -> memref<32x1024xf32, #tpu.memory_space<hbm>>
    %dma_wait3A_61 = arith.constant 0 : i32
    %dma_wait3A_62 = arith.constant 0 : i32
    %dma_wait3A_63 = tpu.memref_slice %arg6[%dma_wait3A_52, %dma_wait3A_61, %dma_wait3A_62] : memref<2x32x1024xf32, #tpu.memory_space<vmem>> -> memref<1x32x1024xf32, #tpu.memory_space<vmem>>
    %dma_wait3A_64 = tpu.memref_squeeze %dma_wait3A_63 : memref<1x32x1024xf32, #tpu.memory_space<vmem>> -> memref<32x1024xf32, #tpu.memory_space<vmem>>
    tpu.wait_dma2 semaphore(%arg9 : memref<!tpu.dma_semaphore, #tpu.memory_space<semaphore_mem>>) src(%dma_wait3A_64 : memref<32x1024xf32, #tpu.memory_space<vmem>>) dst(%dma_wait3A_60 : memref<32x1024xf32, #tpu.memory_space<hbm>>)
    %dma_start3A_65 = arith.constant 2 : i32
    %dma_start3A_66 = arith.constant 0 : i32
    %dma_start3A_67 = arith.constant 0 : i32
    %dma_start3A_68 = arith.constant 0 : i32
    %dma_start3A_69 = tpu.memref_slice %arg6[%dma_start3A_66, %dma_start3A_67, %dma_start3A_68] : memref<2x32x1024xf32, #tpu.memory_space<vmem>> -> memref<1x32x1024xf32, #tpu.memory_space<vmem>>
    %dma_start3A_70 = tpu.memref_squeeze %dma_start3A_69 : memref<1x32x1024xf32, #tpu.memory_space<vmem>> -> memref<32x1024xf32, #tpu.memory_space<vmem>>
    %dma_start3A_71 = arith.constant 0 : i32
    %dma_start3A_72 = tpu.memref_slice %arg5[%dma_start3A_65, %dma_start3A_71] : memref<4x32xi32, #tpu.memory_space<vmem>> -> memref<1x32xi32, #tpu.memory_space<vmem>>
    %dma_start3A_73 = tpu.memref_squeeze %dma_start3A_72 : memref<1x32xi32, #tpu.memory_space<vmem>> -> memref<32xi32, #tpu.memory_space<vmem>>
    %dma_start3A_74 = arith.constant 0 : i32
    %dma_start3A_75 = arith.constant 0 : i32
    %dma_start3A_76 = tpu.memref_slice %arg2[%dma_start3A_74, %dma_start3A_75] : memref<6144x1024xf32, #tpu.memory_space<hbm>> -> memref<6144x1024xf32, #tpu.memory_space<hbm>>
    tpu.enqueue_indirect_dma source(%dma_start3A_76 : memref<6144x1024xf32, #tpu.memory_space<hbm>>) target(%dma_start3A_70 : memref<32x1024xf32, #tpu.memory_space<vmem>>) offsets(%dma_start3A_73 : memref<32xi32, #tpu.memory_space<vmem>>) semaphore(%arg7 : memref<!tpu.dma_semaphore, #tpu.memory_space<semaphore_mem>>)
    %dma_wait3A_77 = arith.constant 1 : i32
    %dma_wait3A_78 = arith.constant 1 : i32
    %dma_wait3A_79 = arith.constant 0 : i32
    %dma_wait3A_80 = arith.constant 0 : i32
    %dma_wait3A_81 = tpu.memref_slice %arg6[%dma_wait3A_78, %dma_wait3A_79, %dma_wait3A_80] : memref<2x32x1024xf32, #tpu.memory_space<vmem>> -> memref<1x32x1024xf32, #tpu.memory_space<vmem>>
    %dma_wait3A_82 = tpu.memref_squeeze %dma_wait3A_81 : memref<1x32x1024xf32, #tpu.memory_space<vmem>> -> memref<32x1024xf32, #tpu.memory_space<vmem>>
    %dma_wait3A_83 = arith.constant 0 : i32
    %dma_wait3A_84 = tpu.memref_slice %arg5[%dma_wait3A_77, %dma_wait3A_83] : memref<4x32xi32, #tpu.memory_space<vmem>> -> memref<1x32xi32, #tpu.memory_space<vmem>>
    %dma_wait3A_85 = tpu.memref_squeeze %dma_wait3A_84 : memref<1x32xi32, #tpu.memory_space<vmem>> -> memref<32xi32, #tpu.memory_space<vmem>>
    %dma_wait3A_86 = arith.constant 0 : i32
    %dma_wait3A_87 = arith.constant 0 : i32
    %dma_wait3A_88 = tpu.memref_slice %arg2[%dma_wait3A_86, %dma_wait3A_87] : memref<6144x1024xf32, #tpu.memory_space<hbm>> -> memref<6144x1024xf32, #tpu.memory_space<hbm>>
    tpu.wait_indirect_dma semaphore(%arg8 : memref<!tpu.dma_semaphore, #tpu.memory_space<semaphore_mem>>) src(%dma_wait3A_88 : memref<6144x1024xf32, #tpu.memory_space<hbm>>) dst(%dma_wait3A_82 : memref<32x1024xf32, #tpu.memory_space<vmem>>)
    %add3A_89 = arith.constant 32 : i32
    %add3A_90 = arith.addi %mul3A_2, %add3A_89 : i32
    %dma_start3A_91 = arith.constant 1 : i32
    %dma_start3A_92 = arith.constant 0 : i32
    %dma_start3A_93 = arith.constant 0 : i32
    %dma_start3A_94 = tpu.memref_slice %arg6[%dma_start3A_91, %dma_start3A_92, %dma_start3A_93] : memref<2x32x1024xf32, #tpu.memory_space<vmem>> -> memref<1x32x1024xf32, #tpu.memory_space<vmem>>
    %dma_start3A_95 = tpu.memref_squeeze %dma_start3A_94 : memref<1x32x1024xf32, #tpu.memory_space<vmem>> -> memref<32x1024xf32, #tpu.memory_space<vmem>>
    %dma_start3A_96 = arith.constant 0 : i32
    %dma_start3A_97 = tpu.memref_slice %arg4[%add3A_90, %dma_start3A_96] : memref<4096x1024xf32, #tpu.memory_space<hbm>> -> memref<32x1024xf32, #tpu.memory_space<hbm>>
    %dma_start3A_98 = arith.constant 0 : i32
    %dma_start3A_99 = tpu.memref_slice %arg4[%add3A_90, %dma_start3A_98] : memref<4096x1024xf32, #tpu.memory_space<hbm>> -> memref<32x1024xf32, #tpu.memory_space<hbm>>
    %dma_start3A_100 = arith.constant 0 : i32
    %dma_start3A_101 = arith.constant 0 : i32
    %dma_start3A_102 = tpu.memref_slice %arg6[%dma_start3A_91, %dma_start3A_100, %dma_start3A_101] : memref<2x32x1024xf32, #tpu.memory_space<vmem>> -> memref<1x32x1024xf32, #tpu.memory_space<vmem>>
    %dma_start3A_103 = tpu.memref_squeeze %dma_start3A_102 : memref<1x32x1024xf32, #tpu.memory_space<vmem>> -> memref<32x1024xf32, #tpu.memory_space<vmem>>
    tpu.enqueue_dma source(%dma_start3A_103 : memref<32x1024xf32, #tpu.memory_space<vmem>>) target(%dma_start3A_99 : memref<32x1024xf32, #tpu.memory_space<hbm>>) target_semaphore(%arg10 : memref<!tpu.dma_semaphore, #tpu.memory_space<semaphore_mem>>)
    %dma_wait3A_104 = arith.constant 1 : i32
    %dma_wait3A_105 = arith.constant 0 : i32
    %dma_wait3A_106 = arith.constant 0 : i32
    %dma_wait3A_107 = tpu.memref_slice %arg6[%dma_wait3A_104, %dma_wait3A_105, %dma_wait3A_106] : memref<2x32x1024xf32, #tpu.memory_space<vmem>> -> memref<1x32x1024xf32, #tpu.memory_space<vmem>>
    %dma_wait3A_108 = tpu.memref_squeeze %dma_wait3A_107 : memref<1x32x1024xf32, #tpu.memory_space<vmem>> -> memref<32x1024xf32, #tpu.memory_space<vmem>>
    %dma_wait3A_109 = arith.constant 0 : i32
    %dma_wait3A_110 = tpu.memref_slice %arg4[%add3A_90, %dma_wait3A_109] : memref<4096x1024xf32, #tpu.memory_space<hbm>> -> memref<32x1024xf32, #tpu.memory_space<hbm>>
    %dma_wait3A_111 = arith.constant 0 : i32
    %dma_wait3A_112 = tpu.memref_slice %arg4[%add3A_90, %dma_wait3A_111] : memref<4096x1024xf32, #tpu.memory_space<hbm>> -> memref<32x1024xf32, #tpu.memory_space<hbm>>
    %dma_wait3A_113 = arith.constant 0 : i32
    %dma_wait3A_114 = arith.constant 0 : i32
    %dma_wait3A_115 = tpu.memref_slice %arg6[%dma_wait3A_104, %dma_wait3A_113, %dma_wait3A_114] : memref<2x32x1024xf32, #tpu.memory_space<vmem>> -> memref<1x32x1024xf32, #tpu.memory_space<vmem>>
    %dma_wait3A_116 = tpu.memref_squeeze %dma_wait3A_115 : memref<1x32x1024xf32, #tpu.memory_space<vmem>> -> memref<32x1024xf32, #tpu.memory_space<vmem>>
    tpu.wait_dma2 semaphore(%arg10 : memref<!tpu.dma_semaphore, #tpu.memory_space<semaphore_mem>>) src(%dma_wait3A_116 : memref<32x1024xf32, #tpu.memory_space<vmem>>) dst(%dma_wait3A_112 : memref<32x1024xf32, #tpu.memory_space<hbm>>)
    %dma_start3A_117 = arith.constant 3 : i32
    %dma_start3A_118 = arith.constant 1 : i32
    %dma_start3A_119 = arith.constant 0 : i32
    %dma_start3A_120 = arith.constant 0 : i32
    %dma_start3A_121 = tpu.memref_slice %arg6[%dma_start3A_118, %dma_start3A_119, %dma_start3A_120] : memref<2x32x1024xf32, #tpu.memory_space<vmem>> -> memref<1x32x1024xf32, #tpu.memory_space<vmem>>
    %dma_start3A_122 = tpu.memref_squeeze %dma_start3A_121 : memref<1x32x1024xf32, #tpu.memory_space<vmem>> -> memref<32x1024xf32, #tpu.memory_space<vmem>>
    %dma_start3A_123 = arith.constant 0 : i32
    %dma_start3A_124 = tpu.memref_slice %arg5[%dma_start3A_117, %dma_start3A_123] : memref<4x32xi32, #tpu.memory_space<vmem>> -> memref<1x32xi32, #tpu.memory_space<vmem>>
    %dma_start3A_125 = tpu.memref_squeeze %dma_start3A_124 : memref<1x32xi32, #tpu.memory_space<vmem>> -> memref<32xi32, #tpu.memory_space<vmem>>
    %dma_start3A_126 = arith.constant 0 : i32
    %dma_start3A_127 = arith.constant 0 : i32
    %dma_start3A_128 = tpu.memref_slice %arg2[%dma_start3A_126, %dma_start3A_127] : memref<6144x1024xf32, #tpu.memory_space<hbm>> -> memref<6144x1024xf32, #tpu.memory_space<hbm>>
    tpu.enqueue_indirect_dma source(%dma_start3A_128 : memref<6144x1024xf32, #tpu.memory_space<hbm>>) target(%dma_start3A_122 : memref<32x1024xf32, #tpu.memory_space<vmem>>) offsets(%dma_start3A_125 : memref<32xi32, #tpu.memory_space<vmem>>) semaphore(%arg8 : memref<!tpu.dma_semaphore, #tpu.memory_space<semaphore_mem>>)
    %dma_wait3A_129 = arith.constant 2 : i32
    %dma_wait3A_130 = arith.constant 0 : i32
    %dma_wait3A_131 = arith.constant 0 : i32
    %dma_wait3A_132 = arith.constant 0 : i32
    %dma_wait3A_133 = tpu.memref_slice %arg6[%dma_wait3A_130, %dma_wait3A_131, %dma_wait3A_132] : memref<2x32x1024xf32, #tpu.memory_space<vmem>> -> memref<1x32x1024xf32, #tpu.memory_space<vmem>>
    %dma_wait3A_134 = tpu.memref_squeeze %dma_wait3A_133 : memref<1x32x1024xf32, #tpu.memory_space<vmem>> -> memref<32x1024xf32, #tpu.memory_space<vmem>>
    %dma_wait3A_135 = arith.constant 0 : i32
    %dma_wait3A_136 = tpu.memref_slice %arg5[%dma_wait3A_129, %dma_wait3A_135] : memref<4x32xi32, #tpu.memory_space<vmem>> -> memref<1x32xi32, #tpu.memory_space<vmem>>
    %dma_wait3A_137 = tpu.memref_squeeze %dma_wait3A_136 : memref<1x32xi32, #tpu.memory_space<vmem>> -> memref<32xi32, #tpu.memory_space<vmem>>
    %dma_wait3A_138 = arith.constant 0 : i32
    %dma_wait3A_139 = arith.constant 0 : i32
    %dma_wait3A_140 = tpu.memref_slice %arg2[%dma_wait3A_138, %dma_wait3A_139] : memref<6144x1024xf32, #tpu.memory_space<hbm>> -> memref<6144x1024xf32, #tpu.memory_space<hbm>>
    tpu.wait_indirect_dma semaphore(%arg7 : memref<!tpu.dma_semaphore, #tpu.memory_space<semaphore_mem>>) src(%dma_wait3A_140 : memref<6144x1024xf32, #tpu.memory_space<hbm>>) dst(%dma_wait3A_134 : memref<32x1024xf32, #tpu.memory_space<vmem>>)
    %add3A_141 = arith.constant 64 : i32
    %add3A_142 = arith.addi %mul3A_2, %add3A_141 : i32
    %dma_start3A_143 = arith.constant 0 : i32
    %dma_start3A_144 = arith.constant 0 : i32
    %dma_start3A_145 = arith.constant 0 : i32
    %dma_start3A_146 = tpu.memref_slice %arg6[%dma_start3A_143, %dma_start3A_144, %dma_start3A_145] : memref<2x32x1024xf32, #tpu.memory_space<vmem>> -> memref<1x32x1024xf32, #tpu.memory_space<vmem>>
    %dma_start3A_147 = tpu.memref_squeeze %dma_start3A_146 : memref<1x32x1024xf32, #tpu.memory_space<vmem>> -> memref<32x1024xf32, #tpu.memory_space<vmem>>
    %dma_start3A_148 = arith.constant 0 : i32
    %dma_start3A_149 = tpu.memref_slice %arg4[%add3A_142, %dma_start3A_148] : memref<4096x1024xf32, #tpu.memory_space<hbm>> -> memref<32x1024xf32, #tpu.memory_space<hbm>>
    %dma_start3A_150 = arith.constant 0 : i32
    %dma_start3A_151 = tpu.memref_slice %arg4[%add3A_142, %dma_start3A_150] : memref<4096x1024xf32, #tpu.memory_space<hbm>> -> memref<32x1024xf32, #tpu.memory_space<hbm>>
    %dma_start3A_152 = arith.constant 0 : i32
    %dma_start3A_153 = arith.constant 0 : i32
    %dma_start3A_154 = tpu.memref_slice %arg6[%dma_start3A_143, %dma_start3A_152, %dma_start3A_153] : memref<2x32x1024xf32, #tpu.memory_space<vmem>> -> memref<1x32x1024xf32, #tpu.memory_space<vmem>>
    %dma_start3A_155 = tpu.memref_squeeze %dma_start3A_154 : memref<1x32x1024xf32, #tpu.memory_space<vmem>> -> memref<32x1024xf32, #tpu.memory_space<vmem>>
    tpu.enqueue_dma source(%dma_start3A_155 : memref<32x1024xf32, #tpu.memory_space<vmem>>) target(%dma_start3A_151 : memref<32x1024xf32, #tpu.memory_space<hbm>>) target_semaphore(%arg9 : memref<!tpu.dma_semaphore, #tpu.memory_space<semaphore_mem>>)
    %dma_wait3A_156 = arith.constant 3 : i32
    %dma_wait3A_157 = arith.constant 1 : i32
    %dma_wait3A_158 = arith.constant 0 : i32
    %dma_wait3A_159 = arith.constant 0 : i32
    %dma_wait3A_160 = tpu.memref_slice %arg6[%dma_wait3A_157, %dma_wait3A_158, %dma_wait3A_159] : memref<2x32x1024xf32, #tpu.memory_space<vmem>> -> memref<1x32x1024xf32, #tpu.memory_space<vmem>>
    %dma_wait3A_161 = tpu.memref_squeeze %dma_wait3A_160 : memref<1x32x1024xf32, #tpu.memory_space<vmem>> -> memref<32x1024xf32, #tpu.memory_space<vmem>>
    %dma_wait3A_162 = arith.constant 0 : i32
    %dma_wait3A_163 = tpu.memref_slice %arg5[%dma_wait3A_156, %dma_wait3A_162] : memref<4x32xi32, #tpu.memory_space<vmem>> -> memref<1x32xi32, #tpu.memory_space<vmem>>
    %dma_wait3A_164 = tpu.memref_squeeze %dma_wait3A_163 : memref<1x32xi32, #tpu.memory_space<vmem>> -> memref<32xi32, #tpu.memory_space<vmem>>
    %dma_wait3A_165 = arith.constant 0 : i32
    %dma_wait3A_166 = arith.constant 0 : i32
    %dma_wait3A_167 = tpu.memref_slice %arg2[%dma_wait3A_165, %dma_wait3A_166] : memref<6144x1024xf32, #tpu.memory_space<hbm>> -> memref<6144x1024xf32, #tpu.memory_space<hbm>>
    tpu.wait_indirect_dma semaphore(%arg8 : memref<!tpu.dma_semaphore, #tpu.memory_space<semaphore_mem>>) src(%dma_wait3A_167 : memref<6144x1024xf32, #tpu.memory_space<hbm>>) dst(%dma_wait3A_161 : memref<32x1024xf32, #tpu.memory_space<vmem>>)
    %add3A_168 = arith.constant 96 : i32
    %add3A_169 = arith.addi %mul3A_2, %add3A_168 : i32
    %dma_start3A_170 = arith.constant 1 : i32
    %dma_start3A_171 = arith.constant 0 : i32
    %dma_start3A_172 = arith.constant 0 : i32
    %dma_start3A_173 = tpu.memref_slice %arg6[%dma_start3A_170, %dma_start3A_171, %dma_start3A_172] : memref<2x32x1024xf32, #tpu.memory_space<vmem>> -> memref<1x32x1024xf32, #tpu.memory_space<vmem>>
    %dma_start3A_174 = tpu.memref_squeeze %dma_start3A_173 : memref<1x32x1024xf32, #tpu.memory_space<vmem>> -> memref<32x1024xf32, #tpu.memory_space<vmem>>
    %dma_start3A_175 = arith.constant 0 : i32
    %dma_start3A_176 = tpu.memref_slice %arg4[%add3A_169, %dma_start3A_175] : memref<4096x1024xf32, #tpu.memory_space<hbm>> -> memref<32x1024xf32, #tpu.memory_space<hbm>>
    %dma_start3A_177 = arith.constant 0 : i32
    %dma_start3A_178 = tpu.memref_slice %arg4[%add3A_169, %dma_start3A_177] : memref<4096x1024xf32, #tpu.memory_space<hbm>> -> memref<32x1024xf32, #tpu.memory_space<hbm>>
    %dma_start3A_179 = arith.constant 0 : i32
    %dma_start3A_180 = arith.constant 0 : i32
    %dma_start3A_181 = tpu.memref_slice %arg6[%dma_start3A_170, %dma_start3A_179, %dma_start3A_180] : memref<2x32x1024xf32, #tpu.memory_space<vmem>> -> memref<1x32x1024xf32, #tpu.memory_space<vmem>>
    %dma_start3A_182 = tpu.memref_squeeze %dma_start3A_181 : memref<1x32x1024xf32, #tpu.memory_space<vmem>> -> memref<32x1024xf32, #tpu.memory_space<vmem>>
    tpu.enqueue_dma source(%dma_start3A_182 : memref<32x1024xf32, #tpu.memory_space<vmem>>) target(%dma_start3A_178 : memref<32x1024xf32, #tpu.memory_space<hbm>>) target_semaphore(%arg10 : memref<!tpu.dma_semaphore, #tpu.memory_space<semaphore_mem>>)
    %dma_wait3A_183 = arith.constant 0 : i32
    %dma_wait3A_184 = arith.constant 0 : i32
    %dma_wait3A_185 = arith.constant 0 : i32
    %dma_wait3A_186 = tpu.memref_slice %arg6[%dma_wait3A_183, %dma_wait3A_184, %dma_wait3A_185] : memref<2x32x1024xf32, #tpu.memory_space<vmem>> -> memref<1x32x1024xf32, #tpu.memory_space<vmem>>
    %dma_wait3A_187 = tpu.memref_squeeze %dma_wait3A_186 : memref<1x32x1024xf32, #tpu.memory_space<vmem>> -> memref<32x1024xf32, #tpu.memory_space<vmem>>
    %dma_wait3A_188 = arith.constant 0 : i32
    %dma_wait3A_189 = tpu.memref_slice %arg4[%add3A_142, %dma_wait3A_188] : memref<4096x1024xf32, #tpu.memory_space<hbm>> -> memref<32x1024xf32, #tpu.memory_space<hbm>>
    %dma_wait3A_190 = arith.constant 0 : i32
    %dma_wait3A_191 = tpu.memref_slice %arg4[%add3A_142, %dma_wait3A_190] : memref<4096x1024xf32, #tpu.memory_space<hbm>> -> memref<32x1024xf32, #tpu.memory_space<hbm>>
    %dma_wait3A_192 = arith.constant 0 : i32
    %dma_wait3A_193 = arith.constant 0 : i32
    %dma_wait3A_194 = tpu.memref_slice %arg6[%dma_wait3A_183, %dma_wait3A_192, %dma_wait3A_193] : memref<2x32x1024xf32, #tpu.memory_space<vmem>> -> memref<1x32x1024xf32, #tpu.memory_space<vmem>>
    %dma_wait3A_195 = tpu.memref_squeeze %dma_wait3A_194 : memref<1x32x1024xf32, #tpu.memory_space<vmem>> -> memref<32x1024xf32, #tpu.memory_space<vmem>>
    tpu.wait_dma2 semaphore(%arg9 : memref<!tpu.dma_semaphore, #tpu.memory_space<semaphore_mem>>) src(%dma_wait3A_195 : memref<32x1024xf32, #tpu.memory_space<vmem>>) dst(%dma_wait3A_191 : memref<32x1024xf32, #tpu.memory_space<hbm>>)
    %dma_wait3A_196 = arith.constant 1 : i32
    %dma_wait3A_197 = arith.constant 0 : i32
    %dma_wait3A_198 = arith.constant 0 : i32
    %dma_wait3A_199 = tpu.memref_slice %arg6[%dma_wait3A_196, %dma_wait3A_197, %dma_wait3A_198] : memref<2x32x1024xf32, #tpu.memory_space<vmem>> -> memref<1x32x1024xf32, #tpu.memory_space<vmem>>
    %dma_wait3A_200 = tpu.memref_squeeze %dma_wait3A_199 : memref<1x32x1024xf32, #tpu.memory_space<vmem>> -> memref<32x1024xf32, #tpu.memory_space<vmem>>
    %dma_wait3A_201 = arith.constant 0 : i32
    %dma_wait3A_202 = tpu.memref_slice %arg4[%add3A_169, %dma_wait3A_201] : memref<4096x1024xf32, #tpu.memory_space<hbm>> -> memref<32x1024xf32, #tpu.memory_space<hbm>>
    %dma_wait3A_203 = arith.constant 0 : i32
    %dma_wait3A_204 = tpu.memref_slice %arg4[%add3A_169, %dma_wait3A_203] : memref<4096x1024xf32, #tpu.memory_space<hbm>> -> memref<32x1024xf32, #tpu.memory_space<hbm>>
    %dma_wait3A_205 = arith.constant 0 : i32
    %dma_wait3A_206 = arith.constant 0 : i32
    %dma_wait3A_207 = tpu.memref_slice %arg6[%dma_wait3A_196, %dma_wait3A_205, %dma_wait3A_206] : memref<2x32x1024xf32, #tpu.memory_space<vmem>> -> memref<1x32x1024xf32, #tpu.memory_space<vmem>>
    %dma_wait3A_208 = tpu.memref_squeeze %dma_wait3A_207 : memref<1x32x1024xf32, #tpu.memory_space<vmem>> -> memref<32x1024xf32, #tpu.memory_space<vmem>>
    tpu.wait_dma2 semaphore(%arg10 : memref<!tpu.dma_semaphore, #tpu.memory_space<semaphore_mem>>) src(%dma_wait3A_208 : memref<32x1024xf32, #tpu.memory_space<vmem>>) dst(%dma_wait3A_204 : memref<32x1024xf32, #tpu.memory_space<hbm>>)
    return
  }
}

#map = affine_map<(d0, d1) -> (0, 0)>
#map1 = affine_map<(d0, d1) -> (0, 0, 0)>
module attributes {stable_mosaic.version = 14 : i64} {
  func.func @k2(%arg0: i32, %arg1: i32, %arg2: memref<4096x1024xf32, #tpu.memory_space<hbm>>, %arg3: memref<4096x128xf32, #tpu.memory_space<hbm>>, %arg4: memref<32x4x32xi32, #tpu.memory_space<hbm>>, %arg5: memref<6144x1024xf32, #tpu.memory_space<hbm>>, %arg6: memref<6144x128xf32, #tpu.memory_space<hbm>>, %arg7: memref<4x32xi32, #tpu.memory_space<vmem>>, %arg8: memref<2x32x1024xf32, #tpu.memory_space<vmem>>, %arg9: memref<2x32x128xf32, #tpu.memory_space<vmem>>, %arg10: memref<!tpu.dma_semaphore, #tpu.memory_space<semaphore_mem>>, %arg11: memref<!tpu.dma_semaphore, #tpu.memory_space<semaphore_mem>>, %arg12: memref<!tpu.dma_semaphore, #tpu.memory_space<semaphore_mem>>, %arg13: memref<!tpu.dma_semaphore, #tpu.memory_space<semaphore_mem>>, %arg14: memref<!tpu.dma_semaphore, #tpu.memory_space<semaphore_mem>>, %arg15: memref<!tpu.dma_semaphore, #tpu.memory_space<semaphore_mem>>, %arg16: memref<!tpu.dma_semaphore, #tpu.memory_space<semaphore_mem>>, %arg17: memref<!tpu.dma_semaphore, #tpu.memory_space<semaphore_mem>>) attributes {dimension_semantics = [#tpu.dimension_semantics<core_parallel>, #tpu.dimension_semantics<subcore_parallel>], iteration_bounds = array<i64: 2, 16>, scalar_prefetch = 0 : i64, scratch_operands = 11 : i64, tpu.core_type = #tpu.core_type<sc_vector_subcore>, window_params = [{transform_indices = #map}, {transform_indices = #map}, {transform_indices = #map1}, {transform_indices = #map}, {transform_indices = #map}]} {
    %mul3A = arith.constant 2 : i32
    %mul3A_0 = arith.muli %arg1, %mul3A : i32
    %add3A = arith.addi %mul3A_0, %arg0 : i32
    %mul3A_1 = arith.constant 128 : i32
    %mul3A_2 = arith.muli %add3A, %mul3A_1 : i32
    "tpu.region"() ({
      %run_scoped3A = tpu.sem_alloc : memref<!tpu.dma_semaphore, #tpu.memory_space<semaphore_mem>>
      %dma_start3A_417 = arith.constant 0 : i32
      %dma_start3A_418 = arith.constant 0 : i32
      %dma_start3A_419 = tpu.memref_slice %arg4[%add3A, %dma_start3A_417, %dma_start3A_418] : memref<32x4x32xi32, #tpu.memory_space<hbm>> -> memref<1x4x32xi32, #tpu.memory_space<hbm>>
      %dma_start3A_420 = tpu.memref_squeeze %dma_start3A_419 : memref<1x4x32xi32, #tpu.memory_space<hbm>> -> memref<4x32xi32, #tpu.memory_space<hbm>>
      %dma_start3A_421 = arith.constant 0 : i32
      %dma_start3A_422 = arith.constant 0 : i32
      %dma_start3A_423 = tpu.memref_slice %arg4[%add3A, %dma_start3A_421, %dma_start3A_422] : memref<32x4x32xi32, #tpu.memory_space<hbm>> -> memref<1x4x32xi32, #tpu.memory_space<hbm>>
      %dma_start3A_424 = tpu.memref_squeeze %dma_start3A_423 : memref<1x4x32xi32, #tpu.memory_space<hbm>> -> memref<4x32xi32, #tpu.memory_space<hbm>>
      tpu.enqueue_dma source(%dma_start3A_424 : memref<4x32xi32, #tpu.memory_space<hbm>>) target(%arg7 : memref<4x32xi32, #tpu.memory_space<vmem>>) target_semaphore(%run_scoped3A : memref<!tpu.dma_semaphore, #tpu.memory_space<semaphore_mem>>)
      %dma_wait3A_425 = arith.constant 0 : i32
      %dma_wait3A_426 = arith.constant 0 : i32
      %dma_wait3A_427 = tpu.memref_slice %arg4[%add3A, %dma_wait3A_425, %dma_wait3A_426] : memref<32x4x32xi32, #tpu.memory_space<hbm>> -> memref<1x4x32xi32, #tpu.memory_space<hbm>>
      %dma_wait3A_428 = tpu.memref_squeeze %dma_wait3A_427 : memref<1x4x32xi32, #tpu.memory_space<hbm>> -> memref<4x32xi32, #tpu.memory_space<hbm>>
      %dma_wait3A_429 = arith.constant 0 : i32
      %dma_wait3A_430 = arith.constant 0 : i32
      %dma_wait3A_431 = tpu.memref_slice %arg4[%add3A, %dma_wait3A_429, %dma_wait3A_430] : memref<32x4x32xi32, #tpu.memory_space<hbm>> -> memref<1x4x32xi32, #tpu.memory_space<hbm>>
      %dma_wait3A_432 = tpu.memref_squeeze %dma_wait3A_431 : memref<1x4x32xi32, #tpu.memory_space<hbm>> -> memref<4x32xi32, #tpu.memory_space<hbm>>
      tpu.wait_dma2 semaphore(%run_scoped3A : memref<!tpu.dma_semaphore, #tpu.memory_space<semaphore_mem>>) src(%dma_wait3A_432 : memref<4x32xi32, #tpu.memory_space<hbm>>) dst(%arg7 : memref<4x32xi32, #tpu.memory_space<vmem>>)
      tpu.yield
    }) : () -> ()
    %add3A_3 = arith.constant 0 : i32
    %add3A_4 = arith.addi %mul3A_2, %add3A_3 : i32
    %dma_start3A = arith.constant 0 : i32
    %dma_start3A_5 = arith.constant 0 : i32
    %dma_start3A_6 = arith.constant 0 : i32
    %dma_start3A_7 = tpu.memref_slice %arg8[%dma_start3A, %dma_start3A_5, %dma_start3A_6] : memref<2x32x1024xf32, #tpu.memory_space<vmem>> -> memref<1x32x1024xf32, #tpu.memory_space<vmem>>
    %dma_start3A_8 = tpu.memref_squeeze %dma_start3A_7 : memref<1x32x1024xf32, #tpu.memory_space<vmem>> -> memref<32x1024xf32, #tpu.memory_space<vmem>>
    %dma_start3A_9 = arith.constant 0 : i32
    %dma_start3A_10 = tpu.memref_slice %arg2[%add3A_4, %dma_start3A_9] : memref<4096x1024xf32, #tpu.memory_space<hbm>> -> memref<32x1024xf32, #tpu.memory_space<hbm>>
    %dma_start3A_11 = arith.constant 0 : i32
    %dma_start3A_12 = arith.constant 0 : i32
    %dma_start3A_13 = tpu.memref_slice %arg8[%dma_start3A, %dma_start3A_11, %dma_start3A_12] : memref<2x32x1024xf32, #tpu.memory_space<vmem>> -> memref<1x32x1024xf32, #tpu.memory_space<vmem>>
    %dma_start3A_14 = tpu.memref_squeeze %dma_start3A_13 : memref<1x32x1024xf32, #tpu.memory_space<vmem>> -> memref<32x1024xf32, #tpu.memory_space<vmem>>
    %dma_start3A_15 = arith.constant 0 : i32
    %dma_start3A_16 = tpu.memref_slice %arg2[%add3A_4, %dma_start3A_15] : memref<4096x1024xf32, #tpu.memory_space<hbm>> -> memref<32x1024xf32, #tpu.memory_space<hbm>>
    tpu.enqueue_dma source(%dma_start3A_16 : memref<32x1024xf32, #tpu.memory_space<hbm>>) target(%dma_start3A_14 : memref<32x1024xf32, #tpu.memory_space<vmem>>) target_semaphore(%arg10 : memref<!tpu.dma_semaphore, #tpu.memory_space<semaphore_mem>>)
    %add3A_17 = arith.constant 0 : i32
    %add3A_18 = arith.addi %mul3A_2, %add3A_17 : i32
    %dma_start3A_19 = arith.constant 0 : i32
    %dma_start3A_20 = arith.constant 0 : i32
    %dma_start3A_21 = arith.constant 0 : i32
    %dma_start3A_22 = tpu.memref_slice %arg9[%dma_start3A_19, %dma_start3A_20, %dma_start3A_21] : memref<2x32x128xf32, #tpu.memory_space<vmem>> -> memref<1x32x128xf32, #tpu.memory_space<vmem>>
    %dma_start3A_23 = tpu.memref_squeeze %dma_start3A_22 : memref<1x32x128xf32, #tpu.memory_space<vmem>> -> memref<32x128xf32, #tpu.memory_space<vmem>>
    %dma_start3A_24 = arith.constant 0 : i32
    %dma_start3A_25 = tpu.memref_slice %arg3[%add3A_18, %dma_start3A_24] : memref<4096x128xf32, #tpu.memory_space<hbm>> -> memref<32x128xf32, #tpu.memory_space<hbm>>
    %dma_start3A_26 = arith.constant 0 : i32
    %dma_start3A_27 = arith.constant 0 : i32
    %dma_start3A_28 = tpu.memref_slice %arg9[%dma_start3A_19, %dma_start3A_26, %dma_start3A_27] : memref<2x32x128xf32, #tpu.memory_space<vmem>> -> memref<1x32x128xf32, #tpu.memory_space<vmem>>
    %dma_start3A_29 = tpu.memref_squeeze %dma_start3A_28 : memref<1x32x128xf32, #tpu.memory_space<vmem>> -> memref<32x128xf32, #tpu.memory_space<vmem>>
    %dma_start3A_30 = arith.constant 0 : i32
    %dma_start3A_31 = tpu.memref_slice %arg3[%add3A_18, %dma_start3A_30] : memref<4096x128xf32, #tpu.memory_space<hbm>> -> memref<32x128xf32, #tpu.memory_space<hbm>>
    tpu.enqueue_dma source(%dma_start3A_31 : memref<32x128xf32, #tpu.memory_space<hbm>>) target(%dma_start3A_29 : memref<32x128xf32, #tpu.memory_space<vmem>>) target_semaphore(%arg12 : memref<!tpu.dma_semaphore, #tpu.memory_space<semaphore_mem>>)
    %add3A_32 = arith.constant 32 : i32
    %add3A_33 = arith.addi %mul3A_2, %add3A_32 : i32
    %dma_start3A_34 = arith.constant 1 : i32
    %dma_start3A_35 = arith.constant 0 : i32
    %dma_start3A_36 = arith.constant 0 : i32
    %dma_start3A_37 = tpu.memref_slice %arg8[%dma_start3A_34, %dma_start3A_35, %dma_start3A_36] : memref<2x32x1024xf32, #tpu.memory_space<vmem>> -> memref<1x32x1024xf32, #tpu.memory_space<vmem>>
    %dma_start3A_38 = tpu.memref_squeeze %dma_start3A_37 : memref<1x32x1024xf32, #tpu.memory_space<vmem>> -> memref<32x1024xf32, #tpu.memory_space<vmem>>
    %dma_start3A_39 = arith.constant 0 : i32
    %dma_start3A_40 = tpu.memref_slice %arg2[%add3A_33, %dma_start3A_39] : memref<4096x1024xf32, #tpu.memory_space<hbm>> -> memref<32x1024xf32, #tpu.memory_space<hbm>>
    %dma_start3A_41 = arith.constant 0 : i32
    %dma_start3A_42 = arith.constant 0 : i32
    %dma_start3A_43 = tpu.memref_slice %arg8[%dma_start3A_34, %dma_start3A_41, %dma_start3A_42] : memref<2x32x1024xf32, #tpu.memory_space<vmem>> -> memref<1x32x1024xf32, #tpu.memory_space<vmem>>
    %dma_start3A_44 = tpu.memref_squeeze %dma_start3A_43 : memref<1x32x1024xf32, #tpu.memory_space<vmem>> -> memref<32x1024xf32, #tpu.memory_space<vmem>>
    %dma_start3A_45 = arith.constant 0 : i32
    %dma_start3A_46 = tpu.memref_slice %arg2[%add3A_33, %dma_start3A_45] : memref<4096x1024xf32, #tpu.memory_space<hbm>> -> memref<32x1024xf32, #tpu.memory_space<hbm>>
    tpu.enqueue_dma source(%dma_start3A_46 : memref<32x1024xf32, #tpu.memory_space<hbm>>) target(%dma_start3A_44 : memref<32x1024xf32, #tpu.memory_space<vmem>>) target_semaphore(%arg11 : memref<!tpu.dma_semaphore, #tpu.memory_space<semaphore_mem>>)
    %add3A_47 = arith.constant 32 : i32
    %add3A_48 = arith.addi %mul3A_2, %add3A_47 : i32
    %dma_start3A_49 = arith.constant 1 : i32
    %dma_start3A_50 = arith.constant 0 : i32
    %dma_start3A_51 = arith.constant 0 : i32
    %dma_start3A_52 = tpu.memref_slice %arg9[%dma_start3A_49, %dma_start3A_50, %dma_start3A_51] : memref<2x32x128xf32, #tpu.memory_space<vmem>> -> memref<1x32x128xf32, #tpu.memory_space<vmem>>
    %dma_start3A_53 = tpu.memref_squeeze %dma_start3A_52 : memref<1x32x128xf32, #tpu.memory_space<vmem>> -> memref<32x128xf32, #tpu.memory_space<vmem>>
    %dma_start3A_54 = arith.constant 0 : i32
    %dma_start3A_55 = tpu.memref_slice %arg3[%add3A_48, %dma_start3A_54] : memref<4096x128xf32, #tpu.memory_space<hbm>> -> memref<32x128xf32, #tpu.memory_space<hbm>>
    %dma_start3A_56 = arith.constant 0 : i32
    %dma_start3A_57 = arith.constant 0 : i32
    %dma_start3A_58 = tpu.memref_slice %arg9[%dma_start3A_49, %dma_start3A_56, %dma_start3A_57] : memref<2x32x128xf32, #tpu.memory_space<vmem>> -> memref<1x32x128xf32, #tpu.memory_space<vmem>>
    %dma_start3A_59 = tpu.memref_squeeze %dma_start3A_58 : memref<1x32x128xf32, #tpu.memory_space<vmem>> -> memref<32x128xf32, #tpu.memory_space<vmem>>
    %dma_start3A_60 = arith.constant 0 : i32
    %dma_start3A_61 = tpu.memref_slice %arg3[%add3A_48, %dma_start3A_60] : memref<4096x128xf32, #tpu.memory_space<hbm>> -> memref<32x128xf32, #tpu.memory_space<hbm>>
    tpu.enqueue_dma source(%dma_start3A_61 : memref<32x128xf32, #tpu.memory_space<hbm>>) target(%dma_start3A_59 : memref<32x128xf32, #tpu.memory_space<vmem>>) target_semaphore(%arg13 : memref<!tpu.dma_semaphore, #tpu.memory_space<semaphore_mem>>)
    %dma_wait3A = arith.constant 0 : i32
    %dma_wait3A_62 = arith.constant 0 : i32
    %dma_wait3A_63 = arith.constant 0 : i32
    %dma_wait3A_64 = tpu.memref_slice %arg8[%dma_wait3A, %dma_wait3A_62, %dma_wait3A_63] : memref<2x32x1024xf32, #tpu.memory_space<vmem>> -> memref<1x32x1024xf32, #tpu.memory_space<vmem>>
    %dma_wait3A_65 = tpu.memref_squeeze %dma_wait3A_64 : memref<1x32x1024xf32, #tpu.memory_space<vmem>> -> memref<32x1024xf32, #tpu.memory_space<vmem>>
    %dma_wait3A_66 = arith.constant 0 : i32
    %dma_wait3A_67 = tpu.memref_slice %arg2[%add3A_4, %dma_wait3A_66] : memref<4096x1024xf32, #tpu.memory_space<hbm>> -> memref<32x1024xf32, #tpu.memory_space<hbm>>
    %dma_wait3A_68 = arith.constant 0 : i32
    %dma_wait3A_69 = arith.constant 0 : i32
    %dma_wait3A_70 = tpu.memref_slice %arg8[%dma_wait3A, %dma_wait3A_68, %dma_wait3A_69] : memref<2x32x1024xf32, #tpu.memory_space<vmem>> -> memref<1x32x1024xf32, #tpu.memory_space<vmem>>
    %dma_wait3A_71 = tpu.memref_squeeze %dma_wait3A_70 : memref<1x32x1024xf32, #tpu.memory_space<vmem>> -> memref<32x1024xf32, #tpu.memory_space<vmem>>
    %dma_wait3A_72 = arith.constant 0 : i32
    %dma_wait3A_73 = tpu.memref_slice %arg2[%add3A_4, %dma_wait3A_72] : memref<4096x1024xf32, #tpu.memory_space<hbm>> -> memref<32x1024xf32, #tpu.memory_space<hbm>>
    tpu.wait_dma2 semaphore(%arg10 : memref<!tpu.dma_semaphore, #tpu.memory_space<semaphore_mem>>) src(%dma_wait3A_73 : memref<32x1024xf32, #tpu.memory_space<hbm>>) dst(%dma_wait3A_71 : memref<32x1024xf32, #tpu.memory_space<vmem>>)
    %dma_start3A_74 = arith.constant 0 : i32
    %dma_start3A_75 = arith.constant 0 : i32
    %dma_start3A_76 = arith.constant 0 : i32
    %dma_start3A_77 = arith.constant 0 : i32
    %dma_start3A_78 = tpu.memref_slice %arg8[%dma_start3A_74, %dma_start3A_76, %dma_start3A_77] : memref<2x32x1024xf32, #tpu.memory_space<vmem>> -> memref<1x32x1024xf32, #tpu.memory_space<vmem>>
    %dma_start3A_79 = tpu.memref_squeeze %dma_start3A_78 : memref<1x32x1024xf32, #tpu.memory_space<vmem>> -> memref<32x1024xf32, #tpu.memory_space<vmem>>
    %dma_start3A_80 = arith.constant 0 : i32
    %dma_start3A_81 = tpu.memref_slice %arg7[%dma_start3A_75, %dma_start3A_80] : memref<4x32xi32, #tpu.memory_space<vmem>> -> memref<1x32xi32, #tpu.memory_space<vmem>>
    %dma_start3A_82 = tpu.memref_squeeze %dma_start3A_81 : memref<1x32xi32, #tpu.memory_space<vmem>> -> memref<32xi32, #tpu.memory_space<vmem>>
    %dma_start3A_83 = arith.constant 0 : i32
    %dma_start3A_84 = arith.constant 0 : i32
    %dma_start3A_85 = tpu.memref_slice %arg5[%dma_start3A_83, %dma_start3A_84] : memref<6144x1024xf32, #tpu.memory_space<hbm>> -> memref<6144x1024xf32, #tpu.memory_space<hbm>>
    tpu.enqueue_indirect_dma source(%dma_start3A_79 : memref<32x1024xf32, #tpu.memory_space<vmem>>) target(%dma_start3A_85 : memref<6144x1024xf32, #tpu.memory_space<hbm>>) offsets(%dma_start3A_82 : memref<32xi32, #tpu.memory_space<vmem>>) semaphore(%arg14 : memref<!tpu.dma_semaphore, #tpu.memory_space<semaphore_mem>>)
    %dma_wait3A_86 = arith.constant 0 : i32
    %dma_wait3A_87 = arith.constant 0 : i32
    %dma_wait3A_88 = arith.constant 0 : i32
    %dma_wait3A_89 = tpu.memref_slice %arg9[%dma_wait3A_86, %dma_wait3A_87, %dma_wait3A_88] : memref<2x32x128xf32, #tpu.memory_space<vmem>> -> memref<1x32x128xf32, #tpu.memory_space<vmem>>
    %dma_wait3A_90 = tpu.memref_squeeze %dma_wait3A_89 : memref<1x32x128xf32, #tpu.memory_space<vmem>> -> memref<32x128xf32, #tpu.memory_space<vmem>>
    %dma_wait3A_91 = arith.constant 0 : i32
    %dma_wait3A_92 = tpu.memref_slice %arg3[%add3A_18, %dma_wait3A_91] : memref<4096x128xf32, #tpu.memory_space<hbm>> -> memref<32x128xf32, #tpu.memory_space<hbm>>
    %dma_wait3A_93 = arith.constant 0 : i32
    %dma_wait3A_94 = arith.constant 0 : i32
    %dma_wait3A_95 = tpu.memref_slice %arg9[%dma_wait3A_86, %dma_wait3A_93, %dma_wait3A_94] : memref<2x32x128xf32, #tpu.memory_space<vmem>> -> memref<1x32x128xf32, #tpu.memory_space<vmem>>
    %dma_wait3A_96 = tpu.memref_squeeze %dma_wait3A_95 : memref<1x32x128xf32, #tpu.memory_space<vmem>> -> memref<32x128xf32, #tpu.memory_space<vmem>>
    %dma_wait3A_97 = arith.constant 0 : i32
    %dma_wait3A_98 = tpu.memref_slice %arg3[%add3A_18, %dma_wait3A_97] : memref<4096x128xf32, #tpu.memory_space<hbm>> -> memref<32x128xf32, #tpu.memory_space<hbm>>
    tpu.wait_dma2 semaphore(%arg12 : memref<!tpu.dma_semaphore, #tpu.memory_space<semaphore_mem>>) src(%dma_wait3A_98 : memref<32x128xf32, #tpu.memory_space<hbm>>) dst(%dma_wait3A_96 : memref<32x128xf32, #tpu.memory_space<vmem>>)
    %dma_start3A_99 = arith.constant 0 : i32
    %dma_start3A_100 = arith.constant 0 : i32
    %dma_start3A_101 = arith.constant 0 : i32
    %dma_start3A_102 = arith.constant 0 : i32
    %dma_start3A_103 = tpu.memref_slice %arg9[%dma_start3A_99, %dma_start3A_101, %dma_start3A_102] : memref<2x32x128xf32, #tpu.memory_space<vmem>> -> memref<1x32x128xf32, #tpu.memory_space<vmem>>
    %dma_start3A_104 = tpu.memref_squeeze %dma_start3A_103 : memref<1x32x128xf32, #tpu.memory_space<vmem>> -> memref<32x128xf32, #tpu.memory_space<vmem>>
    %dma_start3A_105 = arith.constant 0 : i32
    %dma_start3A_106 = tpu.memref_slice %arg7[%dma_start3A_100, %dma_start3A_105] : memref<4x32xi32, #tpu.memory_space<vmem>> -> memref<1x32xi32, #tpu.memory_space<vmem>>
    %dma_start3A_107 = tpu.memref_squeeze %dma_start3A_106 : memref<1x32xi32, #tpu.memory_space<vmem>> -> memref<32xi32, #tpu.memory_space<vmem>>
    %dma_start3A_108 = arith.constant 0 : i32
    %dma_start3A_109 = arith.constant 0 : i32
    %dma_start3A_110 = tpu.memref_slice %arg6[%dma_start3A_108, %dma_start3A_109] : memref<6144x128xf32, #tpu.memory_space<hbm>> -> memref<6144x128xf32, #tpu.memory_space<hbm>>
    tpu.enqueue_indirect_dma source(%dma_start3A_104 : memref<32x128xf32, #tpu.memory_space<vmem>>) target(%dma_start3A_110 : memref<6144x128xf32, #tpu.memory_space<hbm>>) offsets(%dma_start3A_107 : memref<32xi32, #tpu.memory_space<vmem>>) semaphore(%arg16 : memref<!tpu.dma_semaphore, #tpu.memory_space<semaphore_mem>>)
    %dma_wait3A_111 = arith.constant 0 : i32
    %dma_wait3A_112 = arith.constant 0 : i32
    %dma_wait3A_113 = arith.constant 0 : i32
    %dma_wait3A_114 = arith.constant 0 : i32
    %dma_wait3A_115 = tpu.memref_slice %arg8[%dma_wait3A_111, %dma_wait3A_113, %dma_wait3A_114] : memref<2x32x1024xf32, #tpu.memory_space<vmem>> -> memref<1x32x1024xf32, #tpu.memory_space<vmem>>
    %dma_wait3A_116 = tpu.memref_squeeze %dma_wait3A_115 : memref<1x32x1024xf32, #tpu.memory_space<vmem>> -> memref<32x1024xf32, #tpu.memory_space<vmem>>
    %dma_wait3A_117 = arith.constant 0 : i32
    %dma_wait3A_118 = tpu.memref_slice %arg7[%dma_wait3A_112, %dma_wait3A_117] : memref<4x32xi32, #tpu.memory_space<vmem>> -> memref<1x32xi32, #tpu.memory_space<vmem>>
    %dma_wait3A_119 = tpu.memref_squeeze %dma_wait3A_118 : memref<1x32xi32, #tpu.memory_space<vmem>> -> memref<32xi32, #tpu.memory_space<vmem>>
    %dma_wait3A_120 = arith.constant 0 : i32
    %dma_wait3A_121 = arith.constant 0 : i32
    %dma_wait3A_122 = tpu.memref_slice %arg5[%dma_wait3A_120, %dma_wait3A_121] : memref<6144x1024xf32, #tpu.memory_space<hbm>> -> memref<6144x1024xf32, #tpu.memory_space<hbm>>
    tpu.wait_indirect_dma semaphore(%arg14 : memref<!tpu.dma_semaphore, #tpu.memory_space<semaphore_mem>>) src(%dma_wait3A_116 : memref<32x1024xf32, #tpu.memory_space<vmem>>) dst(%dma_wait3A_122 : memref<6144x1024xf32, #tpu.memory_space<hbm>>)
    %dma_wait3A_123 = arith.constant 0 : i32
    %dma_wait3A_124 = arith.constant 0 : i32
    %dma_wait3A_125 = arith.constant 0 : i32
    %dma_wait3A_126 = arith.constant 0 : i32
    %dma_wait3A_127 = tpu.memref_slice %arg9[%dma_wait3A_123, %dma_wait3A_125, %dma_wait3A_126] : memref<2x32x128xf32, #tpu.memory_space<vmem>> -> memref<1x32x128xf32, #tpu.memory_space<vmem>>
    %dma_wait3A_128 = tpu.memref_squeeze %dma_wait3A_127 : memref<1x32x128xf32, #tpu.memory_space<vmem>> -> memref<32x128xf32, #tpu.memory_space<vmem>>
    %dma_wait3A_129 = arith.constant 0 : i32
    %dma_wait3A_130 = tpu.memref_slice %arg7[%dma_wait3A_124, %dma_wait3A_129] : memref<4x32xi32, #tpu.memory_space<vmem>> -> memref<1x32xi32, #tpu.memory_space<vmem>>
    %dma_wait3A_131 = tpu.memref_squeeze %dma_wait3A_130 : memref<1x32xi32, #tpu.memory_space<vmem>> -> memref<32xi32, #tpu.memory_space<vmem>>
    %dma_wait3A_132 = arith.constant 0 : i32
    %dma_wait3A_133 = arith.constant 0 : i32
    %dma_wait3A_134 = tpu.memref_slice %arg6[%dma_wait3A_132, %dma_wait3A_133] : memref<6144x128xf32, #tpu.memory_space<hbm>> -> memref<6144x128xf32, #tpu.memory_space<hbm>>
    tpu.wait_indirect_dma semaphore(%arg16 : memref<!tpu.dma_semaphore, #tpu.memory_space<semaphore_mem>>) src(%dma_wait3A_128 : memref<32x128xf32, #tpu.memory_space<vmem>>) dst(%dma_wait3A_134 : memref<6144x128xf32, #tpu.memory_space<hbm>>)
    %add3A_135 = arith.constant 64 : i32
    %add3A_136 = arith.addi %mul3A_2, %add3A_135 : i32
    %dma_start3A_137 = arith.constant 0 : i32
    %dma_start3A_138 = arith.constant 0 : i32
    %dma_start3A_139 = arith.constant 0 : i32
    %dma_start3A_140 = tpu.memref_slice %arg8[%dma_start3A_137, %dma_start3A_138, %dma_start3A_139] : memref<2x32x1024xf32, #tpu.memory_space<vmem>> -> memref<1x32x1024xf32, #tpu.memory_space<vmem>>
    %dma_start3A_141 = tpu.memref_squeeze %dma_start3A_140 : memref<1x32x1024xf32, #tpu.memory_space<vmem>> -> memref<32x1024xf32, #tpu.memory_space<vmem>>
    %dma_start3A_142 = arith.constant 0 : i32
    %dma_start3A_143 = tpu.memref_slice %arg2[%add3A_136, %dma_start3A_142] : memref<4096x1024xf32, #tpu.memory_space<hbm>> -> memref<32x1024xf32, #tpu.memory_space<hbm>>
    %dma_start3A_144 = arith.constant 0 : i32
    %dma_start3A_145 = arith.constant 0 : i32
    %dma_start3A_146 = tpu.memref_slice %arg8[%dma_start3A_137, %dma_start3A_144, %dma_start3A_145] : memref<2x32x1024xf32, #tpu.memory_space<vmem>> -> memref<1x32x1024xf32, #tpu.memory_space<vmem>>
    %dma_start3A_147 = tpu.memref_squeeze %dma_start3A_146 : memref<1x32x1024xf32, #tpu.memory_space<vmem>> -> memref<32x1024xf32, #tpu.memory_space<vmem>>
    %dma_start3A_148 = arith.constant 0 : i32
    %dma_start3A_149 = tpu.memref_slice %arg2[%add3A_136, %dma_start3A_148] : memref<4096x1024xf32, #tpu.memory_space<hbm>> -> memref<32x1024xf32, #tpu.memory_space<hbm>>
    tpu.enqueue_dma source(%dma_start3A_149 : memref<32x1024xf32, #tpu.memory_space<hbm>>) target(%dma_start3A_147 : memref<32x1024xf32, #tpu.memory_space<vmem>>) target_semaphore(%arg10 : memref<!tpu.dma_semaphore, #tpu.memory_space<semaphore_mem>>)
    %add3A_150 = arith.constant 64 : i32
    %add3A_151 = arith.addi %mul3A_2, %add3A_150 : i32
    %dma_start3A_152 = arith.constant 0 : i32
    %dma_start3A_153 = arith.constant 0 : i32
    %dma_start3A_154 = arith.constant 0 : i32
    %dma_start3A_155 = tpu.memref_slice %arg9[%dma_start3A_152, %dma_start3A_153, %dma_start3A_154] : memref<2x32x128xf32, #tpu.memory_space<vmem>> -> memref<1x32x128xf32, #tpu.memory_space<vmem>>
    %dma_start3A_156 = tpu.memref_squeeze %dma_start3A_155 : memref<1x32x128xf32, #tpu.memory_space<vmem>> -> memref<32x128xf32, #tpu.memory_space<vmem>>
    %dma_start3A_157 = arith.constant 0 : i32
    %dma_start3A_158 = tpu.memref_slice %arg3[%add3A_151, %dma_start3A_157] : memref<4096x128xf32, #tpu.memory_space<hbm>> -> memref<32x128xf32, #tpu.memory_space<hbm>>
    %dma_start3A_159 = arith.constant 0 : i32
    %dma_start3A_160 = arith.constant 0 : i32
    %dma_start3A_161 = tpu.memref_slice %arg9[%dma_start3A_152, %dma_start3A_159, %dma_start3A_160] : memref<2x32x128xf32, #tpu.memory_space<vmem>> -> memref<1x32x128xf32, #tpu.memory_space<vmem>>
    %dma_start3A_162 = tpu.memref_squeeze %dma_start3A_161 : memref<1x32x128xf32, #tpu.memory_space<vmem>> -> memref<32x128xf32, #tpu.memory_space<vmem>>
    %dma_start3A_163 = arith.constant 0 : i32
    %dma_start3A_164 = tpu.memref_slice %arg3[%add3A_151, %dma_start3A_163] : memref<4096x128xf32, #tpu.memory_space<hbm>> -> memref<32x128xf32, #tpu.memory_space<hbm>>
    tpu.enqueue_dma source(%dma_start3A_164 : memref<32x128xf32, #tpu.memory_space<hbm>>) target(%dma_start3A_162 : memref<32x128xf32, #tpu.memory_space<vmem>>) target_semaphore(%arg12 : memref<!tpu.dma_semaphore, #tpu.memory_space<semaphore_mem>>)
    %dma_wait3A_165 = arith.constant 1 : i32
    %dma_wait3A_166 = arith.constant 0 : i32
    %dma_wait3A_167 = arith.constant 0 : i32
    %dma_wait3A_168 = tpu.memref_slice %arg8[%dma_wait3A_165, %dma_wait3A_166, %dma_wait3A_167] : memref<2x32x1024xf32, #tpu.memory_space<vmem>> -> memref<1x32x1024xf32, #tpu.memory_space<vmem>>
    %dma_wait3A_169 = tpu.memref_squeeze %dma_wait3A_168 : memref<1x32x1024xf32, #tpu.memory_space<vmem>> -> memref<32x1024xf32, #tpu.memory_space<vmem>>
    %dma_wait3A_170 = arith.constant 0 : i32
    %dma_wait3A_171 = tpu.memref_slice %arg2[%add3A_33, %dma_wait3A_170] : memref<4096x1024xf32, #tpu.memory_space<hbm>> -> memref<32x1024xf32, #tpu.memory_space<hbm>>
    %dma_wait3A_172 = arith.constant 0 : i32
    %dma_wait3A_173 = arith.constant 0 : i32
    %dma_wait3A_174 = tpu.memref_slice %arg8[%dma_wait3A_165, %dma_wait3A_172, %dma_wait3A_173] : memref<2x32x1024xf32, #tpu.memory_space<vmem>> -> memref<1x32x1024xf32, #tpu.memory_space<vmem>>
    %dma_wait3A_175 = tpu.memref_squeeze %dma_wait3A_174 : memref<1x32x1024xf32, #tpu.memory_space<vmem>> -> memref<32x1024xf32, #tpu.memory_space<vmem>>
    %dma_wait3A_176 = arith.constant 0 : i32
    %dma_wait3A_177 = tpu.memref_slice %arg2[%add3A_33, %dma_wait3A_176] : memref<4096x1024xf32, #tpu.memory_space<hbm>> -> memref<32x1024xf32, #tpu.memory_space<hbm>>
    tpu.wait_dma2 semaphore(%arg11 : memref<!tpu.dma_semaphore, #tpu.memory_space<semaphore_mem>>) src(%dma_wait3A_177 : memref<32x1024xf32, #tpu.memory_space<hbm>>) dst(%dma_wait3A_175 : memref<32x1024xf32, #tpu.memory_space<vmem>>)
    %dma_start3A_178 = arith.constant 1 : i32
    %dma_start3A_179 = arith.constant 1 : i32
    %dma_start3A_180 = arith.constant 0 : i32
    %dma_start3A_181 = arith.constant 0 : i32
    %dma_start3A_182 = tpu.memref_slice %arg8[%dma_start3A_178, %dma_start3A_180, %dma_start3A_181] : memref<2x32x1024xf32, #tpu.memory_space<vmem>> -> memref<1x32x1024xf32, #tpu.memory_space<vmem>>
    %dma_start3A_183 = tpu.memref_squeeze %dma_start3A_182 : memref<1x32x1024xf32, #tpu.memory_space<vmem>> -> memref<32x1024xf32, #tpu.memory_space<vmem>>
    %dma_start3A_184 = arith.constant 0 : i32
    %dma_start3A_185 = tpu.memref_slice %arg7[%dma_start3A_179, %dma_start3A_184] : memref<4x32xi32, #tpu.memory_space<vmem>> -> memref<1x32xi32, #tpu.memory_space<vmem>>
    %dma_start3A_186 = tpu.memref_squeeze %dma_start3A_185 : memref<1x32xi32, #tpu.memory_space<vmem>> -> memref<32xi32, #tpu.memory_space<vmem>>
    %dma_start3A_187 = arith.constant 0 : i32
    %dma_start3A_188 = arith.constant 0 : i32
    %dma_start3A_189 = tpu.memref_slice %arg5[%dma_start3A_187, %dma_start3A_188] : memref<6144x1024xf32, #tpu.memory_space<hbm>> -> memref<6144x1024xf32, #tpu.memory_space<hbm>>
    tpu.enqueue_indirect_dma source(%dma_start3A_183 : memref<32x1024xf32, #tpu.memory_space<vmem>>) target(%dma_start3A_189 : memref<6144x1024xf32, #tpu.memory_space<hbm>>) offsets(%dma_start3A_186 : memref<32xi32, #tpu.memory_space<vmem>>) semaphore(%arg15 : memref<!tpu.dma_semaphore, #tpu.memory_space<semaphore_mem>>)
    %dma_wait3A_190 = arith.constant 1 : i32
    %dma_wait3A_191 = arith.constant 0 : i32
    %dma_wait3A_192 = arith.constant 0 : i32
    %dma_wait3A_193 = tpu.memref_slice %arg9[%dma_wait3A_190, %dma_wait3A_191, %dma_wait3A_192] : memref<2x32x128xf32, #tpu.memory_space<vmem>> -> memref<1x32x128xf32, #tpu.memory_space<vmem>>
    %dma_wait3A_194 = tpu.memref_squeeze %dma_wait3A_193 : memref<1x32x128xf32, #tpu.memory_space<vmem>> -> memref<32x128xf32, #tpu.memory_space<vmem>>
    %dma_wait3A_195 = arith.constant 0 : i32
    %dma_wait3A_196 = tpu.memref_slice %arg3[%add3A_48, %dma_wait3A_195] : memref<4096x128xf32, #tpu.memory_space<hbm>> -> memref<32x128xf32, #tpu.memory_space<hbm>>
    %dma_wait3A_197 = arith.constant 0 : i32
    %dma_wait3A_198 = arith.constant 0 : i32
    %dma_wait3A_199 = tpu.memref_slice %arg9[%dma_wait3A_190, %dma_wait3A_197, %dma_wait3A_198] : memref<2x32x128xf32, #tpu.memory_space<vmem>> -> memref<1x32x128xf32, #tpu.memory_space<vmem>>
    %dma_wait3A_200 = tpu.memref_squeeze %dma_wait3A_199 : memref<1x32x128xf32, #tpu.memory_space<vmem>> -> memref<32x128xf32, #tpu.memory_space<vmem>>
    %dma_wait3A_201 = arith.constant 0 : i32
    %dma_wait3A_202 = tpu.memref_slice %arg3[%add3A_48, %dma_wait3A_201] : memref<4096x128xf32, #tpu.memory_space<hbm>> -> memref<32x128xf32, #tpu.memory_space<hbm>>
    tpu.wait_dma2 semaphore(%arg13 : memref<!tpu.dma_semaphore, #tpu.memory_space<semaphore_mem>>) src(%dma_wait3A_202 : memref<32x128xf32, #tpu.memory_space<hbm>>) dst(%dma_wait3A_200 : memref<32x128xf32, #tpu.memory_space<vmem>>)
    %dma_start3A_203 = arith.constant 1 : i32
    %dma_start3A_204 = arith.constant 1 : i32
    %dma_start3A_205 = arith.constant 0 : i32
    %dma_start3A_206 = arith.constant 0 : i32
    %dma_start3A_207 = tpu.memref_slice %arg9[%dma_start3A_203, %dma_start3A_205, %dma_start3A_206] : memref<2x32x128xf32, #tpu.memory_space<vmem>> -> memref<1x32x128xf32, #tpu.memory_space<vmem>>
    %dma_start3A_208 = tpu.memref_squeeze %dma_start3A_207 : memref<1x32x128xf32, #tpu.memory_space<vmem>> -> memref<32x128xf32, #tpu.memory_space<vmem>>
    %dma_start3A_209 = arith.constant 0 : i32
    %dma_start3A_210 = tpu.memref_slice %arg7[%dma_start3A_204, %dma_start3A_209] : memref<4x32xi32, #tpu.memory_space<vmem>> -> memref<1x32xi32, #tpu.memory_space<vmem>>
    %dma_start3A_211 = tpu.memref_squeeze %dma_start3A_210 : memref<1x32xi32, #tpu.memory_space<vmem>> -> memref<32xi32, #tpu.memory_space<vmem>>
    %dma_start3A_212 = arith.constant 0 : i32
    %dma_start3A_213 = arith.constant 0 : i32
    %dma_start3A_214 = tpu.memref_slice %arg6[%dma_start3A_212, %dma_start3A_213] : memref<6144x128xf32, #tpu.memory_space<hbm>> -> memref<6144x128xf32, #tpu.memory_space<hbm>>
    tpu.enqueue_indirect_dma source(%dma_start3A_208 : memref<32x128xf32, #tpu.memory_space<vmem>>) target(%dma_start3A_214 : memref<6144x128xf32, #tpu.memory_space<hbm>>) offsets(%dma_start3A_211 : memref<32xi32, #tpu.memory_space<vmem>>) semaphore(%arg17 : memref<!tpu.dma_semaphore, #tpu.memory_space<semaphore_mem>>)
    %dma_wait3A_215 = arith.constant 1 : i32
    %dma_wait3A_216 = arith.constant 1 : i32
    %dma_wait3A_217 = arith.constant 0 : i32
    %dma_wait3A_218 = arith.constant 0 : i32
    %dma_wait3A_219 = tpu.memref_slice %arg8[%dma_wait3A_215, %dma_wait3A_217, %dma_wait3A_218] : memref<2x32x1024xf32, #tpu.memory_space<vmem>> -> memref<1x32x1024xf32, #tpu.memory_space<vmem>>
    %dma_wait3A_220 = tpu.memref_squeeze %dma_wait3A_219 : memref<1x32x1024xf32, #tpu.memory_space<vmem>> -> memref<32x1024xf32, #tpu.memory_space<vmem>>
    %dma_wait3A_221 = arith.constant 0 : i32
    %dma_wait3A_222 = tpu.memref_slice %arg7[%dma_wait3A_216, %dma_wait3A_221] : memref<4x32xi32, #tpu.memory_space<vmem>> -> memref<1x32xi32, #tpu.memory_space<vmem>>
    %dma_wait3A_223 = tpu.memref_squeeze %dma_wait3A_222 : memref<1x32xi32, #tpu.memory_space<vmem>> -> memref<32xi32, #tpu.memory_space<vmem>>
    %dma_wait3A_224 = arith.constant 0 : i32
    %dma_wait3A_225 = arith.constant 0 : i32
    %dma_wait3A_226 = tpu.memref_slice %arg5[%dma_wait3A_224, %dma_wait3A_225] : memref<6144x1024xf32, #tpu.memory_space<hbm>> -> memref<6144x1024xf32, #tpu.memory_space<hbm>>
    tpu.wait_indirect_dma semaphore(%arg15 : memref<!tpu.dma_semaphore, #tpu.memory_space<semaphore_mem>>) src(%dma_wait3A_220 : memref<32x1024xf32, #tpu.memory_space<vmem>>) dst(%dma_wait3A_226 : memref<6144x1024xf32, #tpu.memory_space<hbm>>)
    %dma_wait3A_227 = arith.constant 1 : i32
    %dma_wait3A_228 = arith.constant 1 : i32
    %dma_wait3A_229 = arith.constant 0 : i32
    %dma_wait3A_230 = arith.constant 0 : i32
    %dma_wait3A_231 = tpu.memref_slice %arg9[%dma_wait3A_227, %dma_wait3A_229, %dma_wait3A_230] : memref<2x32x128xf32, #tpu.memory_space<vmem>> -> memref<1x32x128xf32, #tpu.memory_space<vmem>>
    %dma_wait3A_232 = tpu.memref_squeeze %dma_wait3A_231 : memref<1x32x128xf32, #tpu.memory_space<vmem>> -> memref<32x128xf32, #tpu.memory_space<vmem>>
    %dma_wait3A_233 = arith.constant 0 : i32
    %dma_wait3A_234 = tpu.memref_slice %arg7[%dma_wait3A_228, %dma_wait3A_233] : memref<4x32xi32, #tpu.memory_space<vmem>> -> memref<1x32xi32, #tpu.memory_space<vmem>>
    %dma_wait3A_235 = tpu.memref_squeeze %dma_wait3A_234 : memref<1x32xi32, #tpu.memory_space<vmem>> -> memref<32xi32, #tpu.memory_space<vmem>>
    %dma_wait3A_236 = arith.constant 0 : i32
    %dma_wait3A_237 = arith.constant 0 : i32
    %dma_wait3A_238 = tpu.memref_slice %arg6[%dma_wait3A_236, %dma_wait3A_237] : memref<6144x128xf32, #tpu.memory_space<hbm>> -> memref<6144x128xf32, #tpu.memory_space<hbm>>
    tpu.wait_indirect_dma semaphore(%arg17 : memref<!tpu.dma_semaphore, #tpu.memory_space<semaphore_mem>>) src(%dma_wait3A_232 : memref<32x128xf32, #tpu.memory_space<vmem>>) dst(%dma_wait3A_238 : memref<6144x128xf32, #tpu.memory_space<hbm>>)
    %add3A_239 = arith.constant 96 : i32
    %add3A_240 = arith.addi %mul3A_2, %add3A_239 : i32
    %dma_start3A_241 = arith.constant 1 : i32
    %dma_start3A_242 = arith.constant 0 : i32
    %dma_start3A_243 = arith.constant 0 : i32
    %dma_start3A_244 = tpu.memref_slice %arg8[%dma_start3A_241, %dma_start3A_242, %dma_start3A_243] : memref<2x32x1024xf32, #tpu.memory_space<vmem>> -> memref<1x32x1024xf32, #tpu.memory_space<vmem>>
    %dma_start3A_245 = tpu.memref_squeeze %dma_start3A_244 : memref<1x32x1024xf32, #tpu.memory_space<vmem>> -> memref<32x1024xf32, #tpu.memory_space<vmem>>
    %dma_start3A_246 = arith.constant 0 : i32
    %dma_start3A_247 = tpu.memref_slice %arg2[%add3A_240, %dma_start3A_246] : memref<4096x1024xf32, #tpu.memory_space<hbm>> -> memref<32x1024xf32, #tpu.memory_space<hbm>>
    %dma_start3A_248 = arith.constant 0 : i32
    %dma_start3A_249 = arith.constant 0 : i32
    %dma_start3A_250 = tpu.memref_slice %arg8[%dma_start3A_241, %dma_start3A_248, %dma_start3A_249] : memref<2x32x1024xf32, #tpu.memory_space<vmem>> -> memref<1x32x1024xf32, #tpu.memory_space<vmem>>
    %dma_start3A_251 = tpu.memref_squeeze %dma_start3A_250 : memref<1x32x1024xf32, #tpu.memory_space<vmem>> -> memref<32x1024xf32, #tpu.memory_space<vmem>>
    %dma_start3A_252 = arith.constant 0 : i32
    %dma_start3A_253 = tpu.memref_slice %arg2[%add3A_240, %dma_start3A_252] : memref<4096x1024xf32, #tpu.memory_space<hbm>> -> memref<32x1024xf32, #tpu.memory_space<hbm>>
    tpu.enqueue_dma source(%dma_start3A_253 : memref<32x1024xf32, #tpu.memory_space<hbm>>) target(%dma_start3A_251 : memref<32x1024xf32, #tpu.memory_space<vmem>>) target_semaphore(%arg11 : memref<!tpu.dma_semaphore, #tpu.memory_space<semaphore_mem>>)
    %add3A_254 = arith.constant 96 : i32
    %add3A_255 = arith.addi %mul3A_2, %add3A_254 : i32
    %dma_start3A_256 = arith.constant 1 : i32
    %dma_start3A_257 = arith.constant 0 : i32
    %dma_start3A_258 = arith.constant 0 : i32
    %dma_start3A_259 = tpu.memref_slice %arg9[%dma_start3A_256, %dma_start3A_257, %dma_start3A_258] : memref<2x32x128xf32, #tpu.memory_space<vmem>> -> memref<1x32x128xf32, #tpu.memory_space<vmem>>
    %dma_start3A_260 = tpu.memref_squeeze %dma_start3A_259 : memref<1x32x128xf32, #tpu.memory_space<vmem>> -> memref<32x128xf32, #tpu.memory_space<vmem>>
    %dma_start3A_261 = arith.constant 0 : i32
    %dma_start3A_262 = tpu.memref_slice %arg3[%add3A_255, %dma_start3A_261] : memref<4096x128xf32, #tpu.memory_space<hbm>> -> memref<32x128xf32, #tpu.memory_space<hbm>>
    %dma_start3A_263 = arith.constant 0 : i32
    %dma_start3A_264 = arith.constant 0 : i32
    %dma_start3A_265 = tpu.memref_slice %arg9[%dma_start3A_256, %dma_start3A_263, %dma_start3A_264] : memref<2x32x128xf32, #tpu.memory_space<vmem>> -> memref<1x32x128xf32, #tpu.memory_space<vmem>>
    %dma_start3A_266 = tpu.memref_squeeze %dma_start3A_265 : memref<1x32x128xf32, #tpu.memory_space<vmem>> -> memref<32x128xf32, #tpu.memory_space<vmem>>
    %dma_start3A_267 = arith.constant 0 : i32
    %dma_start3A_268 = tpu.memref_slice %arg3[%add3A_255, %dma_start3A_267] : memref<4096x128xf32, #tpu.memory_space<hbm>> -> memref<32x128xf32, #tpu.memory_space<hbm>>
    tpu.enqueue_dma source(%dma_start3A_268 : memref<32x128xf32, #tpu.memory_space<hbm>>) target(%dma_start3A_266 : memref<32x128xf32, #tpu.memory_space<vmem>>) target_semaphore(%arg13 : memref<!tpu.dma_semaphore, #tpu.memory_space<semaphore_mem>>)
    %dma_wait3A_269 = arith.constant 0 : i32
    %dma_wait3A_270 = arith.constant 0 : i32
    %dma_wait3A_271 = arith.constant 0 : i32
    %dma_wait3A_272 = tpu.memref_slice %arg8[%dma_wait3A_269, %dma_wait3A_270, %dma_wait3A_271] : memref<2x32x1024xf32, #tpu.memory_space<vmem>> -> memref<1x32x1024xf32, #tpu.memory_space<vmem>>
    %dma_wait3A_273 = tpu.memref_squeeze %dma_wait3A_272 : memref<1x32x1024xf32, #tpu.memory_space<vmem>> -> memref<32x1024xf32, #tpu.memory_space<vmem>>
    %dma_wait3A_274 = arith.constant 0 : i32
    %dma_wait3A_275 = tpu.memref_slice %arg2[%add3A_136, %dma_wait3A_274] : memref<4096x1024xf32, #tpu.memory_space<hbm>> -> memref<32x1024xf32, #tpu.memory_space<hbm>>
    %dma_wait3A_276 = arith.constant 0 : i32
    %dma_wait3A_277 = arith.constant 0 : i32
    %dma_wait3A_278 = tpu.memref_slice %arg8[%dma_wait3A_269, %dma_wait3A_276, %dma_wait3A_277] : memref<2x32x1024xf32, #tpu.memory_space<vmem>> -> memref<1x32x1024xf32, #tpu.memory_space<vmem>>
    %dma_wait3A_279 = tpu.memref_squeeze %dma_wait3A_278 : memref<1x32x1024xf32, #tpu.memory_space<vmem>> -> memref<32x1024xf32, #tpu.memory_space<vmem>>
    %dma_wait3A_280 = arith.constant 0 : i32
    %dma_wait3A_281 = tpu.memref_slice %arg2[%add3A_136, %dma_wait3A_280] : memref<4096x1024xf32, #tpu.memory_space<hbm>> -> memref<32x1024xf32, #tpu.memory_space<hbm>>
    tpu.wait_dma2 semaphore(%arg10 : memref<!tpu.dma_semaphore, #tpu.memory_space<semaphore_mem>>) src(%dma_wait3A_281 : memref<32x1024xf32, #tpu.memory_space<hbm>>) dst(%dma_wait3A_279 : memref<32x1024xf32, #tpu.memory_space<vmem>>)
    %dma_start3A_282 = arith.constant 0 : i32
    %dma_start3A_283 = arith.constant 2 : i32
    %dma_start3A_284 = arith.constant 0 : i32
    %dma_start3A_285 = arith.constant 0 : i32
    %dma_start3A_286 = tpu.memref_slice %arg8[%dma_start3A_282, %dma_start3A_284, %dma_start3A_285] : memref<2x32x1024xf32, #tpu.memory_space<vmem>> -> memref<1x32x1024xf32, #tpu.memory_space<vmem>>
    %dma_start3A_287 = tpu.memref_squeeze %dma_start3A_286 : memref<1x32x1024xf32, #tpu.memory_space<vmem>> -> memref<32x1024xf32, #tpu.memory_space<vmem>>
    %dma_start3A_288 = arith.constant 0 : i32
    %dma_start3A_289 = tpu.memref_slice %arg7[%dma_start3A_283, %dma_start3A_288] : memref<4x32xi32, #tpu.memory_space<vmem>> -> memref<1x32xi32, #tpu.memory_space<vmem>>
    %dma_start3A_290 = tpu.memref_squeeze %dma_start3A_289 : memref<1x32xi32, #tpu.memory_space<vmem>> -> memref<32xi32, #tpu.memory_space<vmem>>
    %dma_start3A_291 = arith.constant 0 : i32
    %dma_start3A_292 = arith.constant 0 : i32
    %dma_start3A_293 = tpu.memref_slice %arg5[%dma_start3A_291, %dma_start3A_292] : memref<6144x1024xf32, #tpu.memory_space<hbm>> -> memref<6144x1024xf32, #tpu.memory_space<hbm>>
    tpu.enqueue_indirect_dma source(%dma_start3A_287 : memref<32x1024xf32, #tpu.memory_space<vmem>>) target(%dma_start3A_293 : memref<6144x1024xf32, #tpu.memory_space<hbm>>) offsets(%dma_start3A_290 : memref<32xi32, #tpu.memory_space<vmem>>) semaphore(%arg14 : memref<!tpu.dma_semaphore, #tpu.memory_space<semaphore_mem>>)
    %dma_wait3A_294 = arith.constant 0 : i32
    %dma_wait3A_295 = arith.constant 0 : i32
    %dma_wait3A_296 = arith.constant 0 : i32
    %dma_wait3A_297 = tpu.memref_slice %arg9[%dma_wait3A_294, %dma_wait3A_295, %dma_wait3A_296] : memref<2x32x128xf32, #tpu.memory_space<vmem>> -> memref<1x32x128xf32, #tpu.memory_space<vmem>>
    %dma_wait3A_298 = tpu.memref_squeeze %dma_wait3A_297 : memref<1x32x128xf32, #tpu.memory_space<vmem>> -> memref<32x128xf32, #tpu.memory_space<vmem>>
    %dma_wait3A_299 = arith.constant 0 : i32
    %dma_wait3A_300 = tpu.memref_slice %arg3[%add3A_151, %dma_wait3A_299] : memref<4096x128xf32, #tpu.memory_space<hbm>> -> memref<32x128xf32, #tpu.memory_space<hbm>>
    %dma_wait3A_301 = arith.constant 0 : i32
    %dma_wait3A_302 = arith.constant 0 : i32
    %dma_wait3A_303 = tpu.memref_slice %arg9[%dma_wait3A_294, %dma_wait3A_301, %dma_wait3A_302] : memref<2x32x128xf32, #tpu.memory_space<vmem>> -> memref<1x32x128xf32, #tpu.memory_space<vmem>>
    %dma_wait3A_304 = tpu.memref_squeeze %dma_wait3A_303 : memref<1x32x128xf32, #tpu.memory_space<vmem>> -> memref<32x128xf32, #tpu.memory_space<vmem>>
    %dma_wait3A_305 = arith.constant 0 : i32
    %dma_wait3A_306 = tpu.memref_slice %arg3[%add3A_151, %dma_wait3A_305] : memref<4096x128xf32, #tpu.memory_space<hbm>> -> memref<32x128xf32, #tpu.memory_space<hbm>>
    tpu.wait_dma2 semaphore(%arg12 : memref<!tpu.dma_semaphore, #tpu.memory_space<semaphore_mem>>) src(%dma_wait3A_306 : memref<32x128xf32, #tpu.memory_space<hbm>>) dst(%dma_wait3A_304 : memref<32x128xf32, #tpu.memory_space<vmem>>)
    %dma_start3A_307 = arith.constant 0 : i32
    %dma_start3A_308 = arith.constant 2 : i32
    %dma_start3A_309 = arith.constant 0 : i32
    %dma_start3A_310 = arith.constant 0 : i32
    %dma_start3A_311 = tpu.memref_slice %arg9[%dma_start3A_307, %dma_start3A_309, %dma_start3A_310] : memref<2x32x128xf32, #tpu.memory_space<vmem>> -> memref<1x32x128xf32, #tpu.memory_space<vmem>>
    %dma_start3A_312 = tpu.memref_squeeze %dma_start3A_311 : memref<1x32x128xf32, #tpu.memory_space<vmem>> -> memref<32x128xf32, #tpu.memory_space<vmem>>
    %dma_start3A_313 = arith.constant 0 : i32
    %dma_start3A_314 = tpu.memref_slice %arg7[%dma_start3A_308, %dma_start3A_313] : memref<4x32xi32, #tpu.memory_space<vmem>> -> memref<1x32xi32, #tpu.memory_space<vmem>>
    %dma_start3A_315 = tpu.memref_squeeze %dma_start3A_314 : memref<1x32xi32, #tpu.memory_space<vmem>> -> memref<32xi32, #tpu.memory_space<vmem>>
    %dma_start3A_316 = arith.constant 0 : i32
    %dma_start3A_317 = arith.constant 0 : i32
    %dma_start3A_318 = tpu.memref_slice %arg6[%dma_start3A_316, %dma_start3A_317] : memref<6144x128xf32, #tpu.memory_space<hbm>> -> memref<6144x128xf32, #tpu.memory_space<hbm>>
    tpu.enqueue_indirect_dma source(%dma_start3A_312 : memref<32x128xf32, #tpu.memory_space<vmem>>) target(%dma_start3A_318 : memref<6144x128xf32, #tpu.memory_space<hbm>>) offsets(%dma_start3A_315 : memref<32xi32, #tpu.memory_space<vmem>>) semaphore(%arg16 : memref<!tpu.dma_semaphore, #tpu.memory_space<semaphore_mem>>)
    %dma_wait3A_319 = arith.constant 1 : i32
    %dma_wait3A_320 = arith.constant 0 : i32
    %dma_wait3A_321 = arith.constant 0 : i32
    %dma_wait3A_322 = tpu.memref_slice %arg8[%dma_wait3A_319, %dma_wait3A_320, %dma_wait3A_321] : memref<2x32x1024xf32, #tpu.memory_space<vmem>> -> memref<1x32x1024xf32, #tpu.memory_space<vmem>>
    %dma_wait3A_323 = tpu.memref_squeeze %dma_wait3A_322 : memref<1x32x1024xf32, #tpu.memory_space<vmem>> -> memref<32x1024xf32, #tpu.memory_space<vmem>>
    %dma_wait3A_324 = arith.constant 0 : i32
    %dma_wait3A_325 = tpu.memref_slice %arg2[%add3A_240, %dma_wait3A_324] : memref<4096x1024xf32, #tpu.memory_space<hbm>> -> memref<32x1024xf32, #tpu.memory_space<hbm>>
    %dma_wait3A_326 = arith.constant 0 : i32
    %dma_wait3A_327 = arith.constant 0 : i32
    %dma_wait3A_328 = tpu.memref_slice %arg8[%dma_wait3A_319, %dma_wait3A_326, %dma_wait3A_327] : memref<2x32x1024xf32, #tpu.memory_space<vmem>> -> memref<1x32x1024xf32, #tpu.memory_space<vmem>>
    %dma_wait3A_329 = tpu.memref_squeeze %dma_wait3A_328 : memref<1x32x1024xf32, #tpu.memory_space<vmem>> -> memref<32x1024xf32, #tpu.memory_space<vmem>>
    %dma_wait3A_330 = arith.constant 0 : i32
    %dma_wait3A_331 = tpu.memref_slice %arg2[%add3A_240, %dma_wait3A_330] : memref<4096x1024xf32, #tpu.memory_space<hbm>> -> memref<32x1024xf32, #tpu.memory_space<hbm>>
    tpu.wait_dma2 semaphore(%arg11 : memref<!tpu.dma_semaphore, #tpu.memory_space<semaphore_mem>>) src(%dma_wait3A_331 : memref<32x1024xf32, #tpu.memory_space<hbm>>) dst(%dma_wait3A_329 : memref<32x1024xf32, #tpu.memory_space<vmem>>)
    %dma_start3A_332 = arith.constant 1 : i32
    %dma_start3A_333 = arith.constant 3 : i32
    %dma_start3A_334 = arith.constant 0 : i32
    %dma_start3A_335 = arith.constant 0 : i32
    %dma_start3A_336 = tpu.memref_slice %arg8[%dma_start3A_332, %dma_start3A_334, %dma_start3A_335] : memref<2x32x1024xf32, #tpu.memory_space<vmem>> -> memref<1x32x1024xf32, #tpu.memory_space<vmem>>
    %dma_start3A_337 = tpu.memref_squeeze %dma_start3A_336 : memref<1x32x1024xf32, #tpu.memory_space<vmem>> -> memref<32x1024xf32, #tpu.memory_space<vmem>>
    %dma_start3A_338 = arith.constant 0 : i32
    %dma_start3A_339 = tpu.memref_slice %arg7[%dma_start3A_333, %dma_start3A_338] : memref<4x32xi32, #tpu.memory_space<vmem>> -> memref<1x32xi32, #tpu.memory_space<vmem>>
    %dma_start3A_340 = tpu.memref_squeeze %dma_start3A_339 : memref<1x32xi32, #tpu.memory_space<vmem>> -> memref<32xi32, #tpu.memory_space<vmem>>
    %dma_start3A_341 = arith.constant 0 : i32
    %dma_start3A_342 = arith.constant 0 : i32
    %dma_start3A_343 = tpu.memref_slice %arg5[%dma_start3A_341, %dma_start3A_342] : memref<6144x1024xf32, #tpu.memory_space<hbm>> -> memref<6144x1024xf32, #tpu.memory_space<hbm>>
    tpu.enqueue_indirect_dma source(%dma_start3A_337 : memref<32x1024xf32, #tpu.memory_space<vmem>>) target(%dma_start3A_343 : memref<6144x1024xf32, #tpu.memory_space<hbm>>) offsets(%dma_start3A_340 : memref<32xi32, #tpu.memory_space<vmem>>) semaphore(%arg15 : memref<!tpu.dma_semaphore, #tpu.memory_space<semaphore_mem>>)
    %dma_wait3A_344 = arith.constant 1 : i32
    %dma_wait3A_345 = arith.constant 0 : i32
    %dma_wait3A_346 = arith.constant 0 : i32
    %dma_wait3A_347 = tpu.memref_slice %arg9[%dma_wait3A_344, %dma_wait3A_345, %dma_wait3A_346] : memref<2x32x128xf32, #tpu.memory_space<vmem>> -> memref<1x32x128xf32, #tpu.memory_space<vmem>>
    %dma_wait3A_348 = tpu.memref_squeeze %dma_wait3A_347 : memref<1x32x128xf32, #tpu.memory_space<vmem>> -> memref<32x128xf32, #tpu.memory_space<vmem>>
    %dma_wait3A_349 = arith.constant 0 : i32
    %dma_wait3A_350 = tpu.memref_slice %arg3[%add3A_255, %dma_wait3A_349] : memref<4096x128xf32, #tpu.memory_space<hbm>> -> memref<32x128xf32, #tpu.memory_space<hbm>>
    %dma_wait3A_351 = arith.constant 0 : i32
    %dma_wait3A_352 = arith.constant 0 : i32
    %dma_wait3A_353 = tpu.memref_slice %arg9[%dma_wait3A_344, %dma_wait3A_351, %dma_wait3A_352] : memref<2x32x128xf32, #tpu.memory_space<vmem>> -> memref<1x32x128xf32, #tpu.memory_space<vmem>>
    %dma_wait3A_354 = tpu.memref_squeeze %dma_wait3A_353 : memref<1x32x128xf32, #tpu.memory_space<vmem>> -> memref<32x128xf32, #tpu.memory_space<vmem>>
    %dma_wait3A_355 = arith.constant 0 : i32
    %dma_wait3A_356 = tpu.memref_slice %arg3[%add3A_255, %dma_wait3A_355] : memref<4096x128xf32, #tpu.memory_space<hbm>> -> memref<32x128xf32, #tpu.memory_space<hbm>>
    tpu.wait_dma2 semaphore(%arg13 : memref<!tpu.dma_semaphore, #tpu.memory_space<semaphore_mem>>) src(%dma_wait3A_356 : memref<32x128xf32, #tpu.memory_space<hbm>>) dst(%dma_wait3A_354 : memref<32x128xf32, #tpu.memory_space<vmem>>)
    %dma_start3A_357 = arith.constant 1 : i32
    %dma_start3A_358 = arith.constant 3 : i32
    %dma_start3A_359 = arith.constant 0 : i32
    %dma_start3A_360 = arith.constant 0 : i32
    %dma_start3A_361 = tpu.memref_slice %arg9[%dma_start3A_357, %dma_start3A_359, %dma_start3A_360] : memref<2x32x128xf32, #tpu.memory_space<vmem>> -> memref<1x32x128xf32, #tpu.memory_space<vmem>>
    %dma_start3A_362 = tpu.memref_squeeze %dma_start3A_361 : memref<1x32x128xf32, #tpu.memory_space<vmem>> -> memref<32x128xf32, #tpu.memory_space<vmem>>
    %dma_start3A_363 = arith.constant 0 : i32
    %dma_start3A_364 = tpu.memref_slice %arg7[%dma_start3A_358, %dma_start3A_363] : memref<4x32xi32, #tpu.memory_space<vmem>> -> memref<1x32xi32, #tpu.memory_space<vmem>>
    %dma_start3A_365 = tpu.memref_squeeze %dma_start3A_364 : memref<1x32xi32, #tpu.memory_space<vmem>> -> memref<32xi32, #tpu.memory_space<vmem>>
    %dma_start3A_366 = arith.constant 0 : i32
    %dma_start3A_367 = arith.constant 0 : i32
    %dma_start3A_368 = tpu.memref_slice %arg6[%dma_start3A_366, %dma_start3A_367] : memref<6144x128xf32, #tpu.memory_space<hbm>> -> memref<6144x128xf32, #tpu.memory_space<hbm>>
    tpu.enqueue_indirect_dma source(%dma_start3A_362 : memref<32x128xf32, #tpu.memory_space<vmem>>) target(%dma_start3A_368 : memref<6144x128xf32, #tpu.memory_space<hbm>>) offsets(%dma_start3A_365 : memref<32xi32, #tpu.memory_space<vmem>>) semaphore(%arg17 : memref<!tpu.dma_semaphore, #tpu.memory_space<semaphore_mem>>)
    %dma_wait3A_369 = arith.constant 0 : i32
    %dma_wait3A_370 = arith.constant 2 : i32
    %dma_wait3A_371 = arith.constant 0 : i32
    %dma_wait3A_372 = arith.constant 0 : i32
    %dma_wait3A_373 = tpu.memref_slice %arg8[%dma_wait3A_369, %dma_wait3A_371, %dma_wait3A_372] : memref<2x32x1024xf32, #tpu.memory_space<vmem>> -> memref<1x32x1024xf32, #tpu.memory_space<vmem>>
    %dma_wait3A_374 = tpu.memref_squeeze %dma_wait3A_373 : memref<1x32x1024xf32, #tpu.memory_space<vmem>> -> memref<32x1024xf32, #tpu.memory_space<vmem>>
    %dma_wait3A_375 = arith.constant 0 : i32
    %dma_wait3A_376 = tpu.memref_slice %arg7[%dma_wait3A_370, %dma_wait3A_375] : memref<4x32xi32, #tpu.memory_space<vmem>> -> memref<1x32xi32, #tpu.memory_space<vmem>>
    %dma_wait3A_377 = tpu.memref_squeeze %dma_wait3A_376 : memref<1x32xi32, #tpu.memory_space<vmem>> -> memref<32xi32, #tpu.memory_space<vmem>>
    %dma_wait3A_378 = arith.constant 0 : i32
    %dma_wait3A_379 = arith.constant 0 : i32
    %dma_wait3A_380 = tpu.memref_slice %arg5[%dma_wait3A_378, %dma_wait3A_379] : memref<6144x1024xf32, #tpu.memory_space<hbm>> -> memref<6144x1024xf32, #tpu.memory_space<hbm>>
    tpu.wait_indirect_dma semaphore(%arg14 : memref<!tpu.dma_semaphore, #tpu.memory_space<semaphore_mem>>) src(%dma_wait3A_374 : memref<32x1024xf32, #tpu.memory_space<vmem>>) dst(%dma_wait3A_380 : memref<6144x1024xf32, #tpu.memory_space<hbm>>)
    %dma_wait3A_381 = arith.constant 0 : i32
    %dma_wait3A_382 = arith.constant 2 : i32
    %dma_wait3A_383 = arith.constant 0 : i32
    %dma_wait3A_384 = arith.constant 0 : i32
    %dma_wait3A_385 = tpu.memref_slice %arg9[%dma_wait3A_381, %dma_wait3A_383, %dma_wait3A_384] : memref<2x32x128xf32, #tpu.memory_space<vmem>> -> memref<1x32x128xf32, #tpu.memory_space<vmem>>
    %dma_wait3A_386 = tpu.memref_squeeze %dma_wait3A_385 : memref<1x32x128xf32, #tpu.memory_space<vmem>> -> memref<32x128xf32, #tpu.memory_space<vmem>>
    %dma_wait3A_387 = arith.constant 0 : i32
    %dma_wait3A_388 = tpu.memref_slice %arg7[%dma_wait3A_382, %dma_wait3A_387] : memref<4x32xi32, #tpu.memory_space<vmem>> -> memref<1x32xi32, #tpu.memory_space<vmem>>
    %dma_wait3A_389 = tpu.memref_squeeze %dma_wait3A_388 : memref<1x32xi32, #tpu.memory_space<vmem>> -> memref<32xi32, #tpu.memory_space<vmem>>
    %dma_wait3A_390 = arith.constant 0 : i32
    %dma_wait3A_391 = arith.constant 0 : i32
    %dma_wait3A_392 = tpu.memref_slice %arg6[%dma_wait3A_390, %dma_wait3A_391] : memref<6144x128xf32, #tpu.memory_space<hbm>> -> memref<6144x128xf32, #tpu.memory_space<hbm>>
    tpu.wait_indirect_dma semaphore(%arg16 : memref<!tpu.dma_semaphore, #tpu.memory_space<semaphore_mem>>) src(%dma_wait3A_386 : memref<32x128xf32, #tpu.memory_space<vmem>>) dst(%dma_wait3A_392 : memref<6144x128xf32, #tpu.memory_space<hbm>>)
    %dma_wait3A_393 = arith.constant 1 : i32
    %dma_wait3A_394 = arith.constant 3 : i32
    %dma_wait3A_395 = arith.constant 0 : i32
    %dma_wait3A_396 = arith.constant 0 : i32
    %dma_wait3A_397 = tpu.memref_slice %arg8[%dma_wait3A_393, %dma_wait3A_395, %dma_wait3A_396] : memref<2x32x1024xf32, #tpu.memory_space<vmem>> -> memref<1x32x1024xf32, #tpu.memory_space<vmem>>
    %dma_wait3A_398 = tpu.memref_squeeze %dma_wait3A_397 : memref<1x32x1024xf32, #tpu.memory_space<vmem>> -> memref<32x1024xf32, #tpu.memory_space<vmem>>
    %dma_wait3A_399 = arith.constant 0 : i32
    %dma_wait3A_400 = tpu.memref_slice %arg7[%dma_wait3A_394, %dma_wait3A_399] : memref<4x32xi32, #tpu.memory_space<vmem>> -> memref<1x32xi32, #tpu.memory_space<vmem>>
    %dma_wait3A_401 = tpu.memref_squeeze %dma_wait3A_400 : memref<1x32xi32, #tpu.memory_space<vmem>> -> memref<32xi32, #tpu.memory_space<vmem>>
    %dma_wait3A_402 = arith.constant 0 : i32
    %dma_wait3A_403 = arith.constant 0 : i32
    %dma_wait3A_404 = tpu.memref_slice %arg5[%dma_wait3A_402, %dma_wait3A_403] : memref<6144x1024xf32, #tpu.memory_space<hbm>> -> memref<6144x1024xf32, #tpu.memory_space<hbm>>
    tpu.wait_indirect_dma semaphore(%arg15 : memref<!tpu.dma_semaphore, #tpu.memory_space<semaphore_mem>>) src(%dma_wait3A_398 : memref<32x1024xf32, #tpu.memory_space<vmem>>) dst(%dma_wait3A_404 : memref<6144x1024xf32, #tpu.memory_space<hbm>>)
    %dma_wait3A_405 = arith.constant 1 : i32
    %dma_wait3A_406 = arith.constant 3 : i32
    %dma_wait3A_407 = arith.constant 0 : i32
    %dma_wait3A_408 = arith.constant 0 : i32
    %dma_wait3A_409 = tpu.memref_slice %arg9[%dma_wait3A_405, %dma_wait3A_407, %dma_wait3A_408] : memref<2x32x128xf32, #tpu.memory_space<vmem>> -> memref<1x32x128xf32, #tpu.memory_space<vmem>>
    %dma_wait3A_410 = tpu.memref_squeeze %dma_wait3A_409 : memref<1x32x128xf32, #tpu.memory_space<vmem>> -> memref<32x128xf32, #tpu.memory_space<vmem>>
    %dma_wait3A_411 = arith.constant 0 : i32
    %dma_wait3A_412 = tpu.memref_slice %arg7[%dma_wait3A_406, %dma_wait3A_411] : memref<4x32xi32, #tpu.memory_space<vmem>> -> memref<1x32xi32, #tpu.memory_space<vmem>>
    %dma_wait3A_413 = tpu.memref_squeeze %dma_wait3A_412 : memref<1x32xi32, #tpu.memory_space<vmem>> -> memref<32xi32, #tpu.memory_space<vmem>>
    %dma_wait3A_414 = arith.constant 0 : i32
    %dma_wait3A_415 = arith.constant 0 : i32
    %dma_wait3A_416 = tpu.memref_slice %arg6[%dma_wait3A_414, %dma_wait3A_415] : memref<6144x128xf32, #tpu.memory_space<hbm>> -> memref<6144x128xf32, #tpu.memory_space<hbm>>
    tpu.wait_indirect_dma semaphore(%arg17 : memref<!tpu.dma_semaphore, #tpu.memory_space<semaphore_mem>>) src(%dma_wait3A_410 : memref<32x128xf32, #tpu.memory_space<vmem>>) dst(%dma_wait3A_416 : memref<6144x128xf32, #tpu.memory_space<hbm>>)
    return
  }
}

module attributes {stable_mosaic.version = 14 : i64} {
  func.func @_router_body(%arg0: memref<4096x1024xf32, #tpu.memory_space<vmem>>, %arg1: memref<8x1024xf32, #tpu.memory_space<vmem>>, %arg2: memref<1x8xf32, #tpu.memory_space<vmem>>, %arg3: memref<4096x1xi32, #tpu.memory_space<vmem>>, %arg4: memref<4096x128xf32, #tpu.memory_space<vmem>>, %arg5: memref<4x25xi32, #tpu.memory_space<vmem>>) attributes {dimension_semantics = [], scalar_prefetch = 0 : i64, scratch_operands = 0 : i64, tpu.core_type = #tpu.core_type<tc>} {
    %get3A = arith.constant 0 : index
    %get3A_0 = arith.constant 0 : index
    %get3A_1 = vector.load %arg0[%get3A, %get3A_0] : memref<4096x1024xf32, #tpu.memory_space<vmem>>, vector<4096x1024xf32>
    %get3A_2 = arith.constant 0 : index
    %get3A_3 = arith.constant 0 : index
    %get3A_4 = vector.load %arg1[%get3A_2, %get3A_3] : memref<8x1024xf32, #tpu.memory_space<vmem>>, vector<8x1024xf32>
    %dot_general3A = arith.constant dense<0.000000e+00> : vector<4096x8xf32>
    %dot_general3A_5 = tpu.matmul %get3A_1, %get3A_4, %dot_general3A {dimension_numbers = #tpu.dot_dimension_numbers<[1], [1], [0], [0], [0, 0, 1, 0], [], []>, transpose_lhs_hint = false} : vector<4096x1024xf32>, vector<8x1024xf32>, vector<4096x8xf32> -> vector<4096x8xf32>
    %get3A_6 = arith.constant 0 : index
    %get3A_7 = arith.constant 0 : index
    %get3A_8 = vector.load %arg2[%get3A_6, %get3A_7] : memref<1x8xf32, #tpu.memory_space<vmem>>, vector<1x8xf32>
    %add3A = vector.broadcast %get3A_8 : vector<1x8xf32> to vector<4096x8xf32>
    %add3A_9 = arith.addf %dot_general3A_5, %add3A : vector<4096x8xf32>
    %reduce_max3A = arith.constant dense<0xFF800000> : vector<4096xf32>
    %reduce_max3A_10 = vector.multi_reduction <maximumf>, %add3A_9, %reduce_max3A [1] : vector<4096x8xf32> to vector<4096xf32>
    %broadcast_in_dim3A = vector.shape_cast %reduce_max3A_10 : vector<4096xf32> to vector<4096x1xf32>
    %sub3A = vector.broadcast %broadcast_in_dim3A : vector<4096x1xf32> to vector<4096x8xf32>
    %sub3A_11 = arith.subf %add3A_9, %sub3A : vector<4096x8xf32>
    %exp3A = math.exp %sub3A_11 : vector<4096x8xf32>
    %reduce_sum3A = arith.constant dense<0.000000e+00> : vector<4096xf32>
    %reduce_sum3A_12 = vector.multi_reduction <add>, %exp3A, %reduce_sum3A [1] : vector<4096x8xf32> to vector<4096xf32>
    %broadcast_in_dim3A_13 = vector.shape_cast %reduce_sum3A_12 : vector<4096xf32> to vector<4096x1xf32>
    %div3A = vector.broadcast %broadcast_in_dim3A_13 : vector<4096x1xf32> to vector<4096x8xf32>
    %div3A_14 = arith.divf %exp3A, %div3A : vector<4096x8xf32>
    %reduce_max3A_15 = arith.constant dense<0xFF800000> : vector<4096xf32>
    %reduce_max3A_16 = vector.multi_reduction <maximumf>, %div3A_14, %reduce_max3A_15 [1] : vector<4096x8xf32> to vector<4096xf32>
    %broadcast_in_dim3A_17 = vector.shape_cast %reduce_max3A_16 : vector<4096xf32> to vector<4096x1xf32>
    %iota3A = tpu.iota {dimensions = array<i32: 1>} : vector<4096x8xi32>
    %eq3A = vector.broadcast %broadcast_in_dim3A_17 : vector<4096x1xf32> to vector<4096x8xf32>
    %eq3A_18 = arith.cmpf oeq, %div3A_14, %eq3A : vector<4096x8xf32>
    %jit3A = arith.constant 8 : i32
    %broadcast_in_dim3A_19 = vector.broadcast %jit3A : i32 to vector<4096x8xi32>
    %select_n3A = arith.select %eq3A_18, %iota3A, %broadcast_in_dim3A_19 : vector<4096x8xi1>, vector<4096x8xi32>
    %reduce_min3A = arith.constant dense<2147483647> : vector<4096xi32>
    %reduce_min3A_20 = vector.multi_reduction <minsi>, %select_n3A, %reduce_min3A [1] : vector<4096x8xi32> to vector<4096xi32>
    %broadcast_in_dim3A_21 = vector.shape_cast %reduce_min3A_20 : vector<4096xi32> to vector<4096x1xi32>
    %eq3A_22 = vector.broadcast %broadcast_in_dim3A_21 : vector<4096x1xi32> to vector<4096x8xi32>
    %eq3A_23 = arith.cmpi eq, %iota3A, %eq3A_22 : vector<4096x8xi32>
    %convert_element_type3A = arith.extui %eq3A_23 : vector<4096x8xi1> to vector<4096x8xi32>
    %broadcast_in_dim3A_24 = arith.constant 0 : i32
    %broadcast_in_dim3A_25 = vector.broadcast %broadcast_in_dim3A_24 : i32 to vector<1x8xi32>
    %slice3A = vector.extract_strided_slice %convert_element_type3A {offsets = [0, 0], sizes = [4095, 8], strides = [1, 1]} : vector<4096x8xi32> to vector<4095x8xi32>
    %concatenate3A = tpu.concatenate %broadcast_in_dim3A_25, %slice3A in 0 : vector<1x8xi32>, vector<4095x8xi32> -> vector<4096x8xi32>
    %add3A_26 = arith.addi %convert_element_type3A, %concatenate3A : vector<4096x8xi32>
    %broadcast_in_dim3A_27 = arith.constant 0 : i32
    %broadcast_in_dim3A_28 = vector.broadcast %broadcast_in_dim3A_27 : i32 to vector<2x8xi32>
    %slice3A_29 = vector.extract_strided_slice %add3A_26 {offsets = [0, 0], sizes = [4094, 8], strides = [1, 1]} : vector<4096x8xi32> to vector<4094x8xi32>
    %concatenate3A_30 = tpu.concatenate %broadcast_in_dim3A_28, %slice3A_29 in 0 : vector<2x8xi32>, vector<4094x8xi32> -> vector<4096x8xi32>
    %add3A_31 = arith.addi %add3A_26, %concatenate3A_30 : vector<4096x8xi32>
    %broadcast_in_dim3A_32 = arith.constant 0 : i32
    %broadcast_in_dim3A_33 = vector.broadcast %broadcast_in_dim3A_32 : i32 to vector<4x8xi32>
    %slice3A_34 = vector.extract_strided_slice %add3A_31 {offsets = [0, 0], sizes = [4092, 8], strides = [1, 1]} : vector<4096x8xi32> to vector<4092x8xi32>
    %concatenate3A_35 = tpu.concatenate %broadcast_in_dim3A_33, %slice3A_34 in 0 : vector<4x8xi32>, vector<4092x8xi32> -> vector<4096x8xi32>
    %add3A_36 = arith.addi %add3A_31, %concatenate3A_35 : vector<4096x8xi32>
    %broadcast_in_dim3A_37 = arith.constant 0 : i32
    %broadcast_in_dim3A_38 = vector.broadcast %broadcast_in_dim3A_37 : i32 to vector<8x8xi32>
    %slice3A_39 = vector.extract_strided_slice %add3A_36 {offsets = [0, 0], sizes = [4088, 8], strides = [1, 1]} : vector<4096x8xi32> to vector<4088x8xi32>
    %concatenate3A_40 = tpu.concatenate %broadcast_in_dim3A_38, %slice3A_39 in 0 : vector<8x8xi32>, vector<4088x8xi32> -> vector<4096x8xi32>
    %add3A_41 = arith.addi %add3A_36, %concatenate3A_40 : vector<4096x8xi32>
    %broadcast_in_dim3A_42 = arith.constant 0 : i32
    %broadcast_in_dim3A_43 = vector.broadcast %broadcast_in_dim3A_42 : i32 to vector<16x8xi32>
    %slice3A_44 = vector.extract_strided_slice %add3A_41 {offsets = [0, 0], sizes = [4080, 8], strides = [1, 1]} : vector<4096x8xi32> to vector<4080x8xi32>
    %concatenate3A_45 = tpu.concatenate %broadcast_in_dim3A_43, %slice3A_44 in 0 : vector<16x8xi32>, vector<4080x8xi32> -> vector<4096x8xi32>
    %add3A_46 = arith.addi %add3A_41, %concatenate3A_45 : vector<4096x8xi32>
    %broadcast_in_dim3A_47 = arith.constant 0 : i32
    %broadcast_in_dim3A_48 = vector.broadcast %broadcast_in_dim3A_47 : i32 to vector<32x8xi32>
    %slice3A_49 = vector.extract_strided_slice %add3A_46 {offsets = [0, 0], sizes = [4064, 8], strides = [1, 1]} : vector<4096x8xi32> to vector<4064x8xi32>
    %concatenate3A_50 = tpu.concatenate %broadcast_in_dim3A_48, %slice3A_49 in 0 : vector<32x8xi32>, vector<4064x8xi32> -> vector<4096x8xi32>
    %add3A_51 = arith.addi %add3A_46, %concatenate3A_50 : vector<4096x8xi32>
    %broadcast_in_dim3A_52 = arith.constant 0 : i32
    %broadcast_in_dim3A_53 = vector.broadcast %broadcast_in_dim3A_52 : i32 to vector<64x8xi32>
    %slice3A_54 = vector.extract_strided_slice %add3A_51 {offsets = [0, 0], sizes = [4032, 8], strides = [1, 1]} : vector<4096x8xi32> to vector<4032x8xi32>
    %concatenate3A_55 = tpu.concatenate %broadcast_in_dim3A_53, %slice3A_54 in 0 : vector<64x8xi32>, vector<4032x8xi32> -> vector<4096x8xi32>
    %add3A_56 = arith.addi %add3A_51, %concatenate3A_55 : vector<4096x8xi32>
    %broadcast_in_dim3A_57 = arith.constant 0 : i32
    %broadcast_in_dim3A_58 = vector.broadcast %broadcast_in_dim3A_57 : i32 to vector<128x8xi32>
    %slice3A_59 = vector.extract_strided_slice %add3A_56 {offsets = [0, 0], sizes = [3968, 8], strides = [1, 1]} : vector<4096x8xi32> to vector<3968x8xi32>
    %concatenate3A_60 = tpu.concatenate %broadcast_in_dim3A_58, %slice3A_59 in 0 : vector<128x8xi32>, vector<3968x8xi32> -> vector<4096x8xi32>
    %add3A_61 = arith.addi %add3A_56, %concatenate3A_60 : vector<4096x8xi32>
    %broadcast_in_dim3A_62 = arith.constant 0 : i32
    %broadcast_in_dim3A_63 = vector.broadcast %broadcast_in_dim3A_62 : i32 to vector<256x8xi32>
    %slice3A_64 = vector.extract_strided_slice %add3A_61 {offsets = [0, 0], sizes = [3840, 8], strides = [1, 1]} : vector<4096x8xi32> to vector<3840x8xi32>
    %concatenate3A_65 = tpu.concatenate %broadcast_in_dim3A_63, %slice3A_64 in 0 : vector<256x8xi32>, vector<3840x8xi32> -> vector<4096x8xi32>
    %add3A_66 = arith.addi %add3A_61, %concatenate3A_65 : vector<4096x8xi32>
    %broadcast_in_dim3A_67 = arith.constant 0 : i32
    %broadcast_in_dim3A_68 = vector.broadcast %broadcast_in_dim3A_67 : i32 to vector<512x8xi32>
    %slice3A_69 = vector.extract_strided_slice %add3A_66 {offsets = [0, 0], sizes = [3584, 8], strides = [1, 1]} : vector<4096x8xi32> to vector<3584x8xi32>
    %concatenate3A_70 = tpu.concatenate %broadcast_in_dim3A_68, %slice3A_69 in 0 : vector<512x8xi32>, vector<3584x8xi32> -> vector<4096x8xi32>
    %add3A_71 = arith.addi %add3A_66, %concatenate3A_70 : vector<4096x8xi32>
    %broadcast_in_dim3A_72 = arith.constant 0 : i32
    %broadcast_in_dim3A_73 = vector.broadcast %broadcast_in_dim3A_72 : i32 to vector<1024x8xi32>
    %slice3A_74 = vector.extract_strided_slice %add3A_71 {offsets = [0, 0], sizes = [3072, 8], strides = [1, 1]} : vector<4096x8xi32> to vector<3072x8xi32>
    %concatenate3A_75 = tpu.concatenate %broadcast_in_dim3A_73, %slice3A_74 in 0 : vector<1024x8xi32>, vector<3072x8xi32> -> vector<4096x8xi32>
    %add3A_76 = arith.addi %add3A_71, %concatenate3A_75 : vector<4096x8xi32>
    %broadcast_in_dim3A_77 = arith.constant 0 : i32
    %broadcast_in_dim3A_78 = vector.broadcast %broadcast_in_dim3A_77 : i32 to vector<2048x8xi32>
    %slice3A_79 = vector.extract_strided_slice %add3A_76 {offsets = [0, 0], sizes = [2048, 8], strides = [1, 1]} : vector<4096x8xi32> to vector<2048x8xi32>
    %concatenate3A_80 = tpu.concatenate %broadcast_in_dim3A_78, %slice3A_79 in 0 : vector<2048x8xi32>, vector<2048x8xi32> -> vector<4096x8xi32>
    %add3A_81 = arith.addi %add3A_76, %concatenate3A_80 : vector<4096x8xi32>
    %slice3A_82 = vector.extract_strided_slice %add3A_81 {offsets = [4095, 0], sizes = [1, 8], strides = [1, 1]} : vector<4096x8xi32> to vector<1x8xi32>
    %add3A_83 = arith.constant 256 : i32
    %add3A_84 = vector.broadcast %add3A_83 : i32 to vector<1x8xi32>
    %add3A_85 = arith.addi %slice3A_82, %add3A_84 : vector<1x8xi32>
    %sub3A_86 = arith.constant 1 : i32
    %sub3A_87 = vector.broadcast %sub3A_86 : i32 to vector<1x8xi32>
    %sub3A_88 = arith.subi %add3A_85, %sub3A_87 : vector<1x8xi32>
    %jit3A_89 = arith.constant 256 : i32
    %div3A_90 = vector.broadcast %jit3A_89 : i32 to vector<1x8xi32>
    %div3A_91 = arith.divsi %sub3A_88, %div3A_90 : vector<1x8xi32>
    %sign3A = arith.constant 0 : i32
    %sign3A_92 = vector.broadcast %sign3A : i32 to vector<1x8xi32>
    %sign3A_93 = arith.cmpi sgt, %sub3A_88, %sign3A_92 : vector<1x8xi32>
    %sign3A_94 = arith.extui %sign3A_93 : vector<1x8xi1> to vector<1x8xi32>
    %sign3A_95 = arith.constant 0 : i32
    %sign3A_96 = vector.broadcast %sign3A_95 : i32 to vector<1x8xi32>
    %sign3A_97 = arith.cmpi slt, %sub3A_88, %sign3A_96 : vector<1x8xi32>
    %sign3A_98 = arith.extui %sign3A_97 : vector<1x8xi1> to vector<1x8xi32>
    %sign3A_99 = arith.subi %sign3A_94, %sign3A_98 : vector<1x8xi32>
    %sign3A_100 = arith.constant 0 : i32
    %sign3A_101 = arith.cmpi sgt, %jit3A_89, %sign3A_100 : i32
    %sign3A_102 = arith.extui %sign3A_101 : i1 to i32
    %sign3A_103 = arith.constant 0 : i32
    %sign3A_104 = arith.cmpi slt, %jit3A_89, %sign3A_103 : i32
    %sign3A_105 = arith.extui %sign3A_104 : i1 to i32
    %sign3A_106 = arith.subi %sign3A_102, %sign3A_105 : i32
    %ne3A = vector.broadcast %sign3A_106 : i32 to vector<1x8xi32>
    %ne3A_107 = arith.cmpi ne, %sign3A_99, %ne3A : vector<1x8xi32>
    %rem3A = vector.broadcast %jit3A_89 : i32 to vector<1x8xi32>
    %rem3A_108 = arith.remsi %sub3A_88, %rem3A : vector<1x8xi32>
    %ne3A_109 = arith.constant 0 : i32
    %ne3A_110 = vector.broadcast %ne3A_109 : i32 to vector<1x8xi32>
    %ne3A_111 = arith.cmpi ne, %rem3A_108, %ne3A_110 : vector<1x8xi32>
    %and3A = arith.andi %ne3A_107, %ne3A_111 : vector<1x8xi1>
    %sub3A_112 = arith.constant 1 : i32
    %sub3A_113 = vector.broadcast %sub3A_112 : i32 to vector<1x8xi32>
    %sub3A_114 = arith.subi %div3A_91, %sub3A_113 : vector<1x8xi32>
    %select_n3A_115 = arith.select %and3A, %sub3A_114, %div3A_91 : vector<1x8xi1>, vector<1x8xi32>
    %mul3A = arith.constant 256 : i32
    %mul3A_116 = vector.broadcast %mul3A : i32 to vector<1x8xi32>
    %mul3A_117 = arith.muli %select_n3A_115, %mul3A_116 : vector<1x8xi32>
    %iota3A_118 = tpu.iota {dimensions = array<i32: 0>} : vector<8x8xi32>
    %iota3A_119 = tpu.iota {dimensions = array<i32: 1>} : vector<8x8xi32>
    %broadcast_in_dim3A_120 = vector.shape_cast %mul3A_117 : vector<1x8xi32> to vector<1x8xi32>
    %broadcast_in_dim3A_121 = vector.broadcast %broadcast_in_dim3A_120 : vector<1x8xi32> to vector<8x8xi32>
    %lt3A = arith.cmpi slt, %iota3A_119, %iota3A_118 : vector<8x8xi32>
    %jit3A_122 = arith.constant 0 : i32
    %broadcast_in_dim3A_123 = vector.broadcast %jit3A_122 : i32 to vector<8x8xi32>
    %select_n3A_124 = arith.select %lt3A, %broadcast_in_dim3A_121, %broadcast_in_dim3A_123 : vector<8x8xi1>, vector<8x8xi32>
    %reduce_sum3A_125 = arith.constant dense<0> : vector<8xi32>
    %reduce_sum3A_126 = vector.multi_reduction <add>, %select_n3A_124, %reduce_sum3A_125 [1] : vector<8x8xi32> to vector<8xi32>
    %broadcast_in_dim3A_127 = vector.shape_cast %reduce_sum3A_126 : vector<8xi32> to vector<8x1xi32>
    %transpose3A = tpu.transpose %broadcast_in_dim3A_127, [1, 0] : vector<8x1xi32> -> vector<1x8xi32>
    %broadcast_in_dim3A_128 = vector.shape_cast %transpose3A : vector<1x8xi32> to vector<1x8xi32>
    %broadcast_in_dim3A_129 = vector.broadcast %broadcast_in_dim3A_128 : vector<1x8xi32> to vector<4096x8xi32>
    %jit3A_130 = arith.constant 0 : i32
    %broadcast_in_dim3A_131 = vector.broadcast %jit3A_130 : i32 to vector<4096x8xi32>
    %select_n3A_132 = arith.select %eq3A_23, %broadcast_in_dim3A_129, %broadcast_in_dim3A_131 : vector<4096x8xi1>, vector<4096x8xi32>
    %reduce_sum3A_133 = arith.constant dense<0> : vector<4096xi32>
    %reduce_sum3A_134 = vector.multi_reduction <add>, %select_n3A_132, %reduce_sum3A_133 [1] : vector<4096x8xi32> to vector<4096xi32>
    %broadcast_in_dim3A_135 = vector.shape_cast %reduce_sum3A_134 : vector<4096xi32> to vector<4096x1xi32>
    %jit3A_136 = arith.constant 0 : i32
    %broadcast_in_dim3A_137 = vector.broadcast %jit3A_136 : i32 to vector<4096x8xi32>
    %select_n3A_138 = arith.select %eq3A_23, %add3A_81, %broadcast_in_dim3A_137 : vector<4096x8xi1>, vector<4096x8xi32>
    %reduce_sum3A_139 = arith.constant dense<0> : vector<4096xi32>
    %reduce_sum3A_140 = vector.multi_reduction <add>, %select_n3A_138, %reduce_sum3A_139 [1] : vector<4096x8xi32> to vector<4096xi32>
    %broadcast_in_dim3A_141 = vector.shape_cast %reduce_sum3A_140 : vector<4096xi32> to vector<4096x1xi32>
    %add3A_142 = arith.addi %broadcast_in_dim3A_135, %broadcast_in_dim3A_141 : vector<4096x1xi32>
    %sub3A_143 = arith.constant 1 : i32
    %sub3A_144 = vector.broadcast %sub3A_143 : i32 to vector<4096x1xi32>
    %sub3A_145 = arith.subi %add3A_142, %sub3A_144 : vector<4096x1xi32>
    %swap3A = arith.constant 0 : index
    %swap3A_146 = arith.constant 0 : index
    %swap3A_147 = vector.load %arg3[%swap3A, %swap3A_146] : memref<4096x1xi32, #tpu.memory_space<vmem>>, vector<4096x1xi32>
    tpu.vector_store %arg3[%swap3A, %swap3A_146], %sub3A_145 {strides = array<i32>} : memref<4096x1xi32, #tpu.memory_space<vmem>>, vector<4096x1xi32>,
    %broadcast_in_dim3A_148 = vector.shape_cast %broadcast_in_dim3A_17 : vector<4096x1xf32> to vector<4096x1xf32>
    %broadcast_in_dim3A_149 = vector.broadcast %broadcast_in_dim3A_148 : vector<4096x1xf32> to vector<4096x128xf32>
    %swap3A_150 = arith.constant 0 : index
    %swap3A_151 = arith.constant 0 : index
    %swap3A_152 = vector.load %arg4[%swap3A_150, %swap3A_151] : memref<4096x128xf32, #tpu.memory_space<vmem>>, vector<4096x128xf32>
    tpu.vector_store %arg4[%swap3A_150, %swap3A_151], %broadcast_in_dim3A_149 {strides = array<i32>} : memref<4096x128xf32, #tpu.memory_space<vmem>>, vector<4096x128xf32>,
    %add3A_153 = arith.addi %transpose3A, %mul3A_117 : vector<1x8xi32>
    %iota3A_154 = tpu.iota {dimensions = array<i32: 1>} : vector<1x8xi32>
    %gt3A = arith.constant 0 : i32
    %gt3A_155 = vector.broadcast %gt3A : i32 to vector<1x8xi32>
    %gt3A_156 = arith.cmpi sgt, %mul3A_117, %gt3A_155 : vector<1x8xi32>
    %jit3A_157 = arith.constant 0 : i32
    %broadcast_in_dim3A_158 = vector.broadcast %jit3A_157 : i32 to vector<1x8xi32>
    %select_n3A_159 = arith.select %gt3A_156, %iota3A_154, %broadcast_in_dim3A_158 : vector<1x8xi1>, vector<1x8xi32>
    %reduce_max3A_160 = vector.shape_cast %select_n3A_159 : vector<1x8xi32> to vector<1x1x8xi32>
    %reduce_max3A_161 = arith.constant dense<-2147483648> : vector<1xi32>
    %reduce_max3A_162 = vector.multi_reduction <maxsi>, %reduce_max3A_160, %reduce_max3A_161 [1, 2] : vector<1x1x8xi32> to vector<1xi32>
    %reduce_max3A_163 = vector.shape_cast %reduce_max3A_162 : vector<1xi32> to vector<1x1x1xi32>
    %reduce_max3A_164 = vector.extract %reduce_max3A_163[0, 0, 0] : i32 from vector<1x1x1xi32>
    %reduce_sum3A_165 = vector.shape_cast %mul3A_117 : vector<1x8xi32> to vector<1x1x8xi32>
    %reduce_sum3A_166 = arith.constant dense<0> : vector<1xi32>
    %reduce_sum3A_167 = vector.multi_reduction <add>, %reduce_sum3A_165, %reduce_sum3A_166 [1, 2] : vector<1x1x8xi32> to vector<1xi32>
    %reduce_sum3A_168 = vector.shape_cast %reduce_sum3A_167 : vector<1xi32> to vector<1x1x1xi32>
    %reduce_sum3A_169 = vector.extract %reduce_sum3A_168[0, 0, 0] : i32 from vector<1x1x1xi32>
    %jit3A_170 = arith.constant 256 : i32
    %div3A_171 = arith.divsi %reduce_sum3A_169, %jit3A_170 : i32
    %sign3A_172 = arith.constant 0 : i32
    %sign3A_173 = arith.cmpi sgt, %reduce_sum3A_169, %sign3A_172 : i32
    %sign3A_174 = arith.extui %sign3A_173 : i1 to i32
    %sign3A_175 = arith.constant 0 : i32
    %sign3A_176 = arith.cmpi slt, %reduce_sum3A_169, %sign3A_175 : i32
    %sign3A_177 = arith.extui %sign3A_176 : i1 to i32
    %sign3A_178 = arith.subi %sign3A_174, %sign3A_177 : i32
    %sign3A_179 = arith.constant 0 : i32
    %sign3A_180 = arith.cmpi sgt, %jit3A_170, %sign3A_179 : i32
    %sign3A_181 = arith.extui %sign3A_180 : i1 to i32
    %sign3A_182 = arith.constant 0 : i32
    %sign3A_183 = arith.cmpi slt, %jit3A_170, %sign3A_182 : i32
    %sign3A_184 = arith.extui %sign3A_183 : i1 to i32
    %sign3A_185 = arith.subi %sign3A_181, %sign3A_184 : i32
    %ne3A_186 = arith.cmpi ne, %sign3A_178, %sign3A_185 : i32
    %rem3A_187 = arith.remsi %reduce_sum3A_169, %jit3A_170 : i32
    %ne3A_188 = arith.constant 0 : i32
    %ne3A_189 = arith.cmpi ne, %rem3A_187, %ne3A_188 : i32
    %and3A_190 = arith.andi %ne3A_186, %ne3A_189 : i1
    %sub3A_191 = arith.constant 1 : i32
    %sub3A_192 = arith.subi %div3A_171, %sub3A_191 : i32
    %select_n3A_193 = arith.select %and3A_190, %sub3A_192, %div3A_171 : i32
    %iota3A_194 = tpu.iota {dimensions = array<i32: 0>} : vector<25x8xi32>
    %mul3A_195 = arith.constant 256 : i32
    %mul3A_196 = vector.broadcast %mul3A_195 : i32 to vector<25x8xi32>
    %mul3A_197 = arith.muli %iota3A_194, %mul3A_196 : vector<25x8xi32>
    %broadcast_in_dim3A_198 = vector.shape_cast %add3A_153 : vector<1x8xi32> to vector<1x8xi32>
    %broadcast_in_dim3A_199 = vector.broadcast %broadcast_in_dim3A_198 : vector<1x8xi32> to vector<25x8xi32>
    %ge3A = arith.cmpi sge, %mul3A_197, %broadcast_in_dim3A_199 : vector<25x8xi32>
    %convert_element_type3A_200 = arith.extui %ge3A : vector<25x8xi1> to vector<25x8xi32>
    %reduce_sum3A_201 = arith.constant dense<0> : vector<25xi32>
    %reduce_sum3A_202 = vector.multi_reduction <add>, %convert_element_type3A_200, %reduce_sum3A_201 [1] : vector<25x8xi32> to vector<25xi32>
    %broadcast_in_dim3A_203 = vector.shape_cast %reduce_sum3A_202 : vector<25xi32> to vector<25x1xi32>
    %min3A = vector.broadcast %reduce_max3A_164 : i32 to vector<25x1xi32>
    %min3A_204 = arith.minsi %broadcast_in_dim3A_203, %min3A : vector<25x1xi32>
    %iota3A_205 = tpu.iota {dimensions = array<i32: 0>} : vector<25x1xi32>
    %slice3A_206 = vector.extract_strided_slice %min3A_204 {offsets = [0, 0], sizes = [1, 1], strides = [1, 1]} : vector<25x1xi32> to vector<1x1xi32>
    %slice3A_207 = vector.extract_strided_slice %min3A_204 {offsets = [0, 0], sizes = [24, 1], strides = [1, 1]} : vector<25x1xi32> to vector<24x1xi32>
    %concatenate3A_208 = tpu.concatenate %slice3A_206, %slice3A_207 in 0 : vector<1x1xi32>, vector<24x1xi32> -> vector<25x1xi32>
    %ne3A_209 = arith.cmpi ne, %min3A_204, %concatenate3A_208 : vector<25x1xi32>
    %gt3A_210 = arith.constant 0 : i32
    %gt3A_211 = vector.broadcast %gt3A_210 : i32 to vector<25x1xi32>
    %gt3A_212 = arith.cmpi sgt, %iota3A_205, %gt3A_211 : vector<25x1xi32>
    %and3A_213 = arith.andi %ne3A_209, %gt3A_212 : vector<25x1xi1>
    %lt3A_214 = arith.constant 24 : i32
    %lt3A_215 = vector.broadcast %lt3A_214 : i32 to vector<25x1xi32>
    %lt3A_216 = arith.cmpi slt, %iota3A_205, %lt3A_215 : vector<25x1xi32>
    %and3A_217 = arith.andi %and3A_213, %lt3A_216 : vector<25x1xi1>
    %convert_element_type3A_218 = arith.extui %and3A_217 : vector<25x1xi1> to vector<25x1xi32>
    %broadcast_in_dim3A_219 = arith.constant 0 : i32
    %broadcast_in_dim3A_220 = vector.broadcast %broadcast_in_dim3A_219 : i32 to vector<1x1xi32>
    %slice3A_221 = vector.extract_strided_slice %convert_element_type3A_218 {offsets = [0, 0], sizes = [24, 1], strides = [1, 1]} : vector<25x1xi32> to vector<24x1xi32>
    %concatenate3A_222 = tpu.concatenate %broadcast_in_dim3A_220, %slice3A_221 in 0 : vector<1x1xi32>, vector<24x1xi32> -> vector<25x1xi32>
    %add3A_223 = arith.addi %convert_element_type3A_218, %concatenate3A_222 : vector<25x1xi32>
    %broadcast_in_dim3A_224 = arith.constant 0 : i32
    %broadcast_in_dim3A_225 = vector.broadcast %broadcast_in_dim3A_224 : i32 to vector<2x1xi32>
    %slice3A_226 = vector.extract_strided_slice %add3A_223 {offsets = [0, 0], sizes = [23, 1], strides = [1, 1]} : vector<25x1xi32> to vector<23x1xi32>
    %concatenate3A_227 = tpu.concatenate %broadcast_in_dim3A_225, %slice3A_226 in 0 : vector<2x1xi32>, vector<23x1xi32> -> vector<25x1xi32>
    %add3A_228 = arith.addi %add3A_223, %concatenate3A_227 : vector<25x1xi32>
    %broadcast_in_dim3A_229 = arith.constant 0 : i32
    %broadcast_in_dim3A_230 = vector.broadcast %broadcast_in_dim3A_229 : i32 to vector<4x1xi32>
    %slice3A_231 = vector.extract_strided_slice %add3A_228 {offsets = [0, 0], sizes = [21, 1], strides = [1, 1]} : vector<25x1xi32> to vector<21x1xi32>
    %concatenate3A_232 = tpu.concatenate %broadcast_in_dim3A_230, %slice3A_231 in 0 : vector<4x1xi32>, vector<21x1xi32> -> vector<25x1xi32>
    %add3A_233 = arith.addi %add3A_228, %concatenate3A_232 : vector<25x1xi32>
    %broadcast_in_dim3A_234 = arith.constant 0 : i32
    %broadcast_in_dim3A_235 = vector.broadcast %broadcast_in_dim3A_234 : i32 to vector<8x1xi32>
    %slice3A_236 = vector.extract_strided_slice %add3A_233 {offsets = [0, 0], sizes = [17, 1], strides = [1, 1]} : vector<25x1xi32> to vector<17x1xi32>
    %concatenate3A_237 = tpu.concatenate %broadcast_in_dim3A_235, %slice3A_236 in 0 : vector<8x1xi32>, vector<17x1xi32> -> vector<25x1xi32>
    %add3A_238 = arith.addi %add3A_233, %concatenate3A_237 : vector<25x1xi32>
    %broadcast_in_dim3A_239 = arith.constant 0 : i32
    %broadcast_in_dim3A_240 = vector.broadcast %broadcast_in_dim3A_239 : i32 to vector<16x1xi32>
    %slice3A_241 = vector.extract_strided_slice %add3A_238 {offsets = [0, 0], sizes = [9, 1], strides = [1, 1]} : vector<25x1xi32> to vector<9x1xi32>
    %concatenate3A_242 = tpu.concatenate %broadcast_in_dim3A_240, %slice3A_241 in 0 : vector<16x1xi32>, vector<9x1xi32> -> vector<25x1xi32>
    %add3A_243 = arith.addi %add3A_238, %concatenate3A_242 : vector<25x1xi32>
    %jit3A_244 = arith.constant 2 : i32
    %eq3A_245 = arith.constant 0 : i32
    %eq3A_246 = arith.cmpi eq, %jit3A_244, %eq3A_245 : i32
    %jit3A_247 = arith.constant 1 : i32
    %select_n3A_248 = arith.select %eq3A_246, %jit3A_247, %jit3A_244 : i32
    %rem3A_249 = vector.broadcast %select_n3A_248 : i32 to vector<25x1xi32>
    %rem3A_250 = arith.remsi %add3A_243, %rem3A_249 : vector<25x1xi32>
    %ne3A_251 = arith.constant 0 : i32
    %ne3A_252 = vector.broadcast %ne3A_251 : i32 to vector<25x1xi32>
    %ne3A_253 = arith.cmpi ne, %rem3A_250, %ne3A_252 : vector<25x1xi32>
    %lt3A_254 = arith.constant 0 : i32
    %lt3A_255 = vector.broadcast %lt3A_254 : i32 to vector<25x1xi32>
    %lt3A_256 = arith.cmpi slt, %rem3A_250, %lt3A_255 : vector<25x1xi32>
    %lt3A_257 = arith.constant 0 : i32
    %lt3A_258 = arith.cmpi slt, %select_n3A_248, %lt3A_257 : i32
    %ne3A_259 = vector.broadcast %lt3A_258 : i1 to vector<25x1xi1>
    %ne3A_260 = vector.broadcast %ne3A_259 : vector<25x1xi1> to vector<25x1xi1>
    %ne3A_261 = arith.xori %lt3A_256, %ne3A_260 : vector<25x1xi1>
    %and3A_262 = arith.andi %ne3A_261, %ne3A_253 : vector<25x1xi1>
    %add3A_263 = vector.broadcast %select_n3A_248 : i32 to vector<25x1xi32>
    %add3A_264 = arith.addi %rem3A_250, %add3A_263 : vector<25x1xi32>
    %select_n3A_265 = arith.select %and3A_262, %add3A_264, %rem3A_250 : vector<25x1xi1>, vector<25x1xi32>
    %eq3A_266 = arith.constant 0 : i32
    %eq3A_267 = vector.broadcast %eq3A_266 : i32 to vector<25x1xi32>
    %eq3A_268 = arith.cmpi eq, %iota3A_205, %eq3A_267 : vector<25x1xi32>
    %jit3A_269 = arith.constant 1 : i32
    %broadcast_in_dim3A_270 = vector.broadcast %jit3A_269 : i32 to vector<25x1xi32>
    %select_n3A_271 = arith.select %eq3A_268, %broadcast_in_dim3A_270, %convert_element_type3A_218 : vector<25x1xi1>, vector<25x1xi32>
    %transpose3A_272 = tpu.transpose %min3A_204, [1, 0] : vector<25x1xi32> -> vector<1x25xi32>
    %broadcast_in_dim3A_273 = vector.shape_cast %transpose3A_272 : vector<1x25xi32> to vector<1x25xi32>
    %broadcast_in_dim3A_274 = vector.broadcast %broadcast_in_dim3A_273 : vector<1x25xi32> to vector<25x25xi32>
    %gt3A_275 = vector.broadcast %min3A_204 : vector<25x1xi32> to vector<25x25xi32>
    %gt3A_276 = arith.cmpi sgt, %broadcast_in_dim3A_274, %gt3A_275 : vector<25x25xi32>
    %jit3A_277 = arith.constant 8 : i32
    %broadcast_in_dim3A_278 = vector.broadcast %jit3A_277 : i32 to vector<25x25xi32>
    %select_n3A_279 = arith.select %gt3A_276, %broadcast_in_dim3A_274, %broadcast_in_dim3A_278 : vector<25x25xi1>, vector<25x25xi32>
    %reduce_min3A_280 = arith.constant dense<2147483647> : vector<25xi32>
    %reduce_min3A_281 = vector.multi_reduction <minsi>, %select_n3A_279, %reduce_min3A_280 [1] : vector<25x25xi32> to vector<25xi32>
    %broadcast_in_dim3A_282 = vector.shape_cast %reduce_min3A_281 : vector<25xi32> to vector<25x1xi32>
    %ge3A_283 = arith.constant 8 : i32
    %ge3A_284 = vector.broadcast %ge3A_283 : i32 to vector<25x1xi32>
    %ge3A_285 = arith.cmpi sge, %broadcast_in_dim3A_282, %ge3A_284 : vector<25x1xi32>
    %jit3A_286 = arith.constant -1 : i32
    %broadcast_in_dim3A_287 = vector.broadcast %jit3A_286 : i32 to vector<25x1xi32>
    %select_n3A_288 = arith.select %ge3A_285, %broadcast_in_dim3A_287, %broadcast_in_dim3A_282 : vector<25x1xi1>, vector<25x1xi32>
    %eq3A_289 = arith.constant 24 : i32
    %eq3A_290 = vector.broadcast %eq3A_289 : i32 to vector<25x1xi32>
    %eq3A_291 = arith.cmpi eq, %iota3A_205, %eq3A_290 : vector<25x1xi32>
    %broadcast_in_dim3A_292 = vector.broadcast %select_n3A_193 : i32 to vector<25x1xi32>
    %select_n3A_293 = arith.select %eq3A_291, %broadcast_in_dim3A_292, %min3A_204 : vector<25x1xi1>, vector<25x1xi32>
    %transpose3A_294 = tpu.transpose %select_n3A_293, [1, 0] : vector<25x1xi32> -> vector<1x25xi32>
    %transpose3A_295 = tpu.transpose %select_n3A_265, [1, 0] : vector<25x1xi32> -> vector<1x25xi32>
    %transpose3A_296 = tpu.transpose %select_n3A_271, [1, 0] : vector<25x1xi32> -> vector<1x25xi32>
    %transpose3A_297 = tpu.transpose %select_n3A_288, [1, 0] : vector<25x1xi32> -> vector<1x25xi32>
    %concatenate3A_298 = tpu.concatenate %transpose3A_294, %transpose3A_295, %transpose3A_296, %transpose3A_297 in 0 : vector<1x25xi32>, vector<1x25xi32>, vector<1x25xi32>, vector<1x25xi32> -> vector<4x25xi32>
    %swap3A_299 = arith.constant 0 : index
    %swap3A_300 = arith.constant 0 : index
    %swap3A_301 = vector.load %arg5[%swap3A_299, %swap3A_300] : memref<4x25xi32, #tpu.memory_space<vmem>>, vector<4x25xi32>
    tpu.vector_store %arg5[%swap3A_299, %swap3A_300], %concatenate3A_298 {strides = array<i32>} : memref<4x25xi32, #tpu.memory_space<vmem>>, vector<4x25xi32>,
    return
  }
}

module attributes {stable_mosaic.version = 14 : i64} {
  func.func @_gmm_body(%arg0: i32, %arg1: memref<4x25xi32, #tpu.memory_space<smem>>, %arg2: memref<256x1024xf32, #tpu.memory_space<vmem>>, %arg3: memref<1x1x2048xf32, #tpu.memory_space<vmem>>, %arg4: memref<1x1x1024xf32, #tpu.memory_space<vmem>>, %arg5: memref<256x128xf32, #tpu.memory_space<vmem>>, %arg6: memref<8x2048x1024xf32, #tpu.memory_space<any>>, %arg7: memref<8x1024x2048xf32, #tpu.memory_space<any>>, %arg8: memref<256x1024xf32, #tpu.memory_space<vmem>>, %arg9: memref<2x2048x1024xf32, #tpu.memory_space<vmem>>, %arg10: memref<2x1024x2048xf32, #tpu.memory_space<vmem>>, %arg11: memref<!tpu.dma_semaphore, #tpu.memory_space<semaphore_mem>>, %arg12: memref<!tpu.dma_semaphore, #tpu.memory_space<semaphore_mem>>, %arg13: memref<!tpu.dma_semaphore, #tpu.memory_space<semaphore_mem>>, %arg14: memref<!tpu.dma_semaphore, #tpu.memory_space<semaphore_mem>>) attributes {dimension_semantics = [#tpu.dimension_semantics<arbitrary>], iteration_bounds = array<i64: 24>, scalar_prefetch = 1 : i64, scratch_operands = 6 : i64, tpu.core_type = #tpu.core_type<tc>, window_params = [{transform_indices = @transform_0, window_bounds = array<i64: 256, 1024>}, {transform_indices = @transform_1, window_bounds = array<i64: 1, 1, 2048>}, {transform_indices = @transform_2, window_bounds = array<i64: 1, 1, 1024>}, {transform_indices = @transform_3, window_bounds = array<i64: 256, 128>}, {}, {}, {transform_indices = @transform_6, window_bounds = array<i64: 256, 1024>}]} {
    %eq3A = arith.constant 0 : i32
    %eq3A_0 = arith.cmpi eq, %arg0, %eq3A : i32
    %convert_element_type3A = arith.extui %eq3A_0 : i1 to i32
    %cond3A = arith.constant 0 : i32
    %cond3A_1 = arith.cmpi ne, %convert_element_type3A, %cond3A : i32
    scf.if %cond3A_1 {
      %get3A_26 = arith.constant 0 : index
      %get3A_27 = arith.constant 0 : index
      %get3A_28 = memref.load %arg1[%get3A_26, %get3A_27] : memref<4x25xi32, #tpu.memory_space<smem>>
      %dma_start3A = arith.constant 0 : i32
      %dma_start3A_29 = arith.constant 0 : i32
      %dma_start3A_30 = arith.constant 0 : i32
      %dma_start3A_31 = tpu.memref_slice %arg9[%dma_start3A, %dma_start3A_29, %dma_start3A_30] : memref<2x2048x1024xf32, #tpu.memory_space<vmem>> -> memref<1x2048x1024xf32, #tpu.memory_space<vmem>>
      %dma_start3A_32 = tpu.memref_squeeze %dma_start3A_31 : memref<1x2048x1024xf32, #tpu.memory_space<vmem>> -> memref<2048x1024xf32, #tpu.memory_space<vmem>>
      %dma_start3A_33 = arith.constant 0 : i32
      %dma_start3A_34 = arith.constant 0 : i32
      %dma_start3A_35 = tpu.memref_slice %arg6[%get3A_28, %dma_start3A_33, %dma_start3A_34] : memref<8x2048x1024xf32, #tpu.memory_space<any>> -> memref<1x2048x1024xf32, #tpu.memory_space<any>>
      %dma_start3A_36 = tpu.memref_squeeze %dma_start3A_35 : memref<1x2048x1024xf32, #tpu.memory_space<any>> -> memref<2048x1024xf32, #tpu.memory_space<any>>
      tpu.enqueue_dma source(%dma_start3A_36 : memref<2048x1024xf32, #tpu.memory_space<any>>) target(%dma_start3A_32 : memref<2048x1024xf32, #tpu.memory_space<vmem>>) target_semaphore(%arg11 : memref<!tpu.dma_semaphore, #tpu.memory_space<semaphore_mem>>)
      %dma_start3A_37 = arith.constant 0 : i32
      %dma_start3A_38 = arith.constant 0 : i32
      %dma_start3A_39 = arith.constant 0 : i32
      %dma_start3A_40 = tpu.memref_slice %arg10[%dma_start3A_37, %dma_start3A_38, %dma_start3A_39] : memref<2x1024x2048xf32, #tpu.memory_space<vmem>> -> memref<1x1024x2048xf32, #tpu.memory_space<vmem>>
      %dma_start3A_41 = tpu.memref_squeeze %dma_start3A_40 : memref<1x1024x2048xf32, #tpu.memory_space<vmem>> -> memref<1024x2048xf32, #tpu.memory_space<vmem>>
      %dma_start3A_42 = arith.constant 0 : i32
      %dma_start3A_43 = arith.constant 0 : i32
      %dma_start3A_44 = tpu.memref_slice %arg7[%get3A_28, %dma_start3A_42, %dma_start3A_43] : memref<8x1024x2048xf32, #tpu.memory_space<any>> -> memref<1x1024x2048xf32, #tpu.memory_space<any>>
      %dma_start3A_45 = tpu.memref_squeeze %dma_start3A_44 : memref<1x1024x2048xf32, #tpu.memory_space<any>> -> memref<1024x2048xf32, #tpu.memory_space<any>>
      tpu.enqueue_dma source(%dma_start3A_45 : memref<1024x2048xf32, #tpu.memory_space<any>>) target(%dma_start3A_41 : memref<1024x2048xf32, #tpu.memory_space<vmem>>) target_semaphore(%arg13 : memref<!tpu.dma_semaphore, #tpu.memory_space<semaphore_mem>>)
    } else {
    }
    %get3A = arith.constant 1 : index
    %get3A_2 = arith.index_cast %arg0 : i32 to index
    %get3A_3 = memref.load %arg1[%get3A, %get3A_2] : memref<4x25xi32, #tpu.memory_space<smem>>
    %get3A_4 = arith.constant 2 : index
    %get3A_5 = arith.index_cast %arg0 : i32 to index
    %get3A_6 = memref.load %arg1[%get3A_4, %get3A_5] : memref<4x25xi32, #tpu.memory_space<smem>>
    %eq3A_7 = arith.constant 1 : i32
    %eq3A_8 = arith.cmpi eq, %get3A_6, %eq3A_7 : i32
    %convert_element_type3A_9 = arith.extui %eq3A_8 : i1 to i32
    %cond3A_10 = arith.constant 0 : i32
    %cond3A_11 = arith.cmpi ne, %convert_element_type3A_9, %cond3A_10 : i32
    scf.if %cond3A_11 {
      %eq3A_26 = arith.constant 0 : i32
      %eq3A_27 = arith.cmpi eq, %get3A_3, %eq3A_26 : i32
      %convert_element_type3A_28 = arith.extui %eq3A_27 : i1 to i32
      %cond3A_29 = arith.constant 0 : i32
      %cond3A_30 = arith.cmpi ne, %convert_element_type3A_28, %cond3A_29 : i32
      scf.if %cond3A_30 {
        %dma_wait3A = arith.constant 0 : i32
        %dma_wait3A_54 = arith.constant 0 : i32
        %dma_wait3A_55 = arith.constant 0 : i32
        %dma_wait3A_56 = arith.constant 0 : i32
        %dma_wait3A_57 = tpu.memref_slice %arg9[%dma_wait3A_54, %dma_wait3A_55, %dma_wait3A_56] : memref<2x2048x1024xf32, #tpu.memory_space<vmem>> -> memref<1x2048x1024xf32, #tpu.memory_space<vmem>>
        %dma_wait3A_58 = tpu.memref_squeeze %dma_wait3A_57 : memref<1x2048x1024xf32, #tpu.memory_space<vmem>> -> memref<2048x1024xf32, #tpu.memory_space<vmem>>
        %dma_wait3A_59 = arith.constant 0 : i32
        %dma_wait3A_60 = arith.constant 0 : i32
        %dma_wait3A_61 = tpu.memref_slice %arg6[%dma_wait3A, %dma_wait3A_59, %dma_wait3A_60] : memref<8x2048x1024xf32, #tpu.memory_space<any>> -> memref<1x2048x1024xf32, #tpu.memory_space<any>>
        %dma_wait3A_62 = tpu.memref_squeeze %dma_wait3A_61 : memref<1x2048x1024xf32, #tpu.memory_space<any>> -> memref<2048x1024xf32, #tpu.memory_space<any>>
        tpu.wait_dma2 semaphore(%arg11 : memref<!tpu.dma_semaphore, #tpu.memory_space<semaphore_mem>>) src(%dma_wait3A_62 : memref<2048x1024xf32, #tpu.memory_space<any>>) dst(%dma_wait3A_58 : memref<2048x1024xf32, #tpu.memory_space<vmem>>)
        %dma_wait3A_63 = arith.constant 0 : i32
        %dma_wait3A_64 = arith.constant 0 : i32
        %dma_wait3A_65 = arith.constant 0 : i32
        %dma_wait3A_66 = arith.constant 0 : i32
        %dma_wait3A_67 = tpu.memref_slice %arg10[%dma_wait3A_64, %dma_wait3A_65, %dma_wait3A_66] : memref<2x1024x2048xf32, #tpu.memory_space<vmem>> -> memref<1x1024x2048xf32, #tpu.memory_space<vmem>>
        %dma_wait3A_68 = tpu.memref_squeeze %dma_wait3A_67 : memref<1x1024x2048xf32, #tpu.memory_space<vmem>> -> memref<1024x2048xf32, #tpu.memory_space<vmem>>
        %dma_wait3A_69 = arith.constant 0 : i32
        %dma_wait3A_70 = arith.constant 0 : i32
        %dma_wait3A_71 = tpu.memref_slice %arg7[%dma_wait3A_63, %dma_wait3A_69, %dma_wait3A_70] : memref<8x1024x2048xf32, #tpu.memory_space<any>> -> memref<1x1024x2048xf32, #tpu.memory_space<any>>
        %dma_wait3A_72 = tpu.memref_squeeze %dma_wait3A_71 : memref<1x1024x2048xf32, #tpu.memory_space<any>> -> memref<1024x2048xf32, #tpu.memory_space<any>>
        tpu.wait_dma2 semaphore(%arg13 : memref<!tpu.dma_semaphore, #tpu.memory_space<semaphore_mem>>) src(%dma_wait3A_72 : memref<1024x2048xf32, #tpu.memory_space<any>>) dst(%dma_wait3A_68 : memref<1024x2048xf32, #tpu.memory_space<vmem>>)
      } else {
      }
      %eq3A_31 = arith.constant 1 : i32
      %eq3A_32 = arith.cmpi eq, %get3A_3, %eq3A_31 : i32
      %convert_element_type3A_33 = arith.extui %eq3A_32 : i1 to i32
      %cond3A_34 = arith.constant 0 : i32
      %cond3A_35 = arith.cmpi ne, %convert_element_type3A_33, %cond3A_34 : i32
      scf.if %cond3A_35 {
        %dma_wait3A = arith.constant 0 : i32
        %dma_wait3A_54 = arith.constant 1 : i32
        %dma_wait3A_55 = arith.constant 0 : i32
        %dma_wait3A_56 = arith.constant 0 : i32
        %dma_wait3A_57 = tpu.memref_slice %arg9[%dma_wait3A_54, %dma_wait3A_55, %dma_wait3A_56] : memref<2x2048x1024xf32, #tpu.memory_space<vmem>> -> memref<1x2048x1024xf32, #tpu.memory_space<vmem>>
        %dma_wait3A_58 = tpu.memref_squeeze %dma_wait3A_57 : memref<1x2048x1024xf32, #tpu.memory_space<vmem>> -> memref<2048x1024xf32, #tpu.memory_space<vmem>>
        %dma_wait3A_59 = arith.constant 0 : i32
        %dma_wait3A_60 = arith.constant 0 : i32
        %dma_wait3A_61 = tpu.memref_slice %arg6[%dma_wait3A, %dma_wait3A_59, %dma_wait3A_60] : memref<8x2048x1024xf32, #tpu.memory_space<any>> -> memref<1x2048x1024xf32, #tpu.memory_space<any>>
        %dma_wait3A_62 = tpu.memref_squeeze %dma_wait3A_61 : memref<1x2048x1024xf32, #tpu.memory_space<any>> -> memref<2048x1024xf32, #tpu.memory_space<any>>
        tpu.wait_dma2 semaphore(%arg12 : memref<!tpu.dma_semaphore, #tpu.memory_space<semaphore_mem>>) src(%dma_wait3A_62 : memref<2048x1024xf32, #tpu.memory_space<any>>) dst(%dma_wait3A_58 : memref<2048x1024xf32, #tpu.memory_space<vmem>>)
        %dma_wait3A_63 = arith.constant 0 : i32
        %dma_wait3A_64 = arith.constant 1 : i32
        %dma_wait3A_65 = arith.constant 0 : i32
        %dma_wait3A_66 = arith.constant 0 : i32
        %dma_wait3A_67 = tpu.memref_slice %arg10[%dma_wait3A_64, %dma_wait3A_65, %dma_wait3A_66] : memref<2x1024x2048xf32, #tpu.memory_space<vmem>> -> memref<1x1024x2048xf32, #tpu.memory_space<vmem>>
        %dma_wait3A_68 = tpu.memref_squeeze %dma_wait3A_67 : memref<1x1024x2048xf32, #tpu.memory_space<vmem>> -> memref<1024x2048xf32, #tpu.memory_space<vmem>>
        %dma_wait3A_69 = arith.constant 0 : i32
        %dma_wait3A_70 = arith.constant 0 : i32
        %dma_wait3A_71 = tpu.memref_slice %arg7[%dma_wait3A_63, %dma_wait3A_69, %dma_wait3A_70] : memref<8x1024x2048xf32, #tpu.memory_space<any>> -> memref<1x1024x2048xf32, #tpu.memory_space<any>>
        %dma_wait3A_72 = tpu.memref_squeeze %dma_wait3A_71 : memref<1x1024x2048xf32, #tpu.memory_space<any>> -> memref<1024x2048xf32, #tpu.memory_space<any>>
        tpu.wait_dma2 semaphore(%arg14 : memref<!tpu.dma_semaphore, #tpu.memory_space<semaphore_mem>>) src(%dma_wait3A_72 : memref<1024x2048xf32, #tpu.memory_space<any>>) dst(%dma_wait3A_68 : memref<1024x2048xf32, #tpu.memory_space<vmem>>)
      } else {
      }
      %get3A_36 = arith.constant 3 : index
      %get3A_37 = arith.index_cast %arg0 : i32 to index
      %get3A_38 = memref.load %arg1[%get3A_36, %get3A_37] : memref<4x25xi32, #tpu.memory_space<smem>>
      %ge3A = arith.constant 0 : i32
      %ge3A_39 = arith.cmpi sge, %get3A_38, %ge3A : i32
      %eq3A_40 = arith.constant 0 : i32
      %eq3A_41 = arith.cmpi eq, %get3A_3, %eq3A_40 : i32
      %and3A_42 = arith.andi %ge3A_39, %eq3A_41 : i1
      %convert_element_type3A_43 = arith.extui %and3A_42 : i1 to i32
      %cond3A_44 = arith.constant 0 : i32
      %cond3A_45 = arith.cmpi ne, %convert_element_type3A_43, %cond3A_44 : i32
      scf.if %cond3A_45 {
        %dma_start3A = arith.constant 1 : i32
        %dma_start3A_54 = arith.constant 0 : i32
        %dma_start3A_55 = arith.constant 0 : i32
        %dma_start3A_56 = tpu.memref_slice %arg9[%dma_start3A, %dma_start3A_54, %dma_start3A_55] : memref<2x2048x1024xf32, #tpu.memory_space<vmem>> -> memref<1x2048x1024xf32, #tpu.memory_space<vmem>>
        %dma_start3A_57 = tpu.memref_squeeze %dma_start3A_56 : memref<1x2048x1024xf32, #tpu.memory_space<vmem>> -> memref<2048x1024xf32, #tpu.memory_space<vmem>>
        %dma_start3A_58 = arith.constant 0 : i32
        %dma_start3A_59 = arith.constant 0 : i32
        %dma_start3A_60 = tpu.memref_slice %arg6[%get3A_38, %dma_start3A_58, %dma_start3A_59] : memref<8x2048x1024xf32, #tpu.memory_space<any>> -> memref<1x2048x1024xf32, #tpu.memory_space<any>>
        %dma_start3A_61 = tpu.memref_squeeze %dma_start3A_60 : memref<1x2048x1024xf32, #tpu.memory_space<any>> -> memref<2048x1024xf32, #tpu.memory_space<any>>
        tpu.enqueue_dma source(%dma_start3A_61 : memref<2048x1024xf32, #tpu.memory_space<any>>) target(%dma_start3A_57 : memref<2048x1024xf32, #tpu.memory_space<vmem>>) target_semaphore(%arg12 : memref<!tpu.dma_semaphore, #tpu.memory_space<semaphore_mem>>)
        %dma_start3A_62 = arith.constant 1 : i32
        %dma_start3A_63 = arith.constant 0 : i32
        %dma_start3A_64 = arith.constant 0 : i32
        %dma_start3A_65 = tpu.memref_slice %arg10[%dma_start3A_62, %dma_start3A_63, %dma_start3A_64] : memref<2x1024x2048xf32, #tpu.memory_space<vmem>> -> memref<1x1024x2048xf32, #tpu.memory_space<vmem>>
        %dma_start3A_66 = tpu.memref_squeeze %dma_start3A_65 : memref<1x1024x2048xf32, #tpu.memory_space<vmem>> -> memref<1024x2048xf32, #tpu.memory_space<vmem>>
        %dma_start3A_67 = arith.constant 0 : i32
        %dma_start3A_68 = arith.constant 0 : i32
        %dma_start3A_69 = tpu.memref_slice %arg7[%get3A_38, %dma_start3A_67, %dma_start3A_68] : memref<8x1024x2048xf32, #tpu.memory_space<any>> -> memref<1x1024x2048xf32, #tpu.memory_space<any>>
        %dma_start3A_70 = tpu.memref_squeeze %dma_start3A_69 : memref<1x1024x2048xf32, #tpu.memory_space<any>> -> memref<1024x2048xf32, #tpu.memory_space<any>>
        tpu.enqueue_dma source(%dma_start3A_70 : memref<1024x2048xf32, #tpu.memory_space<any>>) target(%dma_start3A_66 : memref<1024x2048xf32, #tpu.memory_space<vmem>>) target_semaphore(%arg14 : memref<!tpu.dma_semaphore, #tpu.memory_space<semaphore_mem>>)
      } else {
      }
      %ge3A_46 = arith.constant 0 : i32
      %ge3A_47 = arith.cmpi sge, %get3A_38, %ge3A_46 : i32
      %eq3A_48 = arith.constant 1 : i32
      %eq3A_49 = arith.cmpi eq, %get3A_3, %eq3A_48 : i32
      %and3A_50 = arith.andi %ge3A_47, %eq3A_49 : i1
      %convert_element_type3A_51 = arith.extui %and3A_50 : i1 to i32
      %cond3A_52 = arith.constant 0 : i32
      %cond3A_53 = arith.cmpi ne, %convert_element_type3A_51, %cond3A_52 : i32
      scf.if %cond3A_53 {
        %dma_start3A = arith.constant 0 : i32
        %dma_start3A_54 = arith.constant 0 : i32
        %dma_start3A_55 = arith.constant 0 : i32
        %dma_start3A_56 = tpu.memref_slice %arg9[%dma_start3A, %dma_start3A_54, %dma_start3A_55] : memref<2x2048x1024xf32, #tpu.memory_space<vmem>> -> memref<1x2048x1024xf32, #tpu.memory_space<vmem>>
        %dma_start3A_57 = tpu.memref_squeeze %dma_start3A_56 : memref<1x2048x1024xf32, #tpu.memory_space<vmem>> -> memref<2048x1024xf32, #tpu.memory_space<vmem>>
        %dma_start3A_58 = arith.constant 0 : i32
        %dma_start3A_59 = arith.constant 0 : i32
        %dma_start3A_60 = tpu.memref_slice %arg6[%get3A_38, %dma_start3A_58, %dma_start3A_59] : memref<8x2048x1024xf32, #tpu.memory_space<any>> -> memref<1x2048x1024xf32, #tpu.memory_space<any>>
        %dma_start3A_61 = tpu.memref_squeeze %dma_start3A_60 : memref<1x2048x1024xf32, #tpu.memory_space<any>> -> memref<2048x1024xf32, #tpu.memory_space<any>>
        tpu.enqueue_dma source(%dma_start3A_61 : memref<2048x1024xf32, #tpu.memory_space<any>>) target(%dma_start3A_57 : memref<2048x1024xf32, #tpu.memory_space<vmem>>) target_semaphore(%arg11 : memref<!tpu.dma_semaphore, #tpu.memory_space<semaphore_mem>>)
        %dma_start3A_62 = arith.constant 0 : i32
        %dma_start3A_63 = arith.constant 0 : i32
        %dma_start3A_64 = arith.constant 0 : i32
        %dma_start3A_65 = tpu.memref_slice %arg10[%dma_start3A_62, %dma_start3A_63, %dma_start3A_64] : memref<2x1024x2048xf32, #tpu.memory_space<vmem>> -> memref<1x1024x2048xf32, #tpu.memory_space<vmem>>
        %dma_start3A_66 = tpu.memref_squeeze %dma_start3A_65 : memref<1x1024x2048xf32, #tpu.memory_space<vmem>> -> memref<1024x2048xf32, #tpu.memory_space<vmem>>
        %dma_start3A_67 = arith.constant 0 : i32
        %dma_start3A_68 = arith.constant 0 : i32
        %dma_start3A_69 = tpu.memref_slice %arg7[%get3A_38, %dma_start3A_67, %dma_start3A_68] : memref<8x1024x2048xf32, #tpu.memory_space<any>> -> memref<1x1024x2048xf32, #tpu.memory_space<any>>
        %dma_start3A_70 = tpu.memref_squeeze %dma_start3A_69 : memref<1x1024x2048xf32, #tpu.memory_space<any>> -> memref<1024x2048xf32, #tpu.memory_space<any>>
        tpu.enqueue_dma source(%dma_start3A_70 : memref<1024x2048xf32, #tpu.memory_space<any>>) target(%dma_start3A_66 : memref<1024x2048xf32, #tpu.memory_space<vmem>>) target_semaphore(%arg13 : memref<!tpu.dma_semaphore, #tpu.memory_space<semaphore_mem>>)
      } else {
      }
    } else {
    }
    %get3A_12 = arith.constant 0 : index
    %get3A_13 = arith.constant 24 : index
    %get3A_14 = memref.load %arg1[%get3A_12, %get3A_13] : memref<4x25xi32, #tpu.memory_space<smem>>
    %lt3A = arith.cmpi slt, %arg0, %get3A_14 : i32
    %eq3A_15 = arith.constant 0 : i32
    %eq3A_16 = arith.cmpi eq, %get3A_3, %eq3A_15 : i32
    %and3A = arith.andi %lt3A, %eq3A_16 : i1
    %convert_element_type3A_17 = arith.extui %and3A : i1 to i32
    %cond3A_18 = arith.constant 0 : i32
    %cond3A_19 = arith.cmpi ne, %convert_element_type3A_17, %cond3A_18 : i32
    scf.if %cond3A_19 {
      %get3A_26 = arith.constant 0 : index
      %get3A_27 = arith.constant 0 : index
      %get3A_28 = vector.load %arg2[%get3A_26, %get3A_27] : memref<256x1024xf32, #tpu.memory_space<vmem>>, vector<256x1024xf32>
      %get3A_29 = arith.constant 0 : index
      %get3A_30 = arith.constant 0 : index
      %get3A_31 = arith.constant 0 : index
      %get3A_32 = vector.load %arg9[%get3A_29, %get3A_30, %get3A_31] : memref<2x2048x1024xf32, #tpu.memory_space<vmem>>, vector<1x2048x1024xf32>
      %get3A_33 = vector.shape_cast %get3A_32 : vector<1x2048x1024xf32> to vector<2048x1024xf32>
      %dot_general3A = arith.constant dense<0.000000e+00> : vector<256x2048xf32>
      %dot_general3A_34 = tpu.matmul %get3A_28, %get3A_33, %dot_general3A {dimension_numbers = #tpu.dot_dimension_numbers<[1], [1], [0], [0], [0, 0, 1, 0], [], []>, transpose_lhs_hint = false} : vector<256x1024xf32>, vector<2048x1024xf32>, vector<256x2048xf32> -> vector<256x2048xf32>
      %get3A_35 = arith.constant 0 : index
      %get3A_36 = arith.constant 0 : index
      %get3A_37 = arith.constant 0 : index
      %get3A_38 = vector.load %arg3[%get3A_35, %get3A_36, %get3A_37] : memref<1x1x2048xf32, #tpu.memory_space<vmem>>, vector<1x1x2048xf32>
      %get3A_39 = vector.shape_cast %get3A_38 : vector<1x1x2048xf32> to vector<1x2048xf32>
      %add3A = vector.broadcast %get3A_39 : vector<1x2048xf32> to vector<256x2048xf32>
      %add3A_40 = arith.addf %dot_general3A_34, %add3A : vector<256x2048xf32>
      %max3A = arith.constant 0.000000e+00 : f32
      %max3A_41 = vector.broadcast %max3A : f32 to vector<256x2048xf32>
      %max3A_42 = arith.maximumf %add3A_40, %max3A_41 : vector<256x2048xf32>
      %get3A_43 = arith.constant 0 : index
      %get3A_44 = arith.constant 0 : index
      %get3A_45 = arith.constant 0 : index
      %get3A_46 = vector.load %arg10[%get3A_43, %get3A_44, %get3A_45] : memref<2x1024x2048xf32, #tpu.memory_space<vmem>>, vector<1x1024x2048xf32>
      %get3A_47 = vector.shape_cast %get3A_46 : vector<1x1024x2048xf32> to vector<1024x2048xf32>
      %dot_general3A_48 = arith.constant dense<0.000000e+00> : vector<256x1024xf32>
      %dot_general3A_49 = tpu.matmul %max3A_42, %get3A_47, %dot_general3A_48 {dimension_numbers = #tpu.dot_dimension_numbers<[1], [1], [0], [0], [0, 0, 1, 0], [], []>, transpose_lhs_hint = false} : vector<256x2048xf32>, vector<1024x2048xf32>, vector<256x1024xf32> -> vector<256x1024xf32>
      %get3A_50 = arith.constant 0 : index
      %get3A_51 = arith.constant 0 : index
      %get3A_52 = arith.constant 0 : index
      %get3A_53 = vector.load %arg4[%get3A_50, %get3A_51, %get3A_52] : memref<1x1x1024xf32, #tpu.memory_space<vmem>>, vector<1x1x1024xf32>
      %get3A_54 = vector.shape_cast %get3A_53 : vector<1x1x1024xf32> to vector<1x1024xf32>
      %add3A_55 = vector.broadcast %get3A_54 : vector<1x1024xf32> to vector<256x1024xf32>
      %add3A_56 = arith.addf %dot_general3A_49, %add3A_55 : vector<256x1024xf32>
      %get3A_57 = arith.constant 0 : index
      %get3A_58 = arith.constant 0 : index
      %get3A_59 = vector.load %arg5[%get3A_57, %get3A_58] : memref<256x128xf32, #tpu.memory_space<vmem>>, vector<256x1xf32>
      %mul3A = vector.broadcast %get3A_59 : vector<256x1xf32> to vector<256x1024xf32>
      %mul3A_60 = arith.mulf %add3A_56, %mul3A : vector<256x1024xf32>
      %swap3A = arith.constant 0 : index
      %swap3A_61 = arith.constant 0 : index
      %swap3A_62 = vector.load %arg8[%swap3A, %swap3A_61] : memref<256x1024xf32, #tpu.memory_space<vmem>>, vector<256x1024xf32>
      tpu.vector_store %arg8[%swap3A, %swap3A_61], %mul3A_60 {strides = array<i32>} : memref<256x1024xf32, #tpu.memory_space<vmem>>, vector<256x1024xf32>,
    } else {
    }
    %eq3A_20 = arith.constant 1 : i32
    %eq3A_21 = arith.cmpi eq, %get3A_3, %eq3A_20 : i32
    %and3A_22 = arith.andi %lt3A, %eq3A_21 : i1
    %convert_element_type3A_23 = arith.extui %and3A_22 : i1 to i32
    %cond3A_24 = arith.constant 0 : i32
    %cond3A_25 = arith.cmpi ne, %convert_element_type3A_23, %cond3A_24 : i32
    scf.if %cond3A_25 {
      %get3A_26 = arith.constant 0 : index
      %get3A_27 = arith.constant 0 : index
      %get3A_28 = vector.load %arg2[%get3A_26, %get3A_27] : memref<256x1024xf32, #tpu.memory_space<vmem>>, vector<256x1024xf32>
      %get3A_29 = arith.constant 1 : index
      %get3A_30 = arith.constant 0 : index
      %get3A_31 = arith.constant 0 : index
      %get3A_32 = vector.load %arg9[%get3A_29, %get3A_30, %get3A_31] : memref<2x2048x1024xf32, #tpu.memory_space<vmem>>, vector<1x2048x1024xf32>
      %get3A_33 = vector.shape_cast %get3A_32 : vector<1x2048x1024xf32> to vector<2048x1024xf32>
      %dot_general3A = arith.constant dense<0.000000e+00> : vector<256x2048xf32>
      %dot_general3A_34 = tpu.matmul %get3A_28, %get3A_33, %dot_general3A {dimension_numbers = #tpu.dot_dimension_numbers<[1], [1], [0], [0], [0, 0, 1, 0], [], []>, transpose_lhs_hint = false} : vector<256x1024xf32>, vector<2048x1024xf32>, vector<256x2048xf32> -> vector<256x2048xf32>
      %get3A_35 = arith.constant 0 : index
      %get3A_36 = arith.constant 0 : index
      %get3A_37 = arith.constant 0 : index
      %get3A_38 = vector.load %arg3[%get3A_35, %get3A_36, %get3A_37] : memref<1x1x2048xf32, #tpu.memory_space<vmem>>, vector<1x1x2048xf32>
      %get3A_39 = vector.shape_cast %get3A_38 : vector<1x1x2048xf32> to vector<1x2048xf32>
      %add3A = vector.broadcast %get3A_39 : vector<1x2048xf32> to vector<256x2048xf32>
      %add3A_40 = arith.addf %dot_general3A_34, %add3A : vector<256x2048xf32>
      %max3A = arith.constant 0.000000e+00 : f32
      %max3A_41 = vector.broadcast %max3A : f32 to vector<256x2048xf32>
      %max3A_42 = arith.maximumf %add3A_40, %max3A_41 : vector<256x2048xf32>
      %get3A_43 = arith.constant 1 : index
      %get3A_44 = arith.constant 0 : index
      %get3A_45 = arith.constant 0 : index
      %get3A_46 = vector.load %arg10[%get3A_43, %get3A_44, %get3A_45] : memref<2x1024x2048xf32, #tpu.memory_space<vmem>>, vector<1x1024x2048xf32>
      %get3A_47 = vector.shape_cast %get3A_46 : vector<1x1024x2048xf32> to vector<1024x2048xf32>
      %dot_general3A_48 = arith.constant dense<0.000000e+00> : vector<256x1024xf32>
      %dot_general3A_49 = tpu.matmul %max3A_42, %get3A_47, %dot_general3A_48 {dimension_numbers = #tpu.dot_dimension_numbers<[1], [1], [0], [0], [0, 0, 1, 0], [], []>, transpose_lhs_hint = false} : vector<256x2048xf32>, vector<1024x2048xf32>, vector<256x1024xf32> -> vector<256x1024xf32>
      %get3A_50 = arith.constant 0 : index
      %get3A_51 = arith.constant 0 : index
      %get3A_52 = arith.constant 0 : index
      %get3A_53 = vector.load %arg4[%get3A_50, %get3A_51, %get3A_52] : memref<1x1x1024xf32, #tpu.memory_space<vmem>>, vector<1x1x1024xf32>
      %get3A_54 = vector.shape_cast %get3A_53 : vector<1x1x1024xf32> to vector<1x1024xf32>
      %add3A_55 = vector.broadcast %get3A_54 : vector<1x1024xf32> to vector<256x1024xf32>
      %add3A_56 = arith.addf %dot_general3A_49, %add3A_55 : vector<256x1024xf32>
      %get3A_57 = arith.constant 0 : index
      %get3A_58 = arith.constant 0 : index
      %get3A_59 = vector.load %arg5[%get3A_57, %get3A_58] : memref<256x128xf32, #tpu.memory_space<vmem>>, vector<256x1xf32>
      %mul3A = vector.broadcast %get3A_59 : vector<256x1xf32> to vector<256x1024xf32>
      %mul3A_60 = arith.mulf %add3A_56, %mul3A : vector<256x1024xf32>
      %swap3A = arith.constant 0 : index
      %swap3A_61 = arith.constant 0 : index
      %swap3A_62 = vector.load %arg8[%swap3A, %swap3A_61] : memref<256x1024xf32, #tpu.memory_space<vmem>>, vector<256x1024xf32>
      tpu.vector_store %arg8[%swap3A, %swap3A_61], %mul3A_60 {strides = array<i32>} : memref<256x1024xf32, #tpu.memory_space<vmem>>, vector<256x1024xf32>,
    } else {
    }
    return
  }
  func.func @transform_0(%arg0: i32, %arg1: memref<4x25xi32, #tpu.memory_space<smem>>) -> (i32, i32) {
    %get3A = arith.constant 0 : index
    %get3A_0 = arith.constant 24 : index
    %get3A_1 = memref.load %arg1[%get3A, %get3A_0] : memref<4x25xi32, #tpu.memory_space<smem>>
    %lt3A = arith.cmpi slt, %arg0, %get3A_1 : i32
    %jit3A = arith.constant 23 : i32
    %select_n3A = arith.select %lt3A, %arg0, %jit3A : i32
    %c0_i32 = arith.constant 0 : i32
    %c0_i32_2 = arith.constant 0 : i32
    return %select_n3A, %c0_i32 : i32, i32
  }
  func.func @transform_1(%arg0: i32, %arg1: memref<4x25xi32, #tpu.memory_space<smem>>) -> (i32, i32, i32) {
    %get3A = arith.constant 0 : index
    %get3A_0 = arith.index_cast %arg0 : i32 to index
    %get3A_1 = memref.load %arg1[%get3A, %get3A_0] : memref<4x25xi32, #tpu.memory_space<smem>>
    %c0_i32 = arith.constant 0 : i32
    %c0_i32_2 = arith.constant 0 : i32
    %c0_i32_3 = arith.constant 0 : i32
    return %get3A_1, %c0_i32, %c0_i32_2 : i32, i32, i32
  }
  func.func @transform_2(%arg0: i32, %arg1: memref<4x25xi32, #tpu.memory_space<smem>>) -> (i32, i32, i32) {
    %get3A = arith.constant 0 : index
    %get3A_0 = arith.index_cast %arg0 : i32 to index
    %get3A_1 = memref.load %arg1[%get3A, %get3A_0] : memref<4x25xi32, #tpu.memory_space<smem>>
    %c0_i32 = arith.constant 0 : i32
    %c0_i32_2 = arith.constant 0 : i32
    %c0_i32_3 = arith.constant 0 : i32
    return %get3A_1, %c0_i32, %c0_i32_2 : i32, i32, i32
  }
  func.func @transform_3(%arg0: i32, %arg1: memref<4x25xi32, #tpu.memory_space<smem>>) -> (i32, i32) {
    %get3A = arith.constant 0 : index
    %get3A_0 = arith.constant 24 : index
    %get3A_1 = memref.load %arg1[%get3A, %get3A_0] : memref<4x25xi32, #tpu.memory_space<smem>>
    %lt3A = arith.cmpi slt, %arg0, %get3A_1 : i32
    %jit3A = arith.constant 23 : i32
    %select_n3A = arith.select %lt3A, %arg0, %jit3A : i32
    %c0_i32 = arith.constant 0 : i32
    %c0_i32_2 = arith.constant 0 : i32
    return %select_n3A, %c0_i32 : i32, i32
  }
  func.func @transform_6(%arg0: i32, %arg1: memref<4x25xi32, #tpu.memory_space<smem>>) -> (i32, i32) {
    %get3A = arith.constant 0 : index
    %get3A_0 = arith.constant 24 : index
    %get3A_1 = memref.load %arg1[%get3A, %get3A_0] : memref<4x25xi32, #tpu.memory_space<smem>>
    %lt3A = arith.cmpi slt, %arg0, %get3A_1 : i32
    %jit3A = arith.constant 23 : i32
    %select_n3A = arith.select %lt3A, %arg0, %jit3A : i32
    %c0_i32 = arith.constant 0 : i32
    %c0_i32_2 = arith.constant 0 : i32
    return %select_n3A, %c0_i32 : i32, i32
  }
}

</mosaic_0001>

<sc_bundles>
// kernel: kernel.6.cloned.1.call-start
scs
__scs_entry_jumppad:
0x0: {  	(pc) =	sbr.rel $0x88, $3  }
0x1: {  	(tag) =	ssettag $0x0;
	lr =	simm.s32 $0x1  }
0x2: {  	[smem:$0x3F9A] =	sst lr;
	_ =	strace $0xD0000000  }
0x3: {  	_ = 	snop  }
0x4: {  	_ = 	snop  }
0x5: {  	_ = 	snop  }
0x6: {  	_ = 	snop  }
0x7: {  	_ = 	snop  }
__scs_overlays_trampoline_lowered:
0x8: {  	[smem:$0x3FA9] =	sst s0  }
0x9: {  	[smem:$0x3FAA] =	sst s1  }
0xa: {  	[smem:$0x3FAB] =	sst s2  }
0xb: {  	[smem:$0x3FAC] =	sst s3  }
0xc: {  	[smem:$0x3FAD] =	sst s4  }
0xd: {  	[smem:$0x3FAE] =	sst s5  }
0xe: {  	[smem:$0x3FAF] =	sst s6  }
0xf: {  	[smem:$0x3FB0] =	sst s7  }
0x10: {  	[smem:$0x3FB1] =	sst s8  }
0x11: {  	[smem:$0x3FB2] =	sst s9;
	s0 =	simm.s32 @!p0 $0x0  }
0x12: {  	s1 =	sld [smem:$0x3F98];
	s0 =	simm.s32 @p0 $0x1  }
0x13: {  	[smem:$0x3FB3] =	sst s0;
	s0 =	simm.s32 @!p1 $0x0  }
0x14: {  	s2 =	sld [smem:$0x3F97];
	s0 =	simm.s32 @p1 $0x1  }
0x15: {  	[smem:$0x3FB4] =	sst s0;
	s0 =	simm.s32 @!p2 $0x0  }
0x16: {  	s3 =	sld [smem:$0x3FDB];
	s0 =	simm.s32 @p2 $0x1  }
0x17: {  	s4 =	simm.s32 $0x1BF5;
	[smem:$0x3FB6] =	sst s0  }
0x18: {  	s0 =	sld [smem:$0x3F99];
	_ =	swait.ge [sflag:s4], $0x0  }
0x19: {  	s7 =	sld [smem:$0x3F9A]  }
0x1a: {  	s8 =	sadd.s32 $0xFFFFE003, lr  }
0x1b: {  	s9 =	sadd.s32 $0xFFFFFEF7, lr;
	s5 =	simm.s32 $0xFFFFFFFF;
	p2 =	slt.u32 s8, $0xFFFFF086  }
0x1c: {  	p1 =	slt.u32 s9, $0xF7A;
	s5 =	simm.s32 @!p2 $0x0  }
0x1d: {  	s5 =	simm.s32 @p1 $0x1;
	p0 =	seq.s32 s7, s2  }
0x1e: {  	s7 =	smul.u32 @!p0 $0xF7A, s2;
	p2 =	seq.s32 @!p0 s5, $0x0  }
0x1f: {  	s9 =	smul.u32 $0xF7A, s1;
	s8 =	simm.s32 @!p0 $0x1BF5;
	p2 =	por !p2, p0  }
0x20: {  	[sflag:s8] =	ssyncset.s32 @!p0 $0xFFFFF086;
	s6 =	sadd.s32 @!p0 s3, s7;
	s7 =	simm.s32 @!p0 $0x108  }
0x21: {  	s3 =	sadd.s32 s3, s9;
	s6 =	sadd.s32 @!p0 $0x88, s6;
	s7 =	simm.s32 @p2 $0x1082  }
0x22: {  	[simem:s7], [sflag:s8] =	dma.local @!p0 [hbm:s6], $0xF7A  }
0x23: {  	s9 =	sor.u32 $0xD0000000, s2;
	s6 =	simm.s32 $0x108;
	_ =	swait.ge @!p0 [sflag:s8], $0x0  }
0x24: {  	s3 =	sadd.s32 $0x88, s3;
	s6 =	simm.s32 @!p1 $0x1082;
	[sflag:s4] =	ssyncset.s32 $0xFFFFF086  }
0x25: {  	[simem:s6], [sflag:s4] =	dma.local [hbm:s3], $0xF7A  }
0x26: {  	[smem:$0x3F9A] =	sst s1;
	(tag) =	ssettag s2;
	_ =	strace s9  }
0x27: {  	s1 =	sld [smem:$0x3FAA]  }
0x28: {  	s2 =	sld [smem:$0x3FAB]  }
0x29: {  	s4 =	sld [smem:$0x3FAD]  }
0x2a: {  	p0 =	seq.s32 s5, $0x0;
	s5 =	sld [smem:$0x3FAE]  }
0x2b: {  	s6 =	sld [smem:$0x3FAF]  }
0x2c: {  	s7 =	sld [smem:$0x3FB0]  }
0x2d: {  	s3 =	simm.s32 $0x108;
	s8 =	sld [smem:$0x3FB1]  }
0x2e: {  	s3 =	simm.s32 @!p0 $0x1082;
	s9 =	sld [smem:$0x3FB2]  }
0x2f: {  	lr =	sadd.s32 s0, s3;
	s0 =	sld [smem:$0x3FA9]  }
0x30: {  	s3 =	sld [smem:$0x3FAC]  }
0x31: {  	[smem:$0x3FB5] =	sst s10  }
0x32: {  	s10 =	sld [smem:$0x3FB3];
	_ =	sdelay $0x3  }
0x33: {  	p0 =	seq.s32 s10, $0x1;
	s10 =	sld [smem:$0x3FB5];
	_ =	sdelay $0x3  }
0x34: {  	[smem:$0x3FB5] =	sst s10  }
0x35: {  	s10 =	sld [smem:$0x3FB4];
	_ =	sdelay $0x3  }
0x36: {  	p1 =	seq.s32 s10, $0x1;
	s10 =	sld [smem:$0x3FB5];
	_ =	sdelay $0x3  }
0x37: {  	[smem:$0x3FB5] =	sst s10  }
0x38: {  	s10 =	sld [smem:$0x3FB6]  }
0x39: {  	_ = 	snop;
	(pc) =	sbr.ind lr, $3  }
0x3a: {  	_ = 	snop  }
0x3b: {  	_ = 	snop  }
0x3c: {  	p2 =	seq.s32 s10, $0x1;
	s10 =	sld [smem:$0x3FB5]  }
0x3d: {  	_ =	shalt  }
0x3e: {  	_ =	shalt  }
0x3f: {  	_ =	shalt  }
0x40: {  	_ =	shalt  }
0x41: {  	_ =	shalt  }
0x42: {  	_ =	shalt  }
0x43: {  	_ =	shalt  }
0x44: {  	_ =	shalt  }
0x45: {  	_ =	shalt  }
0x46: {  	_ =	shalt  }
0x47: {  	_ =	shalt  }
0x48: {  	_ =	shalt  }
0x49: {  	_ =	shalt  }
0x4a: {  	_ =	shalt  }
0x4b: {  	_ =	shalt  }
0x4c: {  	_ =	shalt  }
0x4d: {  	_ =	shalt  }
0x4e: {  	_ =	shalt  }
0x4f: {  	_ =	shalt  }
0x50: {  	_ =	shalt  }
0x51: {  	_ =	shalt  }
0x52: {  	_ =	shalt  }
0x53: {  	_ =	shalt  }
0x54: {  	_ =	shalt  }
0x55: {  	_ =	shalt  }
0x56: {  	_ =	shalt  }
0x57: {  	_ =	shalt  }
0x58: {  	_ =	shalt  }
0x59: {  	_ =	shalt  }
0x5a: {  	_ =	shalt  }
0x5b: {  	_ =	shalt  }
0x5c: {  	_ =	shalt  }
0x5d: {  	_ =	shalt  }
0x5e: {  	_ =	shalt  }
0x5f: {  	_ =	shalt  }
0x60: {  	_ =	shalt  }
0x61: {  	_ =	shalt  }
0x62: {  	_ =	shalt  }
0x63: {  	_ =	shalt  }
0x64: {  	_ =	shalt  }
0x65: {  	_ =	shalt  }
0x66: {  	_ =	shalt  }
0x67: {  	_ =	shalt  }
0x68: {  	_ =	shalt  }
0x69: {  	_ =	shalt  }
0x6a: {  	_ =	shalt  }
0x6b: {  	_ =	shalt  }
0x6c: {  	_ =	shalt  }
0x6d: {  	_ =	shalt  }
0x6e: {  	_ =	shalt  }
0x6f: {  	_ =	shalt  }
0x70: {  	_ =	shalt  }
0x71: {  	_ =	shalt  }
0x72: {  	_ =	shalt  }
0x73: {  	_ =	shalt  }
0x74: {  	_ =	shalt  }
0x75: {  	_ =	shalt  }
0x76: {  	_ =	shalt  }
0x77: {  	_ =	shalt  }
0x78: {  	_ =	shalt  }
0x79: {  	_ =	shalt  }
0x7a: {  	_ =	shalt  }
0x7b: {  	_ =	shalt  }
0x7c: {  	_ =	shalt  }
0x7d: {  	_ =	shalt  }
0x7e: {  	_ =	shalt  }
0x7f: {  	_ =	shalt  }
0x80: {  	_ =	shalt  }
0x81: {  	_ =	shalt  }
0x82: {  	_ =	shalt  }
0x83: {  	_ =	shalt  }
0x84: {  	_ =	shalt  }
0x85: {  	_ =	shalt  }
0x86: {  	_ =	shalt  }
0x87: {  	_ =	shalt  }
.Lfunc_end0:
.L_simem_size_0:
called_computation_lowered:
.L_overlay_start_0:
0x88: {  	s2 =	sld [smem:$0x3FD9]  }
0x89: {  	s3 =	sld [smem:$0x3FFE];
	_ =	sdelay $0x1  }
0x8a: {  	s1 =	srdreg.scid  }
0x8b: {  	s0 =	sand.u32 $0x1, s1  }
0x8c: {  	s17 =	sshll.u32 s0, $0xA;
	s2 =	sadd.s32 s3, s2  }
0x8d: {  	s2 =	sadd.s32 s2, s17  }
0x8e: {  	[smem:$0x3FC1] =	sst s2  }
0x8f: {  	_ = 	snop  }
0x90: {  	s2 =	sld [smem:$0x3FC9]  }
0x91: {  	s18 =	sld [smem:$0x3FD0];
	(tm) =	ssettm $0x1  }
0x92: {  	s4 =	sld [smem:$0x3FFB];
	_ =	sdelay $0x3  }
0x93: {  	_ =	strace s4  }
0x94: {  	s4 =	sld [smem:$0x3FFC];
	_ =	sdelay $0x3  }
0x95: {  	_ =	strace s4  }
0x96: {  	s4 =	sld [smem:$0x3FFD];
	_ =	sdelay $0x3  }
0x97: {  	_ =	strace s4  }
0x98: {  	_ =	strace $0x8FFFFFFF  }
0x99: {  	s19 =	sld [smem:$0x3FDB];
	_ =	sdelay $0x1  }
0x9a: {  	s5 =	simm.s32 $_scs_section_size  }
0x9b: {  	s6 =	simm.s32 $_size__tile_overlayer_lowered;
	s7 =	simm.s32 $_tile_overlayer_lowered  }
0x9c: {  	s22 =	simm.s32 $0x1BFF;
	s21 =	sshll.u32 s7, $0x1;
	s4 =	sadd.s32 s5, s19  }
0x9d: {  	s8 =	simm.s32 $0x0;
	s20 =	sshll.u32 s6, $0x1;
	s6 =	sadd.s32 s21, s4  }
0x9e: {  	[timem:s8], [sflag:s22] =	dma.local [hbm:s6], s20  }
0x9f: {  	_ =	swait.ge [sflag:s22], s20  }
0xa0: {  	s5 =	ssub.s32 $0x0, s20;
	[sflag:s22] =	ssyncset.done $0x0  }
0xa1: {  	[sflag:s22] =	ssyncadd.s32 s5;
	_ =	sdelay $0x1  }
0xa2: {  	s23 =	simm.s32 $0x1B8B  }
0xa3: {  	_ =	swait.ge [sflag:s23], $0x1  }
0xa4: {  	[sflag:s23] =	ssyncset.done $0x0  }
0xa5: {  	s25 =	simm.s32 $0x1B8E;
	s24 =	sld [smem:$0x3FFE];
	[sflag:s23] =	ssyncadd.s32 $0xFFFFFFFF  }
0xa6: {  	s26 =	simm.s32 $execute0_lowered;
	[smem:$0x3FD2] =	sst s25  }
0xa7: {  	s6 =	sshll.u32 s26, $0x1;
	_ =	strace $0x80000046;
	[dreg:$0x1] =	wrdreg $0xFFFFFFFF  }
0xa8: {  	s28 =	simm.s32 $_size_execute0_lowered;
	s4 =	sadd.s32 s4, s6;
	[dreg:$0x0] =	wrdreg $0x0  }
0xa9: {  	s6 =	sshll.u32 s28, $0x1;
	[dreg:$0x2] =	wrdreg s4  }
0xaa: {  	[dreg:$0x3] =	wrdreg s6  }
0xab: {  	[dreg:$0x4] =	wrdreg $0xC0  }
0xac: {  	_ =	task [dreg:s8], $0x5FFFF  }
0xad: {  	[dreg:$0x1] =	wrdreg $0xFFFFFFFF  }
0xae: {  	[dreg:$0x0] =	wrdreg $0x60  }
0xaf: {  	[dreg:$0x2] =	wrdreg s2  }
0xb0: {  	[dreg:$0x3] =	wrdreg s24  }
0xb1: {  	[dreg:$0x4] =	wrdreg s18  }
0xb2: {  	[dreg:$0x5] =	wrdreg $0x9  }
0xb3: {  	_ =	task.clear_ibuf [dreg:s8], $0x6FFFF;
	_ =	strace $0x90000046  }
0xb4: {  	s29 =	simm.s32 $0x9;
	_ =	strace $0x80000048  }
0xb5: {  	_ =	swait.ge [sflag:s29], $0x1  }
0xb6: {  	[sflag:s29] =	ssyncadd.s32 $0xFFFFFFFF  }
0xb7: {  	_ =	strace $0x90000048  }
0xb8: {  	_ =	sfence  }
0xb9: {  	s30 =	sld [smem:$0x0];
	_ =	sdelay $0x2  }
0xba: {  	s31 =	sshll.u32 s1, $0xD;
	s1 =	sshrl.u32 s1, $0x2  }
0xbb: {  	s3 =	sand.u32 $0x4000, s31;
	s1 =	sadd.s32 s1, s30  }
0xbc: {  	s0 =	sor.u32 s3, s0;
	s1 =	sshll.u32 s1, $0x11  }
0xbd: {  	s0 =	sor.u32 s1, s0  }
0xbe: {  	s0 =	sadd.s32 $0x8F2B, s0  }
0xbf: {  	[sflag:s0] =	ssyncadd.remote.s32 $0x1  }
0xc0: {  	_ =	sfence.sel $0xFFFF  }
0xc1: {  	[dreg:$0x0] =	wrdreg $0xFFFFFFFF;
	(pc) =	sbr.abs _section_cstart, $3  }
0xc2: {  	[dreg:$0x1] =	wrdreg $0xFFFFFFFF  }
0xc3: {  	_ =	task.clear_ibuf [dreg:s8], $0x2FFFF;
	_ =	strace $0x9FFFFFFF  }
0xc4: {  	(tm) =	ssettm $0x7FFFFFFF  }
0xc5: {  	_ =	shalt  }
tec
execute0_lowered:
.L_overlay_start_1:
0x0: {  	(tag) =	ssettag $0x1  }
0x1: {  	s0 =	rddreg [dreg:$0x0]  }
0x2: {  	s1 =	rddreg [dreg:$0x1];
	s4 =	srdreg.scid  }
0x3: {  	s5 =	stileid.u32;
	s3 =	simm.s32 $0x0;
	s24 =	simm.s32 $0x80  }
0x4: {  	s25 =	simm.s32 $0x100;
	s26 =	simm.s32 $0x180;
	s31 =	simm.s32 $0x1  }
0x5: {  	s28 =	simm.s32 $0xC200;
	s29 =	simm.s32 $0xCA00;
	s30 =	simm.s32 $0xD200  }
0x6: {  	s4 =	sand.u32 $0x1, s4;
	s5 =	sshll.u32 s5, $0x1;
	[smem:$0x7FF] =	sst s3  }
0x7: {  	s7 =	sadd.s32 $0x1800, s1;
	_ =	strace $0x80000047;
	[dreg:$0xd] =	wrdreg s24  }
0x8: {  	s5 =	sor.u32 s4, s5;
	s8 =	ssub.s32 $0x2, s4;
	[dreg:$0xe] =	wrdreg s25  }
0x9: {  	s4 =	sadd.s32 $0x12200, s1;
	[dreg:$0xf] =	wrdreg s26;
	s25 =	simm.s32 $0xB200  }
0xa: {  	s26 =	simm.s32 $0xBA00;
	s24 =	simm.s32 $0xDA00;
	s6 =	sshll.u32 s5, $0x6  }
0xb: {  	s9 =	sshrl.u32 s8, $0x1;
	s12 =	sshll.u32 s5, $0xE;
	s10 =	sshll.u32 s5, $0x4  }
0xc: {  	s5 =	sshll.u32 s5, $0xB;
	s6 =	sadd.s32 s6, s1;
	s11 =	sor.u32 $0x4, s10  }
0xd: {  	s5 =	sadd.s32 s7, s5;
	s17 =	sor.u32 $0x8, s10;
	s8 =	ssub.s32 s8, s9  }
0xe: {  	s19 =	sor.u32 $0xC, s10;
	s6 =	sadd.s32 $0x11A00, s6;
	s13 =	sshll.u32 s11, $0xA  }
0xf: {  	[dreg:$0x6] =	wrdreg s5;
	s15 =	sshll.u32 s11, $0x7;
	s18 =	sshll.u32 s17, $0xA  }
0x10: {  	s21 =	sshll.u32 s19, $0xA;
	s22 =	sshll.u32 s19, $0x7;
	s19 =	simm.s32 $0x5  }
0x11: {  	[dreg:$0x4] =	wrdreg s6;
	s6 =	sadd.s32 s0, s12;
	s14 =	sadd.s32 s0, s13  }
0x12: {  	s16 =	sadd.s32 s7, s15;
	s5 =	sadd.s32 s0, s18;
	[dreg:$0x5] =	wrdreg s6  }
0x13: {  	s0 =	sadd.s32 s0, s21;
	s23 =	sadd.s32 s7, s22;
	[dreg:$0x7] =	wrdreg s14  }
0x14: {  	s18 =	smax.u32 s8, $0x1;
	s12 =	simm.s32 $0x10200;
	[dreg:$0x8] =	wrdreg s16  }
0x15: {  	s13 =	simm.s32 $0x8200;
	s15 =	simm.s32 $0x2;
	[dreg:$0x9] =	wrdreg s5  }
0x16: {  	s21 =	simm.s32 $0xEA00;
	s8 =	simm.s32 $0x4;
	[dreg:$0xb] =	wrdreg s0  }
0x17: {  	s6 =	sshll.u32 s17, $0x7;
	s5 =	sadd.s32 $0x12300, s1;
	[dreg:$0xc] =	wrdreg s23  }
0x18: {  	v2 =	vlaneseq.u32;
	s14 =	simm.s32 $0x7;
	s17 =	simm.s32 $0x11200;
	s16 =	simm.s32 $0x8  }
0x19: {  	vm0 =	vmmov $0xffff;
	v1 =	vshrl.u32 v2, $0x3;
	s20 =	sadd.s32 s7, s6;
	s6 =	sadd.s32 $0x12400, s1;
	s7 =	sadd.s32 $0x12500, s1  }
0x1a: {  	v0 =	vand.u32 $0x7, v2;
	v2 =	vor.u32 $0x8, v2;
	v1 =	vmul.u32 $0x8, v1;
	s1 =	simm.s32 $0x20;
	[dreg:$0xa] =	wrdreg s20;
	s20 =	simm.s32 $0xE200  }
.LBB2_1:
0x1b: {  	s22 =	rddreg [dreg:$0x4];
	s9 =	simm.s32 $0x9  }
0x1c: {  	[tilespmem:s3], [sflag:$0x9] =	stream.linear.gather [hbm4b:s22+s3], $0x200, $0x38;
	[tilespmem:$0x12200] =	vst v63  }
0x1d: {  	_ =	swait.ge [sflag:s9], $0x200  }
0x1e: {  	[sflag:s9] =	ssyncset.done $0x0  }
0x1f: {  	s11 =	simm.s32 $0x200;
	s2 =	rddreg [dreg:$0x5];
	[sflag:s9] =	ssyncadd.s32 $0xFFFFFE00  }
0x20: {  	[tilespmem:s11], [sflag:$0x1] =	stream.linear.gather [hbm4b:s2+s3], $0x8000, $0x38;
	[tilespmem:$0x12200] =	vst v63  }
0x21: {  	s23 =	rddreg [dreg:$0x6]  }
0x22: {  	[tilespmem:s12], [sflag:$0x3] =	stream.linear.gather [hbm4b:s23+s3], $0x1000, $0x38;
	[tilespmem:$0x12200] =	vst v63  }
0x23: {  	s9 =	rddreg [dreg:$0x7]  }
0x24: {  	[tilespmem:s13], [sflag:$0x2] =	stream.linear.gather [hbm4b:s9+s3], $0x8000, $0x38;
	[tilespmem:$0x12200] =	vst v63  }
0x25: {  	s0 =	simm.s32 $0x11200;
	s10 =	rddreg [dreg:$0x8]  }
0x26: {  	[tilespmem:s0], [sflag:$0x4] =	stream.linear.gather [hbm4b:s10+s3], $0x1000, $0x38;
	[tilespmem:$0x12200] =	vst v63  }
0x27: {  	_ =	swait.ge [sflag:s31], $0x8000  }
0x28: {  	[sflag:s31] =	ssyncset.done $0x0  }
0x29: {  	[sflag:s31] =	ssyncadd.s32 $0xFFFF8000  }
0x2a: {  	v3 =	vld [tilespmem:$0x0];
	_ =	sdelay $0x4  }
0x2b: {  	v4 =	vshll.u32 v3, $0x3  }
0x2c: {  	v3 =	vand.u32 $0x7, v3;
	v4 =	vand.u32 $0xFFFFFFC0, v4  }
0x2d: {  	v3 =	vor.u32 v3, v4  }
0x2e: {  	v4 =	vperm.xlane v3, v0;
	_ =	sdelay $0x1  }
0x2f: {  	v4 =	vadd.s32 v1, v4;
	_ =	sdelay $0x4  }
0x30: {  	[hbm4b:s4+s3] =	stream.indirect_vreg.scatter [tilespmem:s11], [sflag:$0x5], $0x80, v4, vm0, $0xb8;
	[tilespmem:$0x12200] =	vst v63  }
0x31: {  	s2 =	simm.s32 $0xA00;
	v3 =	vperm.xlane v3, v2  }
0x32: {  	[hbm4b:s5+s3] =	stream.indirect_vreg.scatter [tilespmem:s2], [sflag:$0x5], $0x80, v4, vm0, $0xb8;
	[tilespmem:$0x12200] =	vst v63  }
0x33: {  	s9 =	simm.s32 $0x1200;
	v3 =	vadd.s32 v1, v3  }
0x34: {  	[hbm4b:s6+s3] =	stream.indirect_vreg.scatter [tilespmem:s9], [sflag:$0x5], $0x80, v4, vm0, $0xb8;
	[tilespmem:$0x12200] =	vst v63  }
0x35: {  	s10 =	simm.s32 $0x1A00  }
0x36: {  	[hbm4b:s7+s3] =	stream.indirect_vreg.scatter [tilespmem:s10], [sflag:$0x5], $0x80, v4, vm0, $0xb8;
	[tilespmem:$0x12200] =	vst v63  }
0x37: {  	s22 =	simm.s32 $0x2200  }
0x38: {  	[hbm4b:s4+s3] =	stream.indirect_vreg.scatter [tilespmem:s22], [sflag:$0x5], $0x80, v3, vm0, $0xb8;
	[tilespmem:$0x12200] =	vst v63  }
0x39: {  	s23 =	simm.s32 $0x2A00  }
0x3a: {  	[hbm4b:s5+s3] =	stream.indirect_vreg.scatter [tilespmem:s23], [sflag:$0x5], $0x80, v3, vm0, $0xb8;
	[tilespmem:$0x12200] =	vst v63  }
0x3b: {  	s2 =	simm.s32 $0x3200  }
0x3c: {  	[hbm4b:s6+s3] =	stream.indirect_vreg.scatter [tilespmem:s2], [sflag:$0x5], $0x80, v3, vm0, $0xb8;
	[tilespmem:$0x12200] =	vst v63  }
0x3d: {  	s9 =	simm.s32 $0x3A00  }
0x3e: {  	[hbm4b:s7+s3] =	stream.indirect_vreg.scatter [tilespmem:s9], [sflag:$0x5], $0x80, v3, vm0, $0xb8;
	[tilespmem:$0x12200] =	vst v63  }
0x3f: {  	v3 =	vld [tilespmem:$0x10];
	_ =	sdelay $0x4  }
0x40: {  	v57 =	vshll.u32 v3, $0x3  }
0x41: {  	v3 =	vand.u32 $0x7, v3;
	v4 =	vand.u32 $0xFFFFFFC0, v57  }
0x42: {  	v3 =	vor.u32 v3, v4  }
0x43: {  	v4 =	vperm.xlane v3, v0;
	_ =	sdelay $0x1  }
0x44: {  	v4 =	vadd.s32 v1, v4;
	_ =	sdelay $0x3  }
0x45: {  	s10 =	simm.s32 $0x4200  }
0x46: {  	[hbm4b:s4+s3] =	stream.indirect_vreg.scatter [tilespmem:s10], [sflag:$0x5], $0x80, v4, vm0, $0xb8;
	[tilespmem:$0x12200] =	vst v63  }
0x47: {  	s22 =	simm.s32 $0x4A00;
	v3 =	vperm.xlane v3, v2  }
0x48: {  	[hbm4b:s5+s3] =	stream.indirect_vreg.scatter [tilespmem:s22], [sflag:$0x5], $0x80, v4, vm0, $0xb8;
	[tilespmem:$0x12200] =	vst v63  }
0x49: {  	s23 =	simm.s32 $0x5200;
	v3 =	vadd.s32 v1, v3  }
0x4a: {  	[hbm4b:s6+s3] =	stream.indirect_vreg.scatter [tilespmem:s23], [sflag:$0x5], $0x80, v4, vm0, $0xb8;
	[tilespmem:$0x12200] =	vst v63  }
0x4b: {  	s2 =	simm.s32 $0x5A00  }
0x4c: {  	[hbm4b:s7+s3] =	stream.indirect_vreg.scatter [tilespmem:s2], [sflag:$0x5], $0x80, v4, vm0, $0xb8;
	[tilespmem:$0x12200] =	vst v63  }
0x4d: {  	s9 =	simm.s32 $0x6200  }
0x4e: {  	[hbm4b:s4+s3] =	stream.indirect_vreg.scatter [tilespmem:s9], [sflag:$0x5], $0x80, v3, vm0, $0xb8;
	[tilespmem:$0x12200] =	vst v63  }
0x4f: {  	s10 =	simm.s32 $0x6A00  }
0x50: {  	[hbm4b:s5+s3] =	stream.indirect_vreg.scatter [tilespmem:s10], [sflag:$0x5], $0x80, v3, vm0, $0xb8;
	[tilespmem:$0x12200] =	vst v63  }
0x51: {  	s22 =	simm.s32 $0x7200  }
0x52: {  	[hbm4b:s6+s3] =	stream.indirect_vreg.scatter [tilespmem:s22], [sflag:$0x5], $0x80, v3, vm0, $0xb8;
	[tilespmem:$0x12200] =	vst v63  }
0x53: {  	s0 =	simm.s32 $0x3;
	s23 =	simm.s32 $0x7A00  }
0x54: {  	[hbm4b:s7+s3] =	stream.indirect_vreg.scatter [tilespmem:s23], [sflag:$0x5], $0x80, v3, vm0, $0xb8;
	[tilespmem:$0x12200] =	vst v63  }
0x55: {  	_ =	swait.ge [sflag:s0], $0x1000  }
0x56: {  	[sflag:s0] =	ssyncset.done $0x0  }
0x57: {  	[sflag:s0] =	ssyncadd.s32 $0xFFFFF000  }
0x58: {  	s10 =	rddreg [dreg:$0x2]  }
0x59: {  	[hbm4b:s10+s1] =	stream.indirect.scatter [tilespmem:s12], [sflag:$0x7], $0x80, s3, s1, $0xb8;
	[tilespmem:$0x12200] =	vst v63  }
0x5a: {  	_ =	swait.ge [sflag:s19], $0x8000  }
0x5b: {  	[sflag:s19] =	ssyncset.done $0x0  }
0x5c: {  	[sflag:s19] =	ssyncadd.s32 $0xFFFF8000  }
0x5d: {  	_ =	swait.ge [sflag:s14], $0x1000  }
0x5e: {  	[sflag:s14] =	ssyncset.done $0x0  }
0x5f: {  	s2 =	rddreg [dreg:$0x9];
	[sflag:s14] =	ssyncadd.s32 $0xFFFFF000  }
0x60: {  	[tilespmem:s11], [sflag:$0x1] =	stream.linear.gather [hbm4b:s2+s3], $0x8000, $0x38;
	[tilespmem:$0x12200] =	vst v63  }
0x61: {  	s9 =	rddreg [dreg:$0xa]  }
0x62: {  	[tilespmem:s12], [sflag:$0x3] =	stream.linear.gather [hbm4b:s9+s3], $0x1000, $0x38;
	[tilespmem:$0x12200] =	vst v63  }
0x63: {  	_ =	swait.ge [sflag:s15], $0x8000  }
0x64: {  	[sflag:s15] =	ssyncset.done $0x0  }
0x65: {  	[sflag:s15] =	ssyncadd.s32 $0xFFFF8000  }
0x66: {  	v3 =	vld [tilespmem:$0x80];
	_ =	sdelay $0x4  }
0x67: {  	v58 =	vshll.u32 v3, $0x3  }
0x68: {  	v3 =	vand.u32 $0x7, v3;
	v4 =	vand.u32 $0xFFFFFFC0, v58  }
0x69: {  	v3 =	vor.u32 v3, v4  }
0x6a: {  	v4 =	vperm.xlane v3, v0;
	_ =	sdelay $0x1  }
0x6b: {  	v4 =	vadd.s32 v1, v4;
	_ =	sdelay $0x4  }
0x6c: {  	[hbm4b:s4+s3] =	stream.indirect_vreg.scatter [tilespmem:s13], [sflag:$0x6], $0x80, v4, vm0, $0xb8;
	[tilespmem:$0x12200] =	vst v63  }
0x6d: {  	s2 =	simm.s32 $0x8A00;
	v3 =	vperm.xlane v3, v2  }
0x6e: {  	[hbm4b:s5+s3] =	stream.indirect_vreg.scatter [tilespmem:s2], [sflag:$0x6], $0x80, v4, vm0, $0xb8;
	[tilespmem:$0x12200] =	vst v63  }
0x6f: {  	s9 =	simm.s32 $0x9200;
	v3 =	vadd.s32 v1, v3  }
0x70: {  	[hbm4b:s6+s3] =	stream.indirect_vreg.scatter [tilespmem:s9], [sflag:$0x6], $0x80, v4, vm0, $0xb8;
	[tilespmem:$0x12200] =	vst v63  }
0x71: {  	s23 =	simm.s32 $0x9A00  }
0x72: {  	[hbm4b:s7+s3] =	stream.indirect_vreg.scatter [tilespmem:s23], [sflag:$0x6], $0x80, v4, vm0, $0xb8;
	[tilespmem:$0x12200] =	vst v63  }
0x73: {  	s22 =	simm.s32 $0xA200  }
0x74: {  	[hbm4b:s4+s3] =	stream.indirect_vreg.scatter [tilespmem:s22], [sflag:$0x6], $0x80, v3, vm0, $0xb8;
	[tilespmem:$0x12200] =	vst v63  }
0x75: {  	s23 =	simm.s32 $0xAA00  }
0x76: {  	[hbm4b:s5+s3] =	stream.indirect_vreg.scatter [tilespmem:s23], [sflag:$0x6], $0x80, v3, vm0, $0xb8;
	[tilespmem:$0x12200] =	vst v63  }
0x77: {  	_ = 	snop  }
0x78: {  	[hbm4b:s6+s3] =	stream.indirect_vreg.scatter [tilespmem:s25], [sflag:$0x6], $0x80, v3, vm0, $0xb8;
	[tilespmem:$0x12200] =	vst v63  }
0x79: {  	_ = 	snop  }
0x7a: {  	[hbm4b:s7+s3] =	stream.indirect_vreg.scatter [tilespmem:s26], [sflag:$0x6], $0x80, v3, vm0, $0xb8;
	[tilespmem:$0x12200] =	vst v63  }
0x7b: {  	v3 =	vld [tilespmem:$0x90];
	_ =	sdelay $0x4  }
0x7c: {  	v59 =	vshll.u32 v3, $0x3  }
0x7d: {  	v3 =	vand.u32 $0x7, v3;
	v4 =	vand.u32 $0xFFFFFFC0, v59  }
0x7e: {  	v3 =	vor.u32 v3, v4  }
0x7f: {  	v4 =	vperm.xlane v3, v0;
	_ =	sdelay $0x1  }
0x80: {  	v4 =	vadd.s32 v1, v4;
	_ =	sdelay $0x4  }
0x81: {  	[hbm4b:s4+s3] =	stream.indirect_vreg.scatter [tilespmem:s28], [sflag:$0x6], $0x80, v4, vm0, $0xb8;
	[tilespmem:$0x12200] =	vst v63  }
0x82: {  	v3 =	vperm.xlane v3, v2  }
0x83: {  	[hbm4b:s5+s3] =	stream.indirect_vreg.scatter [tilespmem:s29], [sflag:$0x6], $0x80, v4, vm0, $0xb8;
	[tilespmem:$0x12200] =	vst v63  }
0x84: {  	v3 =	vadd.s32 v1, v3  }
0x85: {  	[hbm4b:s6+s3] =	stream.indirect_vreg.scatter [tilespmem:s30], [sflag:$0x6], $0x80, v4, vm0, $0xb8;
	[tilespmem:$0x12200] =	vst v63  }
0x86: {  	_ = 	snop  }
0x87: {  	[hbm4b:s7+s3] =	stream.indirect_vreg.scatter [tilespmem:s24], [sflag:$0x6], $0x80, v4, vm0, $0xb8;
	[tilespmem:$0x12200] =	vst v63  }
0x88: {  	_ = 	snop  }
0x89: {  	[hbm4b:s4+s3] =	stream.indirect_vreg.scatter [tilespmem:s20], [sflag:$0x6], $0x80, v3, vm0, $0xb8;
	[tilespmem:$0x12200] =	vst v63  }
0x8a: {  	_ = 	snop  }
0x8b: {  	[hbm4b:s5+s3] =	stream.indirect_vreg.scatter [tilespmem:s21], [sflag:$0x6], $0x80, v3, vm0, $0xb8;
	[tilespmem:$0x12200] =	vst v63  }
0x8c: {  	s22 =	simm.s32 $0xF200  }
0x8d: {  	[hbm4b:s6+s3] =	stream.indirect_vreg.scatter [tilespmem:s22], [sflag:$0x6], $0x80, v3, vm0, $0xb8;
	[tilespmem:$0x12200] =	vst v63  }
0x8e: {  	s23 =	simm.s32 $0xFA00  }
0x8f: {  	[hbm4b:s7+s3] =	stream.indirect_vreg.scatter [tilespmem:s23], [sflag:$0x6], $0x80, v3, vm0, $0xb8;
	[tilespmem:$0x12200] =	vst v63  }
0x90: {  	_ =	swait.ge [sflag:s8], $0x1000  }
0x91: {  	[sflag:s8] =	ssyncset.done $0x0  }
0x92: {  	s2 =	rddreg [dreg:$0xd];
	[sflag:s8] =	ssyncadd.s32 $0xFFFFF000  }
0x93: {  	[hbm4b:s10+s1] =	stream.indirect.scatter [tilespmem:s17], [sflag:$0x8], $0x80, s2, s1, $0xb8;
	[tilespmem:$0x12200] =	vst v63  }
0x94: {  	s2 =	simm.s32 $0x6  }
0x95: {  	_ =	swait.ge [sflag:s2], $0x8000  }
0x96: {  	[sflag:s2] =	ssyncset.done $0x0  }
0x97: {  	[sflag:s2] =	ssyncadd.s32 $0xFFFF8000  }
0x98: {  	_ =	swait.ge [sflag:s16], $0x1000  }
0x99: {  	[sflag:s16] =	ssyncset.done $0x0  }
0x9a: {  	s22 =	rddreg [dreg:$0xb];
	[sflag:s16] =	ssyncadd.s32 $0xFFFFF000  }
0x9b: {  	[tilespmem:s13], [sflag:$0x2] =	stream.linear.gather [hbm4b:s22+s3], $0x8000, $0x38;
	[tilespmem:$0x12200] =	vst v63  }
0x9c: {  	s23 =	rddreg [dreg:$0xc]  }
0x9d: {  	[tilespmem:s17], [sflag:$0x4] =	stream.linear.gather [hbm4b:s23+s3], $0x1000, $0x38;
	[tilespmem:$0x12200] =	vst v63  }
0x9e: {  	_ =	swait.ge [sflag:s31], $0x8000  }
0x9f: {  	[sflag:s31] =	ssyncset.done $0x0  }
0xa0: {  	[sflag:s31] =	ssyncadd.s32 $0xFFFF8000  }
0xa1: {  	v3 =	vld [tilespmem:$0x100];
	_ =	sdelay $0x4  }
0xa2: {  	v60 =	vshll.u32 v3, $0x3  }
0xa3: {  	v3 =	vand.u32 $0x7, v3;
	v4 =	vand.u32 $0xFFFFFFC0, v60  }
0xa4: {  	v3 =	vor.u32 v3, v4  }
0xa5: {  	v4 =	vperm.xlane v3, v0;
	_ =	sdelay $0x1  }
0xa6: {  	v4 =	vadd.s32 v1, v4;
	_ =	sdelay $0x4  }
0xa7: {  	[hbm4b:s4+s3] =	stream.indirect_vreg.scatter [tilespmem:s11], [sflag:$0x5], $0x80, v4, vm0, $0xb8;
	[tilespmem:$0x12200] =	vst v63  }
0xa8: {  	s22 =	simm.s32 $0xA00;
	v3 =	vperm.xlane v3, v2  }
0xa9: {  	[hbm4b:s5+s3] =	stream.indirect_vreg.scatter [tilespmem:s22], [sflag:$0x5], $0x80, v4, vm0, $0xb8;
	[tilespmem:$0x12200] =	vst v63  }
0xaa: {  	v3 =	vadd.s32 v1, v3;
	s22 =	simm.s32 $0x1200  }
0xab: {  	[hbm4b:s6+s3] =	stream.indirect_vreg.scatter [tilespmem:s22], [sflag:$0x5], $0x80, v4, vm0, $0xb8;
	[tilespmem:$0x12200] =	vst v63  }
0xac: {  	s22 =	simm.s32 $0x1A00  }
0xad: {  	[hbm4b:s7+s3] =	stream.indirect_vreg.scatter [tilespmem:s22], [sflag:$0x5], $0x80, v4, vm0, $0xb8;
	[tilespmem:$0x12200] =	vst v63  }
0xae: {  	s22 =	simm.s32 $0x2200  }
0xaf: {  	[hbm4b:s4+s3] =	stream.indirect_vreg.scatter [tilespmem:s22], [sflag:$0x5], $0x80, v3, vm0, $0xb8;
	[tilespmem:$0x12200] =	vst v63  }
0xb0: {  	s22 =	simm.s32 $0x2A00  }
0xb1: {  	[hbm4b:s5+s3] =	stream.indirect_vreg.scatter [tilespmem:s22], [sflag:$0x5], $0x80, v3, vm0, $0xb8;
	[tilespmem:$0x12200] =	vst v63  }
0xb2: {  	s22 =	simm.s32 $0x3200  }
0xb3: {  	[hbm4b:s6+s3] =	stream.indirect_vreg.scatter [tilespmem:s22], [sflag:$0x5], $0x80, v3, vm0, $0xb8;
	[tilespmem:$0x12200] =	vst v63  }
0xb4: {  	s22 =	simm.s32 $0x3A00  }
0xb5: {  	[hbm4b:s7+s3] =	stream.indirect_vreg.scatter [tilespmem:s22], [sflag:$0x5], $0x80, v3, vm0, $0xb8;
	[tilespmem:$0x12200] =	vst v63  }
0xb6: {  	v3 =	vld [tilespmem:$0x110];
	_ =	sdelay $0x4  }
0xb7: {  	v61 =	vshll.u32 v3, $0x3  }
0xb8: {  	v3 =	vand.u32 $0x7, v3;
	v4 =	vand.u32 $0xFFFFFFC0, v61  }
0xb9: {  	v3 =	vor.u32 v3, v4  }
0xba: {  	v4 =	vperm.xlane v3, v0;
	_ =	sdelay $0x1  }
0xbb: {  	v4 =	vadd.s32 v1, v4;
	_ =	sdelay $0x3  }
0xbc: {  	s22 =	simm.s32 $0x4200  }
0xbd: {  	[hbm4b:s4+s3] =	stream.indirect_vreg.scatter [tilespmem:s22], [sflag:$0x5], $0x80, v4, vm0, $0xb8;
	[tilespmem:$0x12200] =	vst v63  }
0xbe: {  	v3 =	vperm.xlane v3, v2;
	s22 =	simm.s32 $0x4A00  }
0xbf: {  	[hbm4b:s5+s3] =	stream.indirect_vreg.scatter [tilespmem:s22], [sflag:$0x5], $0x80, v4, vm0, $0xb8;
	[tilespmem:$0x12200] =	vst v63  }
0xc0: {  	v3 =	vadd.s32 v1, v3;
	s22 =	simm.s32 $0x5200  }
0xc1: {  	[hbm4b:s6+s3] =	stream.indirect_vreg.scatter [tilespmem:s22], [sflag:$0x5], $0x80, v4, vm0, $0xb8;
	[tilespmem:$0x12200] =	vst v63  }
0xc2: {  	s22 =	simm.s32 $0x5A00  }
0xc3: {  	[hbm4b:s7+s3] =	stream.indirect_vreg.scatter [tilespmem:s22], [sflag:$0x5], $0x80, v4, vm0, $0xb8;
	[tilespmem:$0x12200] =	vst v63  }
0xc4: {  	s22 =	simm.s32 $0x6200  }
0xc5: {  	[hbm4b:s4+s3] =	stream.indirect_vreg.scatter [tilespmem:s22], [sflag:$0x5], $0x80, v3, vm0, $0xb8;
	[tilespmem:$0x12200] =	vst v63  }
0xc6: {  	s22 =	simm.s32 $0x6A00  }
0xc7: {  	[hbm4b:s5+s3] =	stream.indirect_vreg.scatter [tilespmem:s22], [sflag:$0x5], $0x80, v3, vm0, $0xb8;
	[tilespmem:$0x12200] =	vst v63  }
0xc8: {  	s22 =	simm.s32 $0x7200  }
0xc9: {  	[hbm4b:s6+s3] =	stream.indirect_vreg.scatter [tilespmem:s22], [sflag:$0x5], $0x80, v3, vm0, $0xb8;
	[tilespmem:$0x12200] =	vst v63  }
0xca: {  	s22 =	simm.s32 $0x7A00  }
0xcb: {  	[hbm4b:s7+s3] =	stream.indirect_vreg.scatter [tilespmem:s22], [sflag:$0x5], $0x80, v3, vm0, $0xb8;
	[tilespmem:$0x12200] =	vst v63  }
0xcc: {  	_ =	swait.ge [sflag:s0], $0x1000  }
0xcd: {  	[sflag:s0] =	ssyncset.done $0x0  }
0xce: {  	s11 =	rddreg [dreg:$0xe];
	[sflag:s0] =	ssyncadd.s32 $0xFFFFF000  }
0xcf: {  	[hbm4b:s10+s1] =	stream.indirect.scatter [tilespmem:s12], [sflag:$0x7], $0x80, s11, s1, $0xb8;
	[tilespmem:$0x12200] =	vst v63  }
0xd0: {  	_ =	swait.ge [sflag:s15], $0x8000  }
0xd1: {  	[sflag:s15] =	ssyncset.done $0x0  }
0xd2: {  	[sflag:s15] =	ssyncadd.s32 $0xFFFF8000  }
0xd3: {  	v3 =	vld [tilespmem:$0x180];
	_ =	sdelay $0x4  }
0xd4: {  	v62 =	vshll.u32 v3, $0x3  }
0xd5: {  	v3 =	vand.u32 $0x7, v3;
	v4 =	vand.u32 $0xFFFFFFC0, v62  }
0xd6: {  	v3 =	vor.u32 v3, v4  }
0xd7: {  	v4 =	vperm.xlane v3, v0;
	_ =	sdelay $0x1  }
0xd8: {  	v4 =	vadd.s32 v1, v4;
	_ =	sdelay $0x4  }
0xd9: {  	[hbm4b:s4+s3] =	stream.indirect_vreg.scatter [tilespmem:s13], [sflag:$0x6], $0x80, v4, vm0, $0xb8;
	[tilespmem:$0x12200] =	vst v63  }
0xda: {  	s11 =	simm.s32 $0x8A00;
	v3 =	vperm.xlane v3, v2  }
0xdb: {  	[hbm4b:s5+s3] =	stream.indirect_vreg.scatter [tilespmem:s11], [sflag:$0x6], $0x80, v4, vm0, $0xb8;
	[tilespmem:$0x12200] =	vst v63  }
0xdc: {  	v3 =	vadd.s32 v1, v3  }
0xdd: {  	[hbm4b:s6+s3] =	stream.indirect_vreg.scatter [tilespmem:s9], [sflag:$0x6], $0x80, v4, vm0, $0xb8;
	[tilespmem:$0x12200] =	vst v63  }
0xde: {  	s22 =	simm.s32 $0x9A00  }
0xdf: {  	[hbm4b:s7+s3] =	stream.indirect_vreg.scatter [tilespmem:s22], [sflag:$0x6], $0x80, v4, vm0, $0xb8;
	[tilespmem:$0x12200] =	vst v63  }
0xe0: {  	s9 =	simm.s32 $0xA200  }
0xe1: {  	[hbm4b:s4+s3] =	stream.indirect_vreg.scatter [tilespmem:s9], [sflag:$0x6], $0x80, v3, vm0, $0xb8;
	[tilespmem:$0x12200] =	vst v63  }
0xe2: {  	s11 =	simm.s32 $0xAA00  }
0xe3: {  	[hbm4b:s5+s3] =	stream.indirect_vreg.scatter [tilespmem:s11], [sflag:$0x6], $0x80, v3, vm0, $0xb8;
	[tilespmem:$0x12200] =	vst v63  }
0xe4: {  	_ = 	snop  }
0xe5: {  	[hbm4b:s6+s3] =	stream.indirect_vreg.scatter [tilespmem:s25], [sflag:$0x6], $0x80, v3, vm0, $0xb8;
	[tilespmem:$0x12200] =	vst v63  }
0xe6: {  	_ = 	snop  }
0xe7: {  	[hbm4b:s7+s3] =	stream.indirect_vreg.scatter [tilespmem:s26], [sflag:$0x6], $0x80, v3, vm0, $0xb8;
	[tilespmem:$0x12200] =	vst v63  }
0xe8: {  	v3 =	vld [tilespmem:$0x190];
	_ =	sdelay $0x4  }
0xe9: {  	v63 =	vshll.u32 v3, $0x3  }
0xea: {  	v3 =	vand.u32 $0x7, v3;
	v4 =	vand.u32 $0xFFFFFFC0, v63  }
0xeb: {  	v3 =	vor.u32 v3, v4  }
0xec: {  	v4 =	vperm.xlane v3, v0;
	_ =	sdelay $0x1  }
0xed: {  	v4 =	vadd.s32 v1, v4;
	_ =	sdelay $0x4  }
0xee: {  	[hbm4b:s4+s3] =	stream.indirect_vreg.scatter [tilespmem:s28], [sflag:$0x6], $0x80, v4, vm0, $0xb8;
	[tilespmem:$0x12200] =	vst v63  }
0xef: {  	v3 =	vperm.xlane v3, v2  }
0xf0: {  	[hbm4b:s5+s3] =	stream.indirect_vreg.scatter [tilespmem:s29], [sflag:$0x6], $0x80, v4, vm0, $0xb8;
	[tilespmem:$0x12200] =	vst v63  }
0xf1: {  	v3 =	vadd.s32 v1, v3  }
0xf2: {  	[hbm4b:s6+s3] =	stream.indirect_vreg.scatter [tilespmem:s30], [sflag:$0x6], $0x80, v4, vm0, $0xb8;
	[tilespmem:$0x12200] =	vst v63  }
0xf3: {  	_ = 	snop  }
0xf4: {  	[hbm4b:s7+s3] =	stream.indirect_vreg.scatter [tilespmem:s24], [sflag:$0x6], $0x80, v4, vm0, $0xb8;
	[tilespmem:$0x12200] =	vst v63  }
0xf5: {  	_ = 	snop  }
0xf6: {  	[hbm4b:s4+s3] =	stream.indirect_vreg.scatter [tilespmem:s20], [sflag:$0x6], $0x80, v3, vm0, $0xb8;
	[tilespmem:$0x12200] =	vst v63  }
0xf7: {  	_ = 	snop  }
0xf8: {  	[hbm4b:s5+s3] =	stream.indirect_vreg.scatter [tilespmem:s21], [sflag:$0x6], $0x80, v3, vm0, $0xb8;
	[tilespmem:$0x12200] =	vst v63  }
0xf9: {  	s22 =	simm.s32 $0xF200  }
0xfa: {  	[hbm4b:s6+s3] =	stream.indirect_vreg.scatter [tilespmem:s22], [sflag:$0x6], $0x80, v3, vm0, $0xb8;
	[tilespmem:$0x12200] =	vst v63  }
0xfb: {  	s9 =	simm.s32 $0xFA00  }
0xfc: {  	[hbm4b:s7+s3] =	stream.indirect_vreg.scatter [tilespmem:s9], [sflag:$0x6], $0x80, v3, vm0, $0xb8;
	[tilespmem:$0x12200] =	vst v63  }
0xfd: {  	_ =	swait.ge [sflag:s8], $0x1000  }
0xfe: {  	[sflag:s8] =	ssyncset.done $0x0  }
0xff: {  	s23 =	simm.s32 $0x11200;
	s11 =	rddreg [dreg:$0xf];
	[sflag:s8] =	ssyncadd.s32 $0xFFFFF000  }
0x100: {  	[hbm4b:s10+s1] =	stream.indirect.scatter [tilespmem:s23], [sflag:$0x8], $0x80, s11, s1, $0xb8;
	[tilespmem:$0x12200] =	vst v63  }
0x101: {  	_ =	swait.ge [sflag:s19], $0x8000  }
0x102: {  	[sflag:s19] =	ssyncset.done $0x0  }
0x103: {  	[sflag:s19] =	ssyncadd.s32 $0xFFFF8000  }
0x104: {  	_ =	swait.ge [sflag:s14], $0x1000  }
0x105: {  	[sflag:s14] =	ssyncset.done $0x0  }
0x106: {  	[sflag:s14] =	ssyncadd.s32 $0xFFFFF000  }
0x107: {  	p0 =	sne.s32 s18, $0x1;
	_ =	swait.ge [sflag:s2], $0x8000  }
.Ltmp0:
0x108: {  	[sflag:s2] =	ssyncset.done $0x0;
	(pc) =	sbr.rel @p0 .LBB2_1-.Ltmp0, $4  }
0x109: {  	[sflag:s2] =	ssyncadd.s32 $0xFFFF8000  }
0x10a: {  	_ =	swait.ge [sflag:s16], $0x1000  }
0x10b: {  	[sflag:s16] =	ssyncset.done $0x0  }
0x10c: {  	s18 =	sadd.s32 $0xFFFFFFFF, s18;
	[sflag:s16] =	ssyncadd.s32 $0xFFFFF000  }
0x10d: {  	_ =	sfence.sel $0x180000  }
0x10e: {  	[bflag:$0x0] =	sbarrier.arrive $0xFFFF  }
0x10f: {  	_ =	strace $0x90000047  }
0x110: {  	s0 =	stileid.u32;
	[bflag:$0x2] =	sbarrier.arrive $0xFFFF  }
0x111: {  	p0 =	sne.s32 s0, $0x0;
	s0 =	rddreg [dreg:$0x3]  }
0x112: {  	s0 =	sadd.s32 @!p0 $0x100000, s0  }
0x113: {  	[sflag:s0] =	ssyncadd.tile.s32 @!p0 $0x1;
	_ =	shalt  }
.Lfunc_end2:
_tile_overlayer_lowered:
.L_overlay_start_2:
0x114: {  	(tag) =	ssettag $0x2  }
0x115: {  	s0 =	rddreg [dreg:$0x0];
	s2 =	stileid.u32  }
0x116: {  	s1 =	rddreg [dreg:$0x1];
	p0 =	sne.s32 s2, $0x0  }
0x117: {  	s3 =	rddreg [dreg:$0x2];
	[bflag:$0x3] =	sbarrier.arrive $0xFFFF;
	s2 =	simm.s32 @!p0 $0x1C09  }
0x118: {  	[timem:s3], [sflag:s2] =	dma.local @!p0 [hbm:s0], s1  }
0x119: {  	s0 =	simm.s32 @!p0 $0x9  }
0x11a: {  	_ =	swait.ge @!p0 [sflag:s0], s1  }
0x11b: {  	s1 =	ssub.s32 @!p0 $0x0, s1;
	[sflag:s0] =	ssyncset.done @!p0 $0x0  }
0x11c: {  	[sflag:s0] =	ssyncadd.s32 @!p0 s1  }
0x11d: {  	[bflag:$0x3] =	sbarrier.arrive $0xFFFF  }
0x11e: {  	_ =	shalt  }

// kernel: kernel.9.cloned.1.call-start
scs
__scs_entry_jumppad:
0x0: {  	(pc) =	sbr.rel $0x88, $3  }
0x1: {  	(tag) =	ssettag $0x0;
	lr =	simm.s32 $0x1  }
0x2: {  	[smem:$0x3F9A] =	sst lr;
	_ =	strace $0xD0000000  }
0x3: {  	_ = 	snop  }
0x4: {  	_ = 	snop  }
0x5: {  	_ = 	snop  }
0x6: {  	_ = 	snop  }
0x7: {  	_ = 	snop  }
__scs_overlays_trampoline_lowered:
0x8: {  	[smem:$0x3FA9] =	sst s0  }
0x9: {  	[smem:$0x3FAA] =	sst s1  }
0xa: {  	[smem:$0x3FAB] =	sst s2  }
0xb: {  	[smem:$0x3FAC] =	sst s3  }
0xc: {  	[smem:$0x3FAD] =	sst s4  }
0xd: {  	[smem:$0x3FAE] =	sst s5  }
0xe: {  	[smem:$0x3FAF] =	sst s6  }
0xf: {  	[smem:$0x3FB0] =	sst s7  }
0x10: {  	[smem:$0x3FB1] =	sst s8  }
0x11: {  	[smem:$0x3FB2] =	sst s9;
	s0 =	simm.s32 @!p0 $0x0  }
0x12: {  	s1 =	sld [smem:$0x3F98];
	s0 =	simm.s32 @p0 $0x1  }
0x13: {  	[smem:$0x3FB3] =	sst s0;
	s0 =	simm.s32 @!p1 $0x0  }
0x14: {  	s2 =	sld [smem:$0x3F97];
	s0 =	simm.s32 @p1 $0x1  }
0x15: {  	[smem:$0x3FB4] =	sst s0;
	s0 =	simm.s32 @!p2 $0x0  }
0x16: {  	s3 =	sld [smem:$0x3FDB];
	s0 =	simm.s32 @p2 $0x1  }
0x17: {  	s4 =	simm.s32 $0x1BF5;
	[smem:$0x3FB6] =	sst s0  }
0x18: {  	s0 =	sld [smem:$0x3F99];
	_ =	swait.ge [sflag:s4], $0x0  }
0x19: {  	s7 =	sld [smem:$0x3F9A]  }
0x1a: {  	s8 =	sadd.s32 $0xFFFFE003, lr  }
0x1b: {  	s9 =	sadd.s32 $0xFFFFFEF7, lr;
	s5 =	simm.s32 $0xFFFFFFFF;
	p2 =	slt.u32 s8, $0xFFFFF086  }
0x1c: {  	p1 =	slt.u32 s9, $0xF7A;
	s5 =	simm.s32 @!p2 $0x0  }
0x1d: {  	s5 =	simm.s32 @p1 $0x1;
	p0 =	seq.s32 s7, s2  }
0x1e: {  	s7 =	smul.u32 @!p0 $0xF7A, s2;
	p2 =	seq.s32 @!p0 s5, $0x0  }
0x1f: {  	s9 =	smul.u32 $0xF7A, s1;
	s8 =	simm.s32 @!p0 $0x1BF5;
	p2 =	por !p2, p0  }
0x20: {  	[sflag:s8] =	ssyncset.s32 @!p0 $0xFFFFF086;
	s6 =	sadd.s32 @!p0 s3, s7;
	s7 =	simm.s32 @!p0 $0x108  }
0x21: {  	s3 =	sadd.s32 s3, s9;
	s6 =	sadd.s32 @!p0 $0x88, s6;
	s7 =	simm.s32 @p2 $0x1082  }
0x22: {  	[simem:s7], [sflag:s8] =	dma.local @!p0 [hbm:s6], $0xF7A  }
0x23: {  	s9 =	sor.u32 $0xD0000000, s2;
	s6 =	simm.s32 $0x108;
	_ =	swait.ge @!p0 [sflag:s8], $0x0  }
0x24: {  	s3 =	sadd.s32 $0x88, s3;
	s6 =	simm.s32 @!p1 $0x1082;
	[sflag:s4] =	ssyncset.s32 $0xFFFFF086  }
0x25: {  	[simem:s6], [sflag:s4] =	dma.local [hbm:s3], $0xF7A  }
0x26: {  	[smem:$0x3F9A] =	sst s1;
	(tag) =	ssettag s2;
	_ =	strace s9  }
0x27: {  	s1 =	sld [smem:$0x3FAA]  }
0x28: {  	s2 =	sld [smem:$0x3FAB]  }
0x29: {  	s4 =	sld [smem:$0x3FAD]  }
0x2a: {  	p0 =	seq.s32 s5, $0x0;
	s5 =	sld [smem:$0x3FAE]  }
0x2b: {  	s6 =	sld [smem:$0x3FAF]  }
0x2c: {  	s7 =	sld [smem:$0x3FB0]  }
0x2d: {  	s3 =	simm.s32 $0x108;
	s8 =	sld [smem:$0x3FB1]  }
0x2e: {  	s3 =	simm.s32 @!p0 $0x1082;
	s9 =	sld [smem:$0x3FB2]  }
0x2f: {  	lr =	sadd.s32 s0, s3;
	s0 =	sld [smem:$0x3FA9]  }
0x30: {  	s3 =	sld [smem:$0x3FAC]  }
0x31: {  	[smem:$0x3FB5] =	sst s10  }
0x32: {  	s10 =	sld [smem:$0x3FB3];
	_ =	sdelay $0x3  }
0x33: {  	p0 =	seq.s32 s10, $0x1;
	s10 =	sld [smem:$0x3FB5];
	_ =	sdelay $0x3  }
0x34: {  	[smem:$0x3FB5] =	sst s10  }
0x35: {  	s10 =	sld [smem:$0x3FB4];
	_ =	sdelay $0x3  }
0x36: {  	p1 =	seq.s32 s10, $0x1;
	s10 =	sld [smem:$0x3FB5];
	_ =	sdelay $0x3  }
0x37: {  	[smem:$0x3FB5] =	sst s10  }
0x38: {  	s10 =	sld [smem:$0x3FB6]  }
0x39: {  	_ = 	snop;
	(pc) =	sbr.ind lr, $3  }
0x3a: {  	_ = 	snop  }
0x3b: {  	_ = 	snop  }
0x3c: {  	p2 =	seq.s32 s10, $0x1;
	s10 =	sld [smem:$0x3FB5]  }
0x3d: {  	_ =	shalt  }
0x3e: {  	_ =	shalt  }
0x3f: {  	_ =	shalt  }
0x40: {  	_ =	shalt  }
0x41: {  	_ =	shalt  }
0x42: {  	_ =	shalt  }
0x43: {  	_ =	shalt  }
0x44: {  	_ =	shalt  }
0x45: {  	_ =	shalt  }
0x46: {  	_ =	shalt  }
0x47: {  	_ =	shalt  }
0x48: {  	_ =	shalt  }
0x49: {  	_ =	shalt  }
0x4a: {  	_ =	shalt  }
0x4b: {  	_ =	shalt  }
0x4c: {  	_ =	shalt  }
0x4d: {  	_ =	shalt  }
0x4e: {  	_ =	shalt  }
0x4f: {  	_ =	shalt  }
0x50: {  	_ =	shalt  }
0x51: {  	_ =	shalt  }
0x52: {  	_ =	shalt  }
0x53: {  	_ =	shalt  }
0x54: {  	_ =	shalt  }
0x55: {  	_ =	shalt  }
0x56: {  	_ =	shalt  }
0x57: {  	_ =	shalt  }
0x58: {  	_ =	shalt  }
0x59: {  	_ =	shalt  }
0x5a: {  	_ =	shalt  }
0x5b: {  	_ =	shalt  }
0x5c: {  	_ =	shalt  }
0x5d: {  	_ =	shalt  }
0x5e: {  	_ =	shalt  }
0x5f: {  	_ =	shalt  }
0x60: {  	_ =	shalt  }
0x61: {  	_ =	shalt  }
0x62: {  	_ =	shalt  }
0x63: {  	_ =	shalt  }
0x64: {  	_ =	shalt  }
0x65: {  	_ =	shalt  }
0x66: {  	_ =	shalt  }
0x67: {  	_ =	shalt  }
0x68: {  	_ =	shalt  }
0x69: {  	_ =	shalt  }
0x6a: {  	_ =	shalt  }
0x6b: {  	_ =	shalt  }
0x6c: {  	_ =	shalt  }
0x6d: {  	_ =	shalt  }
0x6e: {  	_ =	shalt  }
0x6f: {  	_ =	shalt  }
0x70: {  	_ =	shalt  }
0x71: {  	_ =	shalt  }
0x72: {  	_ =	shalt  }
0x73: {  	_ =	shalt  }
0x74: {  	_ =	shalt  }
0x75: {  	_ =	shalt  }
0x76: {  	_ =	shalt  }
0x77: {  	_ =	shalt  }
0x78: {  	_ =	shalt  }
0x79: {  	_ =	shalt  }
0x7a: {  	_ =	shalt  }
0x7b: {  	_ =	shalt  }
0x7c: {  	_ =	shalt  }
0x7d: {  	_ =	shalt  }
0x7e: {  	_ =	shalt  }
0x7f: {  	_ =	shalt  }
0x80: {  	_ =	shalt  }
0x81: {  	_ =	shalt  }
0x82: {  	_ =	shalt  }
0x83: {  	_ =	shalt  }
0x84: {  	_ =	shalt  }
0x85: {  	_ =	shalt  }
0x86: {  	_ =	shalt  }
0x87: {  	_ =	shalt  }
.Lfunc_end0:
.L_simem_size_0:
called_computation.1_lowered:
.L_overlay_start_0:
0x88: {  	s2 =	sld [smem:$0x3FD9]  }
0x89: {  	s3 =	sld [smem:$0x3FFE];
	_ =	sdelay $0x1  }
0x8a: {  	s1 =	srdreg.scid  }
0x8b: {  	s0 =	sand.u32 $0x1, s1  }
0x8c: {  	s17 =	sshll.u32 s0, $0xA;
	s2 =	sadd.s32 s3, s2  }
0x8d: {  	s2 =	sadd.s32 s2, s17  }
0x8e: {  	[smem:$0x3FC1] =	sst s2  }
0x8f: {  	_ = 	snop  }
0x90: {  	s2 =	sld [smem:$0x3FD0];
	(tm) =	ssettm $0x1  }
0x91: {  	s18 =	sld [smem:$0x3FFB];
	_ =	sdelay $0x3  }
0x92: {  	_ =	strace s18  }
0x93: {  	s3 =	sld [smem:$0x3FFC];
	_ =	sdelay $0x3  }
0x94: {  	_ =	strace s3  }
0x95: {  	s3 =	sld [smem:$0x3FFD];
	_ =	sdelay $0x3  }
0x96: {  	_ =	strace s3  }
0x97: {  	_ =	strace $0x8FFFFFFF  }
0x98: {  	s19 =	sld [smem:$0x3FDB];
	_ =	sdelay $0x1  }
0x99: {  	s4 =	simm.s32 $_scs_section_size  }
0x9a: {  	s5 =	simm.s32 $_size__tile_overlayer_lowered;
	s6 =	simm.s32 $_tile_overlayer_lowered  }
0x9b: {  	s22 =	simm.s32 $0x1BFF;
	s21 =	sshll.u32 s6, $0x1;
	s3 =	sadd.s32 s4, s19  }
0x9c: {  	s7 =	simm.s32 $0x0;
	s20 =	sshll.u32 s5, $0x1;
	s5 =	sadd.s32 s21, s3  }
0x9d: {  	[timem:s7], [sflag:s22] =	dma.local [hbm:s5], s20  }
0x9e: {  	_ =	swait.ge [sflag:s22], s20  }
0x9f: {  	s4 =	ssub.s32 $0x0, s20;
	[sflag:s22] =	ssyncset.done $0x0  }
0xa0: {  	[sflag:s22] =	ssyncadd.s32 s4;
	_ =	sdelay $0x1  }
0xa1: {  	s23 =	simm.s32 $0x1B8B  }
0xa2: {  	_ =	swait.ge [sflag:s23], $0x1  }
0xa3: {  	[sflag:s23] =	ssyncset.done $0x0  }
0xa4: {  	s25 =	simm.s32 $0x1B8E;
	s24 =	sld [smem:$0x3FFE];
	[sflag:s23] =	ssyncadd.s32 $0xFFFFFFFF  }
0xa5: {  	s26 =	simm.s32 $execute0_lowered;
	[smem:$0x3FD2] =	sst s25  }
0xa6: {  	s5 =	sshll.u32 s26, $0x1;
	_ =	strace $0x80000049;
	[dreg:$0x1] =	wrdreg $0xFFFFFFFF  }
0xa7: {  	s28 =	simm.s32 $_size_execute0_lowered;
	s3 =	sadd.s32 s3, s5;
	[dreg:$0x0] =	wrdreg $0x0  }
0xa8: {  	s5 =	sshll.u32 s28, $0x1;
	[dreg:$0x2] =	wrdreg s3  }
0xa9: {  	[dreg:$0x3] =	wrdreg s5  }
0xaa: {  	[dreg:$0x4] =	wrdreg $0xC0  }
0xab: {  	_ =	task [dreg:s7], $0x5FFFF  }
0xac: {  	[dreg:$0x1] =	wrdreg $0xFFFFFFFF  }
0xad: {  	[dreg:$0x0] =	wrdreg $0x60  }
0xae: {  	[dreg:$0x2] =	wrdreg s24  }
0xaf: {  	[dreg:$0x3] =	wrdreg s2  }
0xb0: {  	[dreg:$0x4] =	wrdreg $0x9  }
0xb1: {  	_ =	task.clear_ibuf [dreg:s7], $0x5FFFF;
	_ =	strace $0x90000049  }
0xb2: {  	s29 =	simm.s32 $0x9;
	_ =	strace $0x8000004B  }
0xb3: {  	_ =	swait.ge [sflag:s29], $0x1  }
0xb4: {  	[sflag:s29] =	ssyncadd.s32 $0xFFFFFFFF  }
0xb5: {  	_ =	strace $0x9000004B  }
0xb6: {  	_ =	sfence  }
0xb7: {  	s30 =	sld [smem:$0x0];
	_ =	sdelay $0x2  }
0xb8: {  	s31 =	sshll.u32 s1, $0xD;
	s1 =	sshrl.u32 s1, $0x2  }
0xb9: {  	s3 =	sand.u32 $0x4000, s31;
	s1 =	sadd.s32 s1, s30  }
0xba: {  	s0 =	sor.u32 s3, s0;
	s1 =	sshll.u32 s1, $0x11  }
0xbb: {  	s0 =	sor.u32 s1, s0  }
0xbc: {  	s0 =	sadd.s32 $0x8F2B, s0  }
0xbd: {  	[sflag:s0] =	ssyncadd.remote.s32 $0x1  }
0xbe: {  	_ =	sfence.sel $0xFFFF  }
0xbf: {  	[dreg:$0x0] =	wrdreg $0xFFFFFFFF;
	(pc) =	sbr.abs _section_cstart, $3  }
0xc0: {  	[dreg:$0x1] =	wrdreg $0xFFFFFFFF  }
0xc1: {  	_ =	task.clear_ibuf [dreg:s7], $0x2FFFF;
	_ =	strace $0x9FFFFFFF  }
0xc2: {  	(tm) =	ssettm $0x7FFFFFFF  }
0xc3: {  	_ =	shalt  }
tec
execute0_lowered:
.L_overlay_start_1:
0x0: {  	(tag) =	ssettag $0x1  }
0x1: {  	s0 =	rddreg [dreg:$0x0]  }
0x2: {  	s1 =	rddreg [dreg:$0x1]  }
0x3: {  	s2 =	simm.s32 $0x0;
	s3 =	srdreg.scid;
	s5 =	stileid.u32  }
0x4: {  	s9 =	simm.s32 $0x1;
	s21 =	simm.s32 $0x3;
	s22 =	simm.s32 $0x4  }
0x5: {  	s28 =	simm.s32 $0x1A00;
	s29 =	simm.s32 $0x2200;
	s30 =	simm.s32 $0x2A00  }
0x6: {  	s31 =	simm.s32 $0x3200;
	s11 =	simm.s32 $0x4A00;
	s12 =	simm.s32 $0x5200  }
0x7: {  	s13 =	simm.s32 $0x5A00;
	s14 =	simm.s32 $0x6200;
	s15 =	simm.s32 $0x6A00  }
0x8: {  	s16 =	simm.s32 $0x7200;
	s17 =	simm.s32 $0x7A00;
	s20 =	simm.s32 $0x8200  }
0x9: {  	s18 =	simm.s32 $0x8A00;
	s19 =	simm.s32 $0x9200;
	[smem:$0x7FF] =	sst s2  }
0xa: {  	s4 =	sand.u32 $0x1, s3;
	s24 =	sshll.u32 s5, $0x1;
	s3 =	sadd.s32 $0xD2E00, s0  }
0xb: {  	_ =	strace $0x8000004A;
	s5 =	sor.u32 s4, s24;
	s4 =	ssub.s32 $0x2, s4  }
0xc: {  	s24 =	simm.s32 $0xA00;
	s6 =	sshll.u32 s5, $0x6;
	s5 =	sshll.u32 s5, $0xE  }
0xd: {  	s7 =	sshrl.u32 s4, $0x1;
	s6 =	sadd.s32 s6, s0;
	s8 =	sadd.s32 s1, s5  }
0xe: {  	s4 =	ssub.s32 s4, s7;
	s6 =	sadd.s32 $0x11A00, s6;
	[dreg:$0x7] =	wrdreg s8  }
0xf: {  	s5 =	sadd.s32 $0xD2F00, s0;
	s1 =	sadd.s32 $0x1000, s8;
	[dreg:$0x3] =	wrdreg s6  }
0x10: {  	s7 =	sadd.s32 $0xD3100, s0;
	s25 =	sadd.s32 $0x2000, s8;
	[dreg:$0x4] =	wrdreg s1  }
0x11: {  	v2 =	vlaneseq.u32;
	s26 =	sadd.s32 $0x3000, s8;
	s8 =	smax.u32 s4, $0x1;
	[dreg:$0x5] =	wrdreg s25  }
0x12: {  	vm0 =	vmmov $0xffff;
	v1 =	vshrl.u32 v2, $0x3;
	s4 =	simm.s32 $0x2;
	s6 =	sadd.s32 $0xD3000, s0;
	[dreg:$0x6] =	wrdreg s26  }
0x13: {  	v0 =	vand.u32 $0x7, v2;
	v2 =	vor.u32 $0x8, v2;
	v1 =	vmul.u32 $0x8, v1;
	s26 =	simm.s32 $0x200;
	s25 =	simm.s32 $0x1200;
	s1 =	simm.s32 $0x4200  }
.LBB2_1:
0x14: {  	s23 =	rddreg [dreg:$0x3];
	s0 =	simm.s32 $0x5  }
0x15: {  	[tilespmem:s2], [sflag:$0x5] =	stream.linear.gather [hbm4b:s23+s2], $0x200, $0x38;
	[tilespmem:$0x10200] =	vst v63  }
0x16: {  	_ =	swait.ge [sflag:s0], $0x200  }
0x17: {  	[sflag:s0] =	ssyncset.done $0x0  }
0x18: {  	[sflag:s0] =	ssyncadd.s32 $0xFFFFFE00  }
0x19: {  	v3 =	vld [tilespmem:$0x0];
	_ =	sdelay $0x4  }
0x1a: {  	v4 =	vshll.u32 v3, $0x3  }
0x1b: {  	v3 =	vand.u32 $0x7, v3;
	v4 =	vand.u32 $0xFFFFFFC0, v4  }
0x1c: {  	v3 =	vor.u32 v3, v4  }
0x1d: {  	v4 =	vperm.xlane v3, v0;
	_ =	sdelay $0x1  }
0x1e: {  	v4 =	vadd.s32 v1, v4;
	_ =	sdelay $0x4  }
0x1f: {  	[tilespmem:s26], [sflag:$0x1] =	stream.indirect_vreg.gather [hbm4b:s3+s2], $0x80, v4, vm0, $0xb8;
	[tilespmem:$0x10200] =	vst v63  }
0x20: {  	v3 =	vperm.xlane v3, v2  }
0x21: {  	[tilespmem:s24], [sflag:$0x1] =	stream.indirect_vreg.gather [hbm4b:s5+s2], $0x80, v4, vm0, $0xb8;
	[tilespmem:$0x10200] =	vst v63  }
0x22: {  	v3 =	vadd.s32 v1, v3  }
0x23: {  	[tilespmem:s25], [sflag:$0x1] =	stream.indirect_vreg.gather [hbm4b:s6+s2], $0x80, v4, vm0, $0xb8;
	[tilespmem:$0x10200] =	vst v63  }
0x24: {  	_ = 	snop  }
0x25: {  	[tilespmem:s28], [sflag:$0x1] =	stream.indirect_vreg.gather [hbm4b:s7+s2], $0x80, v4, vm0, $0xb8;
	[tilespmem:$0x10200] =	vst v63  }
0x26: {  	_ = 	snop  }
0x27: {  	[tilespmem:s29], [sflag:$0x1] =	stream.indirect_vreg.gather [hbm4b:s3+s2], $0x80, v3, vm0, $0xb8;
	[tilespmem:$0x10200] =	vst v63  }
0x28: {  	_ = 	snop  }
0x29: {  	[tilespmem:s30], [sflag:$0x1] =	stream.indirect_vreg.gather [hbm4b:s5+s2], $0x80, v3, vm0, $0xb8;
	[tilespmem:$0x10200] =	vst v63  }
0x2a: {  	_ = 	snop  }
0x2b: {  	[tilespmem:s31], [sflag:$0x1] =	stream.indirect_vreg.gather [hbm4b:s6+s2], $0x80, v3, vm0, $0xb8;
	[tilespmem:$0x10200] =	vst v63  }
0x2c: {  	s0 =	simm.s32 $0x3A00  }
0x2d: {  	[tilespmem:s0], [sflag:$0x1] =	stream.indirect_vreg.gather [hbm4b:s7+s2], $0x80, v3, vm0, $0xb8;
	[tilespmem:$0x10200] =	vst v63  }
0x2e: {  	v3 =	vld [tilespmem:$0x10];
	_ =	sdelay $0x4  }
0x2f: {  	v57 =	vshll.u32 v3, $0x3  }
0x30: {  	v3 =	vand.u32 $0x7, v3;
	v4 =	vand.u32 $0xFFFFFFC0, v57  }
0x31: {  	v3 =	vor.u32 v3, v4  }
0x32: {  	v4 =	vperm.xlane v3, v0;
	_ =	sdelay $0x1  }
0x33: {  	v4 =	vadd.s32 v1, v4;
	_ =	sdelay $0x4  }
0x34: {  	[tilespmem:s1], [sflag:$0x1] =	stream.indirect_vreg.gather [hbm4b:s3+s2], $0x80, v4, vm0, $0xb8;
	[tilespmem:$0x10200] =	vst v63  }
0x35: {  	v3 =	vperm.xlane v3, v2  }
0x36: {  	[tilespmem:s11], [sflag:$0x1] =	stream.indirect_vreg.gather [hbm4b:s5+s2], $0x80, v4, vm0, $0xb8;
	[tilespmem:$0x10200] =	vst v63  }
0x37: {  	v3 =	vadd.s32 v1, v3  }
0x38: {  	[tilespmem:s12], [sflag:$0x1] =	stream.indirect_vreg.gather [hbm4b:s6+s2], $0x80, v4, vm0, $0xb8;
	[tilespmem:$0x10200] =	vst v63  }
0x39: {  	_ = 	snop  }
0x3a: {  	[tilespmem:s13], [sflag:$0x1] =	stream.indirect_vreg.gather [hbm4b:s7+s2], $0x80, v4, vm0, $0xb8;
	[tilespmem:$0x10200] =	vst v63  }
0x3b: {  	_ = 	snop  }
0x3c: {  	[tilespmem:s14], [sflag:$0x1] =	stream.indirect_vreg.gather [hbm4b:s3+s2], $0x80, v3, vm0, $0xb8;
	[tilespmem:$0x10200] =	vst v63  }
0x3d: {  	_ = 	snop  }
0x3e: {  	[tilespmem:s15], [sflag:$0x1] =	stream.indirect_vreg.gather [hbm4b:s5+s2], $0x80, v3, vm0, $0xb8;
	[tilespmem:$0x10200] =	vst v63  }
0x3f: {  	_ = 	snop  }
0x40: {  	[tilespmem:s16], [sflag:$0x1] =	stream.indirect_vreg.gather [hbm4b:s6+s2], $0x80, v3, vm0, $0xb8;
	[tilespmem:$0x10200] =	vst v63  }
0x41: {  	_ = 	snop  }
0x42: {  	[tilespmem:s17], [sflag:$0x1] =	stream.indirect_vreg.gather [hbm4b:s7+s2], $0x80, v3, vm0, $0xb8;
	[tilespmem:$0x10200] =	vst v63  }
0x43: {  	v3 =	vld [tilespmem:$0x80];
	_ =	sdelay $0x4  }
0x44: {  	v58 =	vshll.u32 v3, $0x3  }
0x45: {  	v3 =	vand.u32 $0x7, v3;
	v4 =	vand.u32 $0xFFFFFFC0, v58  }
0x46: {  	v3 =	vor.u32 v3, v4  }
0x47: {  	v4 =	vperm.xlane v3, v0;
	_ =	sdelay $0x1  }
0x48: {  	v4 =	vadd.s32 v1, v4;
	_ =	sdelay $0x4  }
0x49: {  	[tilespmem:s20], [sflag:$0x2] =	stream.indirect_vreg.gather [hbm4b:s3+s2], $0x80, v4, vm0, $0xb8;
	[tilespmem:$0x10200] =	vst v63  }
0x4a: {  	v3 =	vperm.xlane v3, v2  }
0x4b: {  	[tilespmem:s18], [sflag:$0x2] =	stream.indirect_vreg.gather [hbm4b:s5+s2], $0x80, v4, vm0, $0xb8;
	[tilespmem:$0x10200] =	vst v63  }
0x4c: {  	v3 =	vadd.s32 v1, v3  }
0x4d: {  	[tilespmem:s19], [sflag:$0x2] =	stream.indirect_vreg.gather [hbm4b:s6+s2], $0x80, v4, vm0, $0xb8;
	[tilespmem:$0x10200] =	vst v63  }
0x4e: {  	s10 =	simm.s32 $0x9A00  }
0x4f: {  	[tilespmem:s10], [sflag:$0x2] =	stream.indirect_vreg.gather [hbm4b:s7+s2], $0x80, v4, vm0, $0xb8;
	[tilespmem:$0x10200] =	vst v63  }
0x50: {  	s10 =	simm.s32 $0xA200  }
0x51: {  	[tilespmem:s10], [sflag:$0x2] =	stream.indirect_vreg.gather [hbm4b:s3+s2], $0x80, v3, vm0, $0xb8;
	[tilespmem:$0x10200] =	vst v63  }
0x52: {  	s23 =	simm.s32 $0xAA00  }
0x53: {  	[tilespmem:s23], [sflag:$0x2] =	stream.indirect_vreg.gather [hbm4b:s5+s2], $0x80, v3, vm0, $0xb8;
	[tilespmem:$0x10200] =	vst v63  }
0x54: {  	s23 =	simm.s32 $0xB200  }
0x55: {  	[tilespmem:s23], [sflag:$0x2] =	stream.indirect_vreg.gather [hbm4b:s6+s2], $0x80, v3, vm0, $0xb8;
	[tilespmem:$0x10200] =	vst v63  }
0x56: {  	s23 =	simm.s32 $0xBA00  }
0x57: {  	[tilespmem:s23], [sflag:$0x2] =	stream.indirect_vreg.gather [hbm4b:s7+s2], $0x80, v3, vm0, $0xb8;
	[tilespmem:$0x10200] =	vst v63  }
0x58: {  	v3 =	vld [tilespmem:$0x90];
	_ =	sdelay $0x4  }
0x59: {  	v59 =	vshll.u32 v3, $0x3  }
0x5a: {  	v3 =	vand.u32 $0x7, v3;
	v4 =	vand.u32 $0xFFFFFFC0, v59  }
0x5b: {  	v3 =	vor.u32 v3, v4  }
0x5c: {  	v4 =	vperm.xlane v3, v0;
	_ =	sdelay $0x1  }
0x5d: {  	v4 =	vadd.s32 v1, v4;
	_ =	sdelay $0x3  }
0x5e: {  	s23 =	simm.s32 $0xC200  }
0x5f: {  	[tilespmem:s23], [sflag:$0x2] =	stream.indirect_vreg.gather [hbm4b:s3+s2], $0x80, v4, vm0, $0xb8;
	[tilespmem:$0x10200] =	vst v63  }
0x60: {  	v3 =	vperm.xlane v3, v2;
	s23 =	simm.s32 $0xCA00  }
0x61: {  	[tilespmem:s23], [sflag:$0x2] =	stream.indirect_vreg.gather [hbm4b:s5+s2], $0x80, v4, vm0, $0xb8;
	[tilespmem:$0x10200] =	vst v63  }
0x62: {  	v3 =	vadd.s32 v1, v3;
	s23 =	simm.s32 $0xD200  }
0x63: {  	[tilespmem:s23], [sflag:$0x2] =	stream.indirect_vreg.gather [hbm4b:s6+s2], $0x80, v4, vm0, $0xb8;
	[tilespmem:$0x10200] =	vst v63  }
0x64: {  	s23 =	simm.s32 $0xDA00  }
0x65: {  	[tilespmem:s23], [sflag:$0x2] =	stream.indirect_vreg.gather [hbm4b:s7+s2], $0x80, v4, vm0, $0xb8;
	[tilespmem:$0x10200] =	vst v63  }
0x66: {  	s23 =	simm.s32 $0xE200  }
0x67: {  	[tilespmem:s23], [sflag:$0x2] =	stream.indirect_vreg.gather [hbm4b:s3+s2], $0x80, v3, vm0, $0xb8;
	[tilespmem:$0x10200] =	vst v63  }
0x68: {  	s23 =	simm.s32 $0xEA00  }
0x69: {  	[tilespmem:s23], [sflag:$0x2] =	stream.indirect_vreg.gather [hbm4b:s5+s2], $0x80, v3, vm0, $0xb8;
	[tilespmem:$0x10200] =	vst v63  }
0x6a: {  	s23 =	simm.s32 $0xF200  }
0x6b: {  	[tilespmem:s23], [sflag:$0x2] =	stream.indirect_vreg.gather [hbm4b:s6+s2], $0x80, v3, vm0, $0xb8;
	[tilespmem:$0x10200] =	vst v63  }
0x6c: {  	s23 =	simm.s32 $0xFA00  }
0x6d: {  	[tilespmem:s23], [sflag:$0x2] =	stream.indirect_vreg.gather [hbm4b:s7+s2], $0x80, v3, vm0, $0xb8;
	[tilespmem:$0x10200] =	vst v63  }
0x6e: {  	_ =	swait.ge [sflag:s9], $0x8000  }
0x6f: {  	[sflag:s9] =	ssyncset.done $0x0  }
0x70: {  	s23 =	rddreg [dreg:$0x7];
	[sflag:s9] =	ssyncadd.s32 $0xFFFF8000  }
0x71: {  	[hbm4b:s23+s2] =	stream.linear.scatter [tilespmem:s26], [sflag:$0x3], $0x8000, $0x38;
	[tilespmem:$0x10200] =	vst v63  }
0x72: {  	_ =	swait.ge [sflag:s21], $0x8000  }
0x73: {  	[sflag:s21] =	ssyncset.done $0x0  }
0x74: {  	[sflag:s21] =	ssyncadd.s32 $0xFFFF8000  }
0x75: {  	v3 =	vld [tilespmem:$0x100];
	_ =	sdelay $0x4  }
0x76: {  	v60 =	vshll.u32 v3, $0x3  }
0x77: {  	v3 =	vand.u32 $0x7, v3;
	v4 =	vand.u32 $0xFFFFFFC0, v60  }
0x78: {  	v3 =	vor.u32 v3, v4  }
0x79: {  	v4 =	vperm.xlane v3, v0;
	_ =	sdelay $0x1  }
0x7a: {  	v4 =	vadd.s32 v1, v4;
	_ =	sdelay $0x4  }
0x7b: {  	[tilespmem:s26], [sflag:$0x1] =	stream.indirect_vreg.gather [hbm4b:s3+s2], $0x80, v4, vm0, $0xb8;
	[tilespmem:$0x10200] =	vst v63  }
0x7c: {  	v3 =	vperm.xlane v3, v2  }
0x7d: {  	[tilespmem:s24], [sflag:$0x1] =	stream.indirect_vreg.gather [hbm4b:s5+s2], $0x80, v4, vm0, $0xb8;
	[tilespmem:$0x10200] =	vst v63  }
0x7e: {  	v3 =	vadd.s32 v1, v3  }
0x7f: {  	[tilespmem:s25], [sflag:$0x1] =	stream.indirect_vreg.gather [hbm4b:s6+s2], $0x80, v4, vm0, $0xb8;
	[tilespmem:$0x10200] =	vst v63  }
0x80: {  	_ = 	snop  }
0x81: {  	[tilespmem:s28], [sflag:$0x1] =	stream.indirect_vreg.gather [hbm4b:s7+s2], $0x80, v4, vm0, $0xb8;
	[tilespmem:$0x10200] =	vst v63  }
0x82: {  	_ = 	snop  }
0x83: {  	[tilespmem:s29], [sflag:$0x1] =	stream.indirect_vreg.gather [hbm4b:s3+s2], $0x80, v3, vm0, $0xb8;
	[tilespmem:$0x10200] =	vst v63  }
0x84: {  	_ = 	snop  }
0x85: {  	[tilespmem:s30], [sflag:$0x1] =	stream.indirect_vreg.gather [hbm4b:s5+s2], $0x80, v3, vm0, $0xb8;
	[tilespmem:$0x10200] =	vst v63  }
0x86: {  	_ = 	snop  }
0x87: {  	[tilespmem:s31], [sflag:$0x1] =	stream.indirect_vreg.gather [hbm4b:s6+s2], $0x80, v3, vm0, $0xb8;
	[tilespmem:$0x10200] =	vst v63  }
0x88: {  	_ = 	snop  }
0x89: {  	[tilespmem:s0], [sflag:$0x1] =	stream.indirect_vreg.gather [hbm4b:s7+s2], $0x80, v3, vm0, $0xb8;
	[tilespmem:$0x10200] =	vst v63  }
0x8a: {  	v3 =	vld [tilespmem:$0x110];
	_ =	sdelay $0x4  }
0x8b: {  	v61 =	vshll.u32 v3, $0x3  }
0x8c: {  	v3 =	vand.u32 $0x7, v3;
	v4 =	vand.u32 $0xFFFFFFC0, v61  }
0x8d: {  	v3 =	vor.u32 v3, v4  }
0x8e: {  	v4 =	vperm.xlane v3, v0;
	_ =	sdelay $0x1  }
0x8f: {  	v4 =	vadd.s32 v1, v4;
	_ =	sdelay $0x4  }
0x90: {  	[tilespmem:s1], [sflag:$0x1] =	stream.indirect_vreg.gather [hbm4b:s3+s2], $0x80, v4, vm0, $0xb8;
	[tilespmem:$0x10200] =	vst v63  }
0x91: {  	v3 =	vperm.xlane v3, v2  }
0x92: {  	[tilespmem:s11], [sflag:$0x1] =	stream.indirect_vreg.gather [hbm4b:s5+s2], $0x80, v4, vm0, $0xb8;
	[tilespmem:$0x10200] =	vst v63  }
0x93: {  	v3 =	vadd.s32 v1, v3  }
0x94: {  	[tilespmem:s12], [sflag:$0x1] =	stream.indirect_vreg.gather [hbm4b:s6+s2], $0x80, v4, vm0, $0xb8;
	[tilespmem:$0x10200] =	vst v63  }
0x95: {  	_ = 	snop  }
0x96: {  	[tilespmem:s13], [sflag:$0x1] =	stream.indirect_vreg.gather [hbm4b:s7+s2], $0x80, v4, vm0, $0xb8;
	[tilespmem:$0x10200] =	vst v63  }
0x97: {  	_ = 	snop  }
0x98: {  	[tilespmem:s14], [sflag:$0x1] =	stream.indirect_vreg.gather [hbm4b:s3+s2], $0x80, v3, vm0, $0xb8;
	[tilespmem:$0x10200] =	vst v63  }
0x99: {  	_ = 	snop  }
0x9a: {  	[tilespmem:s15], [sflag:$0x1] =	stream.indirect_vreg.gather [hbm4b:s5+s2], $0x80, v3, vm0, $0xb8;
	[tilespmem:$0x10200] =	vst v63  }
0x9b: {  	_ = 	snop  }
0x9c: {  	[tilespmem:s16], [sflag:$0x1] =	stream.indirect_vreg.gather [hbm4b:s6+s2], $0x80, v3, vm0, $0xb8;
	[tilespmem:$0x10200] =	vst v63  }
0x9d: {  	_ = 	snop  }
0x9e: {  	[tilespmem:s17], [sflag:$0x1] =	stream.indirect_vreg.gather [hbm4b:s7+s2], $0x80, v3, vm0, $0xb8;
	[tilespmem:$0x10200] =	vst v63  }
0x9f: {  	_ =	swait.ge [sflag:s4], $0x8000  }
0xa0: {  	[sflag:s4] =	ssyncset.done $0x0  }
0xa1: {  	s0 =	rddreg [dreg:$0x4];
	[sflag:s4] =	ssyncadd.s32 $0xFFFF8000  }
0xa2: {  	[hbm4b:s0+s2] =	stream.linear.scatter [tilespmem:s20], [sflag:$0x4], $0x8000, $0x38;
	[tilespmem:$0x10200] =	vst v63  }
0xa3: {  	_ =	swait.ge [sflag:s22], $0x8000  }
0xa4: {  	[sflag:s22] =	ssyncset.done $0x0  }
0xa5: {  	[sflag:s22] =	ssyncadd.s32 $0xFFFF8000  }
0xa6: {  	v3 =	vld [tilespmem:$0x180];
	_ =	sdelay $0x4  }
0xa7: {  	v62 =	vshll.u32 v3, $0x3  }
0xa8: {  	v3 =	vand.u32 $0x7, v3;
	v4 =	vand.u32 $0xFFFFFFC0, v62  }
0xa9: {  	v3 =	vor.u32 v3, v4  }
0xaa: {  	v4 =	vperm.xlane v3, v0;
	_ =	sdelay $0x1  }
0xab: {  	v4 =	vadd.s32 v1, v4;
	_ =	sdelay $0x4  }
0xac: {  	[tilespmem:s20], [sflag:$0x2] =	stream.indirect_vreg.gather [hbm4b:s3+s2], $0x80, v4, vm0, $0xb8;
	[tilespmem:$0x10200] =	vst v63  }
0xad: {  	v3 =	vperm.xlane v3, v2  }
0xae: {  	[tilespmem:s18], [sflag:$0x2] =	stream.indirect_vreg.gather [hbm4b:s5+s2], $0x80, v4, vm0, $0xb8;
	[tilespmem:$0x10200] =	vst v63  }
0xaf: {  	v3 =	vadd.s32 v1, v3  }
0xb0: {  	[tilespmem:s19], [sflag:$0x2] =	stream.indirect_vreg.gather [hbm4b:s6+s2], $0x80, v4, vm0, $0xb8;
	[tilespmem:$0x10200] =	vst v63  }
0xb1: {  	s23 =	simm.s32 $0x9A00  }
0xb2: {  	[tilespmem:s23], [sflag:$0x2] =	stream.indirect_vreg.gather [hbm4b:s7+s2], $0x80, v4, vm0, $0xb8;
	[tilespmem:$0x10200] =	vst v63  }
0xb3: {  	_ = 	snop  }
0xb4: {  	[tilespmem:s10], [sflag:$0x2] =	stream.indirect_vreg.gather [hbm4b:s3+s2], $0x80, v3, vm0, $0xb8;
	[tilespmem:$0x10200] =	vst v63  }
0xb5: {  	s23 =	simm.s32 $0xAA00  }
0xb6: {  	[tilespmem:s23], [sflag:$0x2] =	stream.indirect_vreg.gather [hbm4b:s5+s2], $0x80, v3, vm0, $0xb8;
	[tilespmem:$0x10200] =	vst v63  }
0xb7: {  	s10 =	simm.s32 $0xB200  }
0xb8: {  	[tilespmem:s10], [sflag:$0x2] =	stream.indirect_vreg.gather [hbm4b:s6+s2], $0x80, v3, vm0, $0xb8;
	[tilespmem:$0x10200] =	vst v63  }
0xb9: {  	s23 =	simm.s32 $0xBA00  }
0xba: {  	[tilespmem:s23], [sflag:$0x2] =	stream.indirect_vreg.gather [hbm4b:s7+s2], $0x80, v3, vm0, $0xb8;
	[tilespmem:$0x10200] =	vst v63  }
0xbb: {  	v3 =	vld [tilespmem:$0x190];
	_ =	sdelay $0x4  }
0xbc: {  	v63 =	vshll.u32 v3, $0x3  }
0xbd: {  	v3 =	vand.u32 $0x7, v3;
	v4 =	vand.u32 $0xFFFFFFC0, v63  }
0xbe: {  	v3 =	vor.u32 v3, v4  }
0xbf: {  	v4 =	vperm.xlane v3, v0;
	_ =	sdelay $0x1  }
0xc0: {  	v4 =	vadd.s32 v1, v4;
	_ =	sdelay $0x3  }
0xc1: {  	s10 =	simm.s32 $0xC200  }
0xc2: {  	[tilespmem:s10], [sflag:$0x2] =	stream.indirect_vreg.gather [hbm4b:s3+s2], $0x80, v4, vm0, $0xb8;
	[tilespmem:$0x10200] =	vst v63  }
0xc3: {  	s23 =	simm.s32 $0xCA00;
	v3 =	vperm.xlane v3, v2  }
0xc4: {  	[tilespmem:s23], [sflag:$0x2] =	stream.indirect_vreg.gather [hbm4b:s5+s2], $0x80, v4, vm0, $0xb8;
	[tilespmem:$0x10200] =	vst v63  }
0xc5: {  	v3 =	vadd.s32 v1, v3;
	s10 =	simm.s32 $0xD200  }
0xc6: {  	[tilespmem:s10], [sflag:$0x2] =	stream.indirect_vreg.gather [hbm4b:s6+s2], $0x80, v4, vm0, $0xb8;
	[tilespmem:$0x10200] =	vst v63  }
0xc7: {  	s23 =	simm.s32 $0xDA00  }
0xc8: {  	[tilespmem:s23], [sflag:$0x2] =	stream.indirect_vreg.gather [hbm4b:s7+s2], $0x80, v4, vm0, $0xb8;
	[tilespmem:$0x10200] =	vst v63  }
0xc9: {  	s10 =	simm.s32 $0xE200  }
0xca: {  	[tilespmem:s10], [sflag:$0x2] =	stream.indirect_vreg.gather [hbm4b:s3+s2], $0x80, v3, vm0, $0xb8;
	[tilespmem:$0x10200] =	vst v63  }
0xcb: {  	s23 =	simm.s32 $0xEA00  }
0xcc: {  	[tilespmem:s23], [sflag:$0x2] =	stream.indirect_vreg.gather [hbm4b:s5+s2], $0x80, v3, vm0, $0xb8;
	[tilespmem:$0x10200] =	vst v63  }
0xcd: {  	s10 =	simm.s32 $0xF200  }
0xce: {  	[tilespmem:s10], [sflag:$0x2] =	stream.indirect_vreg.gather [hbm4b:s6+s2], $0x80, v3, vm0, $0xb8;
	[tilespmem:$0x10200] =	vst v63  }
0xcf: {  	s23 =	simm.s32 $0xFA00  }
0xd0: {  	[tilespmem:s23], [sflag:$0x2] =	stream.indirect_vreg.gather [hbm4b:s7+s2], $0x80, v3, vm0, $0xb8;
	[tilespmem:$0x10200] =	vst v63  }
0xd1: {  	_ =	swait.ge [sflag:s9], $0x8000  }
0xd2: {  	[sflag:s9] =	ssyncset.done $0x0  }
0xd3: {  	s0 =	rddreg [dreg:$0x5];
	[sflag:s9] =	ssyncadd.s32 $0xFFFF8000  }
0xd4: {  	[hbm4b:s0+s2] =	stream.linear.scatter [tilespmem:s26], [sflag:$0x3], $0x8000, $0x38;
	[tilespmem:$0x10200] =	vst v63  }
0xd5: {  	_ =	swait.ge [sflag:s4], $0x8000  }
0xd6: {  	[sflag:s4] =	ssyncset.done $0x0  }
0xd7: {  	s10 =	rddreg [dreg:$0x6];
	[sflag:s4] =	ssyncadd.s32 $0xFFFF8000  }
0xd8: {  	[hbm4b:s10+s2] =	stream.linear.scatter [tilespmem:s20], [sflag:$0x4], $0x8000, $0x38;
	[tilespmem:$0x10200] =	vst v63  }
0xd9: {  	p0 =	sne.s32 s8, $0x1;
	_ =	swait.ge [sflag:s21], $0x8000  }
.Ltmp0:
0xda: {  	[sflag:s21] =	ssyncset.done $0x0;
	(pc) =	sbr.rel @p0 .LBB2_1-.Ltmp0, $4  }
0xdb: {  	[sflag:s21] =	ssyncadd.s32 $0xFFFF8000  }
0xdc: {  	_ =	swait.ge [sflag:s22], $0x8000  }
0xdd: {  	[sflag:s22] =	ssyncset.done $0x0  }
0xde: {  	s8 =	sadd.s32 $0xFFFFFFFF, s8;
	[sflag:s22] =	ssyncadd.s32 $0xFFFF8000  }
0xdf: {  	_ =	sfence.sel $0x180000  }
0xe0: {  	[bflag:$0x0] =	sbarrier.arrive $0xFFFF  }
0xe1: {  	_ =	strace $0x9000004A  }
0xe2: {  	s0 =	stileid.u32;
	[bflag:$0x2] =	sbarrier.arrive $0xFFFF  }
0xe3: {  	p0 =	sne.s32 s0, $0x0;
	s0 =	rddreg [dreg:$0x2]  }
0xe4: {  	s0 =	sadd.s32 @!p0 $0x100000, s0  }
0xe5: {  	[sflag:s0] =	ssyncadd.tile.s32 @!p0 $0x1;
	_ =	shalt  }
.Lfunc_end2:
_tile_overlayer_lowered:
.L_overlay_start_2:
0xe6: {  	(tag) =	ssettag $0x2  }
0xe7: {  	s0 =	rddreg [dreg:$0x0];
	s2 =	stileid.u32  }
0xe8: {  	s1 =	rddreg [dreg:$0x1];
	p0 =	sne.s32 s2, $0x0  }
0xe9: {  	s3 =	rddreg [dreg:$0x2];
	[bflag:$0x3] =	sbarrier.arrive $0xFFFF;
	s2 =	simm.s32 @!p0 $0x1C05  }
0xea: {  	[timem:s3], [sflag:s2] =	dma.local @!p0 [hbm:s0], s1  }
0xeb: {  	s0 =	simm.s32 @!p0 $0x5  }
0xec: {  	_ =	swait.ge @!p0 [sflag:s0], s1  }
0xed: {  	s1 =	ssub.s32 @!p0 $0x0, s1;
	[sflag:s0] =	ssyncset.done @!p0 $0x0  }
0xee: {  	[sflag:s0] =	ssyncadd.s32 @!p0 s1  }
0xef: {  	[bflag:$0x3] =	sbarrier.arrive $0xFFFF  }
0xf0: {  	_ =	shalt  }

</sc_bundles>
